<compile_context>
chip_gen: v7x
topology: tpu7x:2x2x1
jax: 0.10.2.dev20260603
libtpu: 0.0.44.dev20260713+nightly
codegen_flags: <defaults>
</compile_context>

<pallas_src>
import functools

import jax
import jax.numpy as jnp
from jax import lax
from jax.experimental import pallas as pl
from jax.experimental.pallas import tpu as pltpu
from jax.experimental.pallas import tpu_sc as plsc

NC = 2
NS = 16
NW = NC * NS
NSEG = 4
D = 128


def _mesh():
    return plsc.VectorSubcoreMesh(
        core_axis_name="c", subcore_axis_name="s",
        num_cores=NC, num_subcores=NS)


def _segments(total, nseg):
    bounds = [((total * i // nseg) // 8) * 8 for i in range(nseg + 1)]
    bounds[-1] = total
    return [(bounds[i], bounds[i + 1] - bounds[i]) for i in range(nseg)]


def _make_deg(nrows, ept, nseg=NSEG):
    rpt = nrows // NS
    segs = _segments(ept, nseg)
    seg_max = max(sz for _, sz in segs)

    def body(dsts, zeros, ones, out, idxd, buf, accum, ssem):
        c = lax.axis_index("c")
        s = lax.axis_index("s")
        wid = s * NC + c
        pltpu.sync_copy(dsts.at[wid], idxd)
        pltpu.sync_copy(ones, buf)
        pltpu.sync_copy(zeros.at[pl.ds(s * rpt, rpt)],
                        accum.at[pl.ds(s * rpt, rpt)])
        plsc.subcore_barrier()
        descs = [
            pltpu.async_copy(buf.at[pl.ds(0, sz)],
                             accum.at[idxd.at[pl.ds(a, sz)]],
                             ssem, add=True)
            for a, sz in segs
        ]
        for d in descs:
            d.wait()
        plsc.subcore_barrier()
        pltpu.sync_copy(accum.at[pl.ds(s * rpt, rpt)],
                        out.at[c, pl.ds(s * rpt, rpt)])

    return pl.kernel(
        body,
        out_type=jax.ShapeDtypeStruct((NC, nrows, 16), jnp.float32),
        mesh=_mesh(),
        compiler_params=pltpu.CompilerParams(use_tc_tiling_on_sc=False),
        scratch_types=[
            pltpu.VMEM((ept,), jnp.int32),
            pltpu.VMEM((seg_max, 16), jnp.float32),
            pltpu.VMEM_SHARED((nrows, 16), jnp.float32),
            pltpu.SemaphoreType.DMA,
        ],
    )


def _make_agg(nrows, ept, f, nseg=NSEG):
    rpt = nrows // NS
    segs = _segments(ept, nseg)
    seg_max = max(sz for _, sz in segs)

    def body(srcs, dsts, g, zeros, out, idxs, idxd, buf0, buf1, accum,
             gsem, ssem):
        c = lax.axis_index("c")
        s = lax.axis_index("s")
        wid = s * NC + c
        bufs = [buf0, buf1]
        pltpu.sync_copy(srcs.at[wid], idxs)
        pltpu.sync_copy(dsts.at[wid], idxd)

        def gather(i):
            a, sz = segs[i]
            return pltpu.async_copy(
                g.at[idxs.at[pl.ds(a, sz)]],
                bufs[i % 2].at[pl.ds(0, sz)], gsem)

        def scatter(i):
            a, sz = segs[i]
            return pltpu.async_copy(
                bufs[i % 2].at[pl.ds(0, sz)],
                accum.at[idxd.at[pl.ds(a, sz)]],
                ssem, add=True)

        gd = gather(0)
        pltpu.sync_copy(zeros.at[pl.ds(s * rpt, rpt)],
                        accum.at[pl.ds(s * rpt, rpt)])
        plsc.subcore_barrier()

        sds = [None] * nseg
        for i in range(nseg):
            gd.wait()
            sds[i] = scatter(i)
            if i + 1 < nseg:
                if i >= 1:
                    sds[i - 1].wait()
                gd = gather(i + 1)
        for i in range(max(0, nseg - 2), nseg):
            sds[i].wait()

        plsc.subcore_barrier()
        pltpu.sync_copy(accum.at[pl.ds(s * rpt, rpt)],
                        out.at[c, pl.ds(s * rpt, rpt)])

    return pl.kernel(
        body,
        out_type=jax.ShapeDtypeStruct((NC, nrows, f), jnp.float32),
        mesh=_mesh(),
        compiler_params=pltpu.CompilerParams(use_tc_tiling_on_sc=False),
        scratch_types=[
            pltpu.VMEM((ept,), jnp.int32),
            pltpu.VMEM((ept,), jnp.int32),
            pltpu.VMEM((seg_max, f), jnp.float32),
            pltpu.VMEM((seg_max, f), jnp.float32),
            pltpu.VMEM_SHARED((nrows, f), jnp.float32),
            pltpu.SemaphoreType.DMA,
            pltpu.SemaphoreType.DMA,
        ],
    )


def _tc_a(n, br, deg_ref, x_ref, w1_ref, g1_ref, dinv_ref):
    i = pl.program_id(0)
    dp = deg_ref[...]
    deg = dp[0] + dp[1] + 1.0
    rows = i * br + lax.broadcasted_iota(jnp.int32, (br, 16), 0)
    dinv = jnp.where(rows < n, lax.rsqrt(deg), 0.0)
    xw = jnp.dot(x_ref[...], w1_ref[...], preferred_element_type=jnp.float32)
    g1_ref[...] = xw * dinv
    dinv_ref[...] = dinv


def _tc_b(s1_ref, g1_ref, dinv_ref, b1_ref, w2_ref, g2_ref):
    sp = s1_ref[...]
    dinv = dinv_ref[...]
    h1 = jnp.maximum((sp[0] + sp[1] + g1_ref[...]) * dinv + b1_ref[...], 0.0)
    g2_ref[...] = jnp.dot(h1, w2_ref[...],
                          preferred_element_type=jnp.float32) * dinv


def _tc_c(s2_ref, g2_ref, dinv_ref, b2_ref, w3_ref, h2_ref, g3_ref):
    sp = s2_ref[...]
    dinv = dinv_ref[...]
    hraw = (sp[0] + sp[1] + g2_ref[...]) * dinv + b2_ref[...]
    nrm = jnp.sqrt(jnp.sum(hraw * hraw, axis=1, keepdims=True))
    h2 = hraw / jnp.maximum(nrm, 1e-12)
    h2_ref[...] = h2
    g3_ref[...] = jnp.dot(h2, w3_ref[...],
                          preferred_element_type=jnp.float32) * dinv


def _tc_d(n, br, nb, s3_ref, g3_ref, dinv_ref, b3_ref, wp_ref, bp_ref,
          wl_ref, bl_ref, ls_ref, hp_ref, acc_ref):
    i = pl.program_id(0)
    sp = s3_ref[...]
    dinv = dinv_ref[...]
    h3 = (sp[0] + sp[1] + g3_ref[...]) * dinv + b3_ref[...]
    hp = jnp.dot(h3, wp_ref[...], preferred_element_type=jnp.float32) \
        + bp_ref[...]
    hp_ref[...] = hp
    rows = i * br + lax.broadcasted_iota(jnp.int32, (br, 16), 0)
    part = jnp.sum(jnp.where(rows < n, hp, 0.0), axis=0, keepdims=True)

    @pl.when(i == 0)
    def _():
        acc_ref[...] = part

    @pl.when(i > 0)
    def _():
        acc_ref[...] += part

    @pl.when(i == nb - 1)
    def _():
        pooled = acc_ref[...] * (1.0 / n)
        logits = jnp.dot(pooled, wl_ref[...],
                         preferred_element_type=jnp.float32) + bl_ref[...]
        m = jnp.max(logits, axis=1, keepdims=True)
        e2 = logits - m
        ls_ref[...] = e2 - jnp.log(jnp.sum(jnp.exp(e2), axis=1, keepdims=True))


def kernel(x, edge_index, W1, b1, W2, b2, W3, b3, Wp, bp, Wl, bl):
    f32 = jnp.float32
    n = x.shape[0]
    e = edge_index.shape[1]
    nrows = ((n + 1 + 127) // 128) * 128
    br = nrows // 2
    nb = nrows // br
    align = NW * 8
    epad = ((e + align - 1) // align) * align
    ept = epad // NW
    seg_max = max(sz for _, sz in _segments(ept, NSEG))

    ei = edge_index.astype(jnp.int32)
    if epad != e:
        ei = jnp.concatenate(
            [ei, jnp.full((2, epad - e), n, jnp.int32)], axis=1)
    src_p = ei[0].reshape(NW, ept)
    dst_p = ei[1].reshape(NW, ept)

    x_p = jnp.zeros((nrows, D), f32).at[:n].set(x)
    w2p = jnp.zeros((16, 16), f32).at[:, :3].set(W2)
    w3p = jnp.zeros((16, 16), f32).at[:3, :3].set(W3)
    wpp = jnp.zeros((16, 16), f32).at[:3, :3].set(Wp)
    wlp = jnp.zeros((16, Wl.shape[1]), f32).at[:3].set(Wl)
    b1r = b1.reshape(1, 16)
    b2p = jnp.zeros((1, 16), f32).at[0, :3].set(b2)
    b3p = jnp.zeros((1, 16), f32).at[0, :3].set(b3)
    bpp = jnp.zeros((1, 16), f32).at[0, :3].set(bp)
    blr = bl.reshape(1, -1)

    z16 = jnp.zeros((nrows, 16), f32)
    ones = jnp.ones((seg_max, 16), f32)

    row2 = lambda i: (0, i, 0)
    row = lambda i: (i, 0)
    fixed = lambda i: (0, 0)
    sp2 = pl.BlockSpec((2, br, 16), row2)
    spg = pl.BlockSpec((br, 16), row)

    degp = _make_deg(nrows, ept)(dst_p, z16, ones)

    g1, dinv = pl.pallas_call(
        functools.partial(_tc_a, n, br),
        grid=(nb,),
        in_specs=[sp2, pl.BlockSpec((br, D), row),
                  pl.BlockSpec((D, 16), fixed)],
        out_specs=[spg, spg],
        out_shape=[jax.ShapeDtypeStruct((nrows, 16), f32),
                   jax.ShapeDtypeStruct((nrows, 16), f32)],
    )(degp, x_p, W1)

    s1 = _make_agg(nrows, ept, 16)(src_p, dst_p, g1, z16)

    g2 = pl.pallas_call(
        _tc_b,
        grid=(nb,),
        in_specs=[sp2, spg, spg, pl.BlockSpec((1, 16), fixed),
                  pl.BlockSpec((16, 16), fixed)],
        out_specs=spg,
        out_shape=jax.ShapeDtypeStruct((nrows, 16), f32),
    )(s1, g1, dinv, b1r, w2p)

    s2 = _make_agg(nrows, ept, 16)(src_p, dst_p, g2, z16)

    h2, g3 = pl.pallas_call(
        _tc_c,
        grid=(nb,),
        in_specs=[sp2, spg, spg, pl.BlockSpec((1, 16), fixed),
                  pl.BlockSpec((16, 16), fixed)],
        out_specs=[spg, spg],
        out_shape=[jax.ShapeDtypeStruct((nrows, 16), f32),
                   jax.ShapeDtypeStruct((nrows, 16), f32)],
    )(s2, g2, dinv, b2p, w3p)

    s3 = _make_agg(nrows, ept, 16)(src_p, dst_p, g3, z16)

    ls, hp = pl.pallas_call(
        functools.partial(_tc_d, n, br, nb),
        grid=(nb,),
        in_specs=[sp2, spg, spg, pl.BlockSpec((1, 16), fixed),
                  pl.BlockSpec((16, 16), fixed),
                  pl.BlockSpec((1, 16), fixed),
                  pl.BlockSpec((16, Wl.shape[1]), fixed),
                  pl.BlockSpec((1, Wl.shape[1]), fixed)],
        out_specs=[pl.BlockSpec((1, Wl.shape[1]), fixed), spg],
        out_shape=[jax.ShapeDtypeStruct((1, Wl.shape[1]), f32),
                   jax.ShapeDtypeStruct((nrows, 16), f32)],
        scratch_shapes=[pltpu.VMEM((1, 16), f32)],
    )(s3, g3, dinv, b3p, wpp, bpp, wlp, blr)

    return (ls, (hp[:n, :3], h2[:n, :3]))

# --- scband reference (transcript-rebuilt; emitter-appended) ---
"""Pipeline reference for scband-knot-gcn-16862041604128 (READ-ONLY COPY).

The authoritative reference and input builder live on the scoring server;
editing this copy changes nothing except your own understanding.
"""

import jax, jax.numpy as jnp
import numpy as np

N = 10000
E = 320000
D = 128
NUM_CLASSES = 10


def gcn_conv(x, edge_index, W, b):
    # PyG GCNConv: add self-loops, symmetric normalization D^-1/2 (A+I) D^-1/2, then X W + b
    n = x.shape[0]
    loop = jnp.arange(n, dtype=edge_index.dtype)
    src = jnp.concatenate([edge_index[0], loop])
    dst = jnp.concatenate([edge_index[1], loop])
    deg = jnp.zeros((n,), x.dtype).at[dst].add(1.0)
    dinv = jnp.where(deg > 0, jax.lax.rsqrt(deg), 0.0)
    norm = dinv[src] * dinv[dst]
    h = x @ W
    msg = h[src] * norm[:, None]
    out = jnp.zeros((n, W.shape[1]), x.dtype).at[dst].add(msg)
    return out + b


def l2_normalize(x, eps=1e-12):
    nrm = jnp.linalg.norm(x, axis=1, keepdims=True)
    return x / jnp.maximum(nrm, eps)


def setup_inputs(seed: int = 0):
    key = jax.random.key(seed)
    ks = jax.random.split(key, 12)
    x = jax.random.normal(ks[0], (N, D), dtype=jnp.float32)
    edge_index = jax.random.randint(ks[1], (2, E), 0, N, dtype=jnp.int32).astype(jnp.int64)
    W1 = jax.random.normal(ks[2], (D, 16), dtype=jnp.float32) * 0.05
    b1 = jnp.zeros((16,), jnp.float32)
    W2 = jax.random.normal(ks[3], (16, 3), dtype=jnp.float32) * 0.2
    b2 = jnp.zeros((3,), jnp.float32)
    W3 = jax.random.normal(ks[4], (3, 3), dtype=jnp.float32) * 0.5
    b3 = jnp.zeros((3,), jnp.float32)
    Wp = jax.random.normal(ks[5], (3, 3), dtype=jnp.float32) * 0.5
    bp = jnp.zeros((3,), jnp.float32)
    Wl = jax.random.normal(ks[6], (3, NUM_CLASSES), dtype=jnp.float32) * 0.5
    bl = jnp.zeros((NUM_CLASSES,), jnp.float32)
    return {"x": x, "edge_index": edge_index, "W1": W1, "b1": b1, "W2": W2, "b2": b2,
            "W3": W3, "b3": b3, "Wp": Wp, "bp": bp, "Wl": Wl, "bl": bl}


def reference(x, edge_index, W1, b1, W2, b2, W3, b3, Wp, bp, Wl, bl):
    h = gcn_conv(x, edge_index, W1, b1)
    h = jax.nn.relu(h)
    h = gcn_conv(h, edge_index, W2, b2)
    h = l2_normalize(h)
    embed_1 = jax.lax.stop_gradient(h)  # x.clone().detach()
    h = gcn_conv(h, edge_index, W3, b3)
    h = h @ Wp + bp
    pooled = jnp.mean(h, axis=0, keepdims=True)  # global_mean_pool(batch=None) -> [1, 3]
    logits = pooled @ Wl + bl
    return (jax.nn.log_softmax(logits, axis=1), (h, embed_1))

if __name__ == "__main__":
    import jax
    _d = setup_inputs()
    print(jax.jit(kernel)(*tuple(_d.values())))

</pallas_src>

<mosaic_0001>
#map = affine_map<(d0, d1) -> (0, 0)>
#map1 = affine_map<(d0, d1) -> (0, 0, 0)>
module attributes {stable_mosaic.version = 14 : i64} {
  func.func @body(%arg0: i32, %arg1: i32, %arg2: memref<32x10000xi32, #tpu.memory_space<hbm>>, %arg3: memref<10112x16xf32, #tpu.memory_space<hbm>>, %arg4: memref<2504x16xf32, #tpu.memory_space<hbm>>, %arg5: memref<2x10112x16xf32, #tpu.memory_space<hbm>>, %arg6: memref<10000xi32, #tpu.memory_space<vmem>>, %arg7: memref<2504x16xf32, #tpu.memory_space<vmem>>, %arg8: memref<10112x16xf32, #tpu.memory_space<vmem_shared>>, %arg9: memref<!tpu.dma_semaphore, #tpu.memory_space<semaphore_mem>>) attributes {dimension_semantics = [#tpu.dimension_semantics<core_parallel>, #tpu.dimension_semantics<subcore_parallel>], iteration_bounds = array<i64: 2, 16>, scalar_prefetch = 0 : i64, scratch_operands = 4 : i64, tpu.core_type = #tpu.core_type<sc_vector_subcore>, window_params = [{transform_indices = #map}, {transform_indices = #map}, {transform_indices = #map}, {transform_indices = #map1}]} {
    %mul3A = arith.constant 2 : i32
    %mul3A_0 = arith.muli %arg1, %mul3A : i32
    %add3A = arith.addi %mul3A_0, %arg0 : i32
    "tpu.region"() ({
      %run_scoped3A = tpu.sem_alloc : memref<!tpu.dma_semaphore, #tpu.memory_space<semaphore_mem>>
      %dma_start3A_72 = arith.constant 0 : i32
      %dma_start3A_73 = tpu.memref_slice %arg2[%add3A, %dma_start3A_72] : memref<32x10000xi32, #tpu.memory_space<hbm>> -> memref<1x10000xi32, #tpu.memory_space<hbm>>
      %dma_start3A_74 = tpu.memref_squeeze %dma_start3A_73 : memref<1x10000xi32, #tpu.memory_space<hbm>> -> memref<10000xi32, #tpu.memory_space<hbm>>
      %dma_start3A_75 = arith.constant 0 : i32
      %dma_start3A_76 = tpu.memref_slice %arg2[%add3A, %dma_start3A_75] : memref<32x10000xi32, #tpu.memory_space<hbm>> -> memref<1x10000xi32, #tpu.memory_space<hbm>>
      %dma_start3A_77 = tpu.memref_squeeze %dma_start3A_76 : memref<1x10000xi32, #tpu.memory_space<hbm>> -> memref<10000xi32, #tpu.memory_space<hbm>>
      tpu.enqueue_dma source(%dma_start3A_77 : memref<10000xi32, #tpu.memory_space<hbm>>) target(%arg6 : memref<10000xi32, #tpu.memory_space<vmem>>) target_semaphore(%run_scoped3A : memref<!tpu.dma_semaphore, #tpu.memory_space<semaphore_mem>>)
      %dma_wait3A_78 = arith.constant 0 : i32
      %dma_wait3A_79 = tpu.memref_slice %arg2[%add3A, %dma_wait3A_78] : memref<32x10000xi32, #tpu.memory_space<hbm>> -> memref<1x10000xi32, #tpu.memory_space<hbm>>
      %dma_wait3A_80 = tpu.memref_squeeze %dma_wait3A_79 : memref<1x10000xi32, #tpu.memory_space<hbm>> -> memref<10000xi32, #tpu.memory_space<hbm>>
      %dma_wait3A_81 = arith.constant 0 : i32
      %dma_wait3A_82 = tpu.memref_slice %arg2[%add3A, %dma_wait3A_81] : memref<32x10000xi32, #tpu.memory_space<hbm>> -> memref<1x10000xi32, #tpu.memory_space<hbm>>
      %dma_wait3A_83 = tpu.memref_squeeze %dma_wait3A_82 : memref<1x10000xi32, #tpu.memory_space<hbm>> -> memref<10000xi32, #tpu.memory_space<hbm>>
      tpu.wait_dma2 semaphore(%run_scoped3A : memref<!tpu.dma_semaphore, #tpu.memory_space<semaphore_mem>>) src(%dma_wait3A_83 : memref<10000xi32, #tpu.memory_space<hbm>>) dst(%arg6 : memref<10000xi32, #tpu.memory_space<vmem>>)
      tpu.yield
    }) : () -> ()
    "tpu.region"() ({
      %run_scoped3A = tpu.sem_alloc : memref<!tpu.dma_semaphore, #tpu.memory_space<semaphore_mem>>
      tpu.enqueue_dma source(%arg4 : memref<2504x16xf32, #tpu.memory_space<hbm>>) target(%arg7 : memref<2504x16xf32, #tpu.memory_space<vmem>>) target_semaphore(%run_scoped3A : memref<!tpu.dma_semaphore, #tpu.memory_space<semaphore_mem>>)
      tpu.wait_dma2 semaphore(%run_scoped3A : memref<!tpu.dma_semaphore, #tpu.memory_space<semaphore_mem>>) src(%arg4 : memref<2504x16xf32, #tpu.memory_space<hbm>>) dst(%arg7 : memref<2504x16xf32, #tpu.memory_space<vmem>>)
      tpu.yield
    }) : () -> ()
    %mul3A_1 = arith.constant 632 : i32
    %mul3A_2 = arith.muli %arg1, %mul3A_1 : i32
    %mul3A_3 = arith.constant 632 : i32
    %mul3A_4 = arith.muli %arg1, %mul3A_3 : i32
    "tpu.region"() ({
      %run_scoped3A = tpu.sem_alloc : memref<!tpu.dma_semaphore, #tpu.memory_space<semaphore_mem>>
      %dma_start3A_72 = arith.constant 0 : i32
      %dma_start3A_73 = tpu.memref_slice %arg8[%mul3A_4, %dma_start3A_72] : memref<10112x16xf32, #tpu.memory_space<vmem_shared>> -> memref<632x16xf32, #tpu.memory_space<vmem_shared>>
      %dma_start3A_74 = arith.constant 0 : i32
      %dma_start3A_75 = tpu.memref_slice %arg3[%mul3A_2, %dma_start3A_74] : memref<10112x16xf32, #tpu.memory_space<hbm>> -> memref<632x16xf32, #tpu.memory_space<hbm>>
      tpu.enqueue_dma source(%dma_start3A_75 : memref<632x16xf32, #tpu.memory_space<hbm>>) target(%dma_start3A_73 : memref<632x16xf32, #tpu.memory_space<vmem_shared>>) target_semaphore(%run_scoped3A : memref<!tpu.dma_semaphore, #tpu.memory_space<semaphore_mem>>)
      %dma_wait3A_76 = arith.constant 0 : i32
      %dma_wait3A_77 = tpu.memref_slice %arg8[%mul3A_4, %dma_wait3A_76] : memref<10112x16xf32, #tpu.memory_space<vmem_shared>> -> memref<632x16xf32, #tpu.memory_space<vmem_shared>>
      %dma_wait3A_78 = arith.constant 0 : i32
      %dma_wait3A_79 = tpu.memref_slice %arg3[%mul3A_2, %dma_wait3A_78] : memref<10112x16xf32, #tpu.memory_space<hbm>> -> memref<632x16xf32, #tpu.memory_space<hbm>>
      tpu.wait_dma2 semaphore(%run_scoped3A : memref<!tpu.dma_semaphore, #tpu.memory_space<semaphore_mem>>) src(%dma_wait3A_79 : memref<632x16xf32, #tpu.memory_space<hbm>>) dst(%dma_wait3A_77 : memref<632x16xf32, #tpu.memory_space<vmem_shared>>)
      tpu.yield
    }) : () -> ()
    %barrier3A = arith.constant 0 : index
    tpu.barrier barrier_id(%barrier3A)
    %dma_start3A = arith.constant 0 : i32
    %dma_start3A_5 = arith.constant 0 : i32
    %dma_start3A_6 = tpu.memref_slice %arg7[%dma_start3A, %dma_start3A_5] : memref<2504x16xf32, #tpu.memory_space<vmem>> -> memref<2496x16xf32, #tpu.memory_space<vmem>>
    %dma_start3A_7 = arith.constant 0 : i32
    %dma_start3A_8 = tpu.memref_slice %arg6[%dma_start3A_7] : memref<10000xi32, #tpu.memory_space<vmem>> -> memref<2496xi32, #tpu.memory_space<vmem>>
    %dma_start3A_9 = arith.constant 0 : i32
    %dma_start3A_10 = arith.constant 0 : i32
    %dma_start3A_11 = tpu.memref_slice %arg8[%dma_start3A_9, %dma_start3A_10] : memref<10112x16xf32, #tpu.memory_space<vmem_shared>> -> memref<10112x16xf32, #tpu.memory_space<vmem_shared>>
    tpu.enqueue_indirect_dma source(%dma_start3A_6 : memref<2496x16xf32, #tpu.memory_space<vmem>>) target(%dma_start3A_11 : memref<10112x16xf32, #tpu.memory_space<vmem_shared>>) offsets(%dma_start3A_8 : memref<2496xi32, #tpu.memory_space<vmem>>) semaphore(%arg9 : memref<!tpu.dma_semaphore, #tpu.memory_space<semaphore_mem>>) {add = true}
    %dma_start3A_12 = arith.constant 0 : i32
    %dma_start3A_13 = arith.constant 0 : i32
    %dma_start3A_14 = tpu.memref_slice %arg7[%dma_start3A_12, %dma_start3A_13] : memref<2504x16xf32, #tpu.memory_space<vmem>> -> memref<2504x16xf32, #tpu.memory_space<vmem>>
    %dma_start3A_15 = arith.constant 2496 : i32
    %dma_start3A_16 = tpu.memref_slice %arg6[%dma_start3A_15] : memref<10000xi32, #tpu.memory_space<vmem>> -> memref<2504xi32, #tpu.memory_space<vmem>>
    %dma_start3A_17 = arith.constant 0 : i32
    %dma_start3A_18 = arith.constant 0 : i32
    %dma_start3A_19 = tpu.memref_slice %arg8[%dma_start3A_17, %dma_start3A_18] : memref<10112x16xf32, #tpu.memory_space<vmem_shared>> -> memref<10112x16xf32, #tpu.memory_space<vmem_shared>>
    tpu.enqueue_indirect_dma source(%dma_start3A_14 : memref<2504x16xf32, #tpu.memory_space<vmem>>) target(%dma_start3A_19 : memref<10112x16xf32, #tpu.memory_space<vmem_shared>>) offsets(%dma_start3A_16 : memref<2504xi32, #tpu.memory_space<vmem>>) semaphore(%arg9 : memref<!tpu.dma_semaphore, #tpu.memory_space<semaphore_mem>>) {add = true}
    %dma_start3A_20 = arith.constant 0 : i32
    %dma_start3A_21 = arith.constant 0 : i32
    %dma_start3A_22 = tpu.memref_slice %arg7[%dma_start3A_20, %dma_start3A_21] : memref<2504x16xf32, #tpu.memory_space<vmem>> -> memref<2496x16xf32, #tpu.memory_space<vmem>>
    %dma_start3A_23 = arith.constant 5000 : i32
    %dma_start3A_24 = tpu.memref_slice %arg6[%dma_start3A_23] : memref<10000xi32, #tpu.memory_space<vmem>> -> memref<2496xi32, #tpu.memory_space<vmem>>
    %dma_start3A_25 = arith.constant 0 : i32
    %dma_start3A_26 = arith.constant 0 : i32
    %dma_start3A_27 = tpu.memref_slice %arg8[%dma_start3A_25, %dma_start3A_26] : memref<10112x16xf32, #tpu.memory_space<vmem_shared>> -> memref<10112x16xf32, #tpu.memory_space<vmem_shared>>
    tpu.enqueue_indirect_dma source(%dma_start3A_22 : memref<2496x16xf32, #tpu.memory_space<vmem>>) target(%dma_start3A_27 : memref<10112x16xf32, #tpu.memory_space<vmem_shared>>) offsets(%dma_start3A_24 : memref<2496xi32, #tpu.memory_space<vmem>>) semaphore(%arg9 : memref<!tpu.dma_semaphore, #tpu.memory_space<semaphore_mem>>) {add = true}
    %dma_start3A_28 = arith.constant 0 : i32
    %dma_start3A_29 = arith.constant 0 : i32
    %dma_start3A_30 = tpu.memref_slice %arg7[%dma_start3A_28, %dma_start3A_29] : memref<2504x16xf32, #tpu.memory_space<vmem>> -> memref<2504x16xf32, #tpu.memory_space<vmem>>
    %dma_start3A_31 = arith.constant 7496 : i32
    %dma_start3A_32 = tpu.memref_slice %arg6[%dma_start3A_31] : memref<10000xi32, #tpu.memory_space<vmem>> -> memref<2504xi32, #tpu.memory_space<vmem>>
    %dma_start3A_33 = arith.constant 0 : i32
    %dma_start3A_34 = arith.constant 0 : i32
    %dma_start3A_35 = tpu.memref_slice %arg8[%dma_start3A_33, %dma_start3A_34] : memref<10112x16xf32, #tpu.memory_space<vmem_shared>> -> memref<10112x16xf32, #tpu.memory_space<vmem_shared>>
    tpu.enqueue_indirect_dma source(%dma_start3A_30 : memref<2504x16xf32, #tpu.memory_space<vmem>>) target(%dma_start3A_35 : memref<10112x16xf32, #tpu.memory_space<vmem_shared>>) offsets(%dma_start3A_32 : memref<2504xi32, #tpu.memory_space<vmem>>) semaphore(%arg9 : memref<!tpu.dma_semaphore, #tpu.memory_space<semaphore_mem>>) {add = true}
    %dma_wait3A = arith.constant 0 : i32
    %dma_wait3A_36 = arith.constant 0 : i32
    %dma_wait3A_37 = tpu.memref_slice %arg7[%dma_wait3A, %dma_wait3A_36] : memref<2504x16xf32, #tpu.memory_space<vmem>> -> memref<2496x16xf32, #tpu.memory_space<vmem>>
    %dma_wait3A_38 = arith.constant 0 : i32
    %dma_wait3A_39 = tpu.memref_slice %arg6[%dma_wait3A_38] : memref<10000xi32, #tpu.memory_space<vmem>> -> memref<2496xi32, #tpu.memory_space<vmem>>
    %dma_wait3A_40 = arith.constant 0 : i32
    %dma_wait3A_41 = arith.constant 0 : i32
    %dma_wait3A_42 = tpu.memref_slice %arg8[%dma_wait3A_40, %dma_wait3A_41] : memref<10112x16xf32, #tpu.memory_space<vmem_shared>> -> memref<10112x16xf32, #tpu.memory_space<vmem_shared>>
    tpu.wait_indirect_dma semaphore(%arg9 : memref<!tpu.dma_semaphore, #tpu.memory_space<semaphore_mem>>) src(%dma_wait3A_37 : memref<2496x16xf32, #tpu.memory_space<vmem>>) dst(%dma_wait3A_42 : memref<10112x16xf32, #tpu.memory_space<vmem_shared>>)
    %dma_wait3A_43 = arith.constant 0 : i32
    %dma_wait3A_44 = arith.constant 0 : i32
    %dma_wait3A_45 = tpu.memref_slice %arg7[%dma_wait3A_43, %dma_wait3A_44] : memref<2504x16xf32, #tpu.memory_space<vmem>> -> memref<2504x16xf32, #tpu.memory_space<vmem>>
    %dma_wait3A_46 = arith.constant 2496 : i32
    %dma_wait3A_47 = tpu.memref_slice %arg6[%dma_wait3A_46] : memref<10000xi32, #tpu.memory_space<vmem>> -> memref<2504xi32, #tpu.memory_space<vmem>>
    %dma_wait3A_48 = arith.constant 0 : i32
    %dma_wait3A_49 = arith.constant 0 : i32
    %dma_wait3A_50 = tpu.memref_slice %arg8[%dma_wait3A_48, %dma_wait3A_49] : memref<10112x16xf32, #tpu.memory_space<vmem_shared>> -> memref<10112x16xf32, #tpu.memory_space<vmem_shared>>
    tpu.wait_indirect_dma semaphore(%arg9 : memref<!tpu.dma_semaphore, #tpu.memory_space<semaphore_mem>>) src(%dma_wait3A_45 : memref<2504x16xf32, #tpu.memory_space<vmem>>) dst(%dma_wait3A_50 : memref<10112x16xf32, #tpu.memory_space<vmem_shared>>)
    %dma_wait3A_51 = arith.constant 0 : i32
    %dma_wait3A_52 = arith.constant 0 : i32
    %dma_wait3A_53 = tpu.memref_slice %arg7[%dma_wait3A_51, %dma_wait3A_52] : memref<2504x16xf32, #tpu.memory_space<vmem>> -> memref<2496x16xf32, #tpu.memory_space<vmem>>
    %dma_wait3A_54 = arith.constant 5000 : i32
    %dma_wait3A_55 = tpu.memref_slice %arg6[%dma_wait3A_54] : memref<10000xi32, #tpu.memory_space<vmem>> -> memref<2496xi32, #tpu.memory_space<vmem>>
    %dma_wait3A_56 = arith.constant 0 : i32
    %dma_wait3A_57 = arith.constant 0 : i32
    %dma_wait3A_58 = tpu.memref_slice %arg8[%dma_wait3A_56, %dma_wait3A_57] : memref<10112x16xf32, #tpu.memory_space<vmem_shared>> -> memref<10112x16xf32, #tpu.memory_space<vmem_shared>>
    tpu.wait_indirect_dma semaphore(%arg9 : memref<!tpu.dma_semaphore, #tpu.memory_space<semaphore_mem>>) src(%dma_wait3A_53 : memref<2496x16xf32, #tpu.memory_space<vmem>>) dst(%dma_wait3A_58 : memref<10112x16xf32, #tpu.memory_space<vmem_shared>>)
    %dma_wait3A_59 = arith.constant 0 : i32
    %dma_wait3A_60 = arith.constant 0 : i32
    %dma_wait3A_61 = tpu.memref_slice %arg7[%dma_wait3A_59, %dma_wait3A_60] : memref<2504x16xf32, #tpu.memory_space<vmem>> -> memref<2504x16xf32, #tpu.memory_space<vmem>>
    %dma_wait3A_62 = arith.constant 7496 : i32
    %dma_wait3A_63 = tpu.memref_slice %arg6[%dma_wait3A_62] : memref<10000xi32, #tpu.memory_space<vmem>> -> memref<2504xi32, #tpu.memory_space<vmem>>
    %dma_wait3A_64 = arith.constant 0 : i32
    %dma_wait3A_65 = arith.constant 0 : i32
    %dma_wait3A_66 = tpu.memref_slice %arg8[%dma_wait3A_64, %dma_wait3A_65] : memref<10112x16xf32, #tpu.memory_space<vmem_shared>> -> memref<10112x16xf32, #tpu.memory_space<vmem_shared>>
    tpu.wait_indirect_dma semaphore(%arg9 : memref<!tpu.dma_semaphore, #tpu.memory_space<semaphore_mem>>) src(%dma_wait3A_61 : memref<2504x16xf32, #tpu.memory_space<vmem>>) dst(%dma_wait3A_66 : memref<10112x16xf32, #tpu.memory_space<vmem_shared>>)
    %barrier3A_67 = arith.constant 0 : index
    tpu.barrier barrier_id(%barrier3A_67)
    %mul3A_68 = arith.constant 632 : i32
    %mul3A_69 = arith.muli %arg1, %mul3A_68 : i32
    %mul3A_70 = arith.constant 632 : i32
    %mul3A_71 = arith.muli %arg1, %mul3A_70 : i32
    "tpu.region"() ({
      %run_scoped3A = tpu.sem_alloc : memref<!tpu.dma_semaphore, #tpu.memory_space<semaphore_mem>>
      %dma_start3A_72 = arith.constant 0 : i32
      %dma_start3A_73 = tpu.memref_slice %arg5[%arg0, %mul3A_71, %dma_start3A_72] : memref<2x10112x16xf32, #tpu.memory_space<hbm>> -> memref<1x632x16xf32, #tpu.memory_space<hbm>>
      %dma_start3A_74 = tpu.memref_squeeze %dma_start3A_73 : memref<1x632x16xf32, #tpu.memory_space<hbm>> -> memref<632x16xf32, #tpu.memory_space<hbm>>
      %dma_start3A_75 = arith.constant 0 : i32
      %dma_start3A_76 = tpu.memref_slice %arg8[%mul3A_69, %dma_start3A_75] : memref<10112x16xf32, #tpu.memory_space<vmem_shared>> -> memref<632x16xf32, #tpu.memory_space<vmem_shared>>
      tpu.enqueue_dma source(%dma_start3A_76 : memref<632x16xf32, #tpu.memory_space<vmem_shared>>) target(%dma_start3A_74 : memref<632x16xf32, #tpu.memory_space<hbm>>) target_semaphore(%run_scoped3A : memref<!tpu.dma_semaphore, #tpu.memory_space<semaphore_mem>>)
      %dma_wait3A_77 = arith.constant 0 : i32
      %dma_wait3A_78 = tpu.memref_slice %arg5[%arg0, %mul3A_71, %dma_wait3A_77] : memref<2x10112x16xf32, #tpu.memory_space<hbm>> -> memref<1x632x16xf32, #tpu.memory_space<hbm>>
      %dma_wait3A_79 = tpu.memref_squeeze %dma_wait3A_78 : memref<1x632x16xf32, #tpu.memory_space<hbm>> -> memref<632x16xf32, #tpu.memory_space<hbm>>
      %dma_wait3A_80 = arith.constant 0 : i32
      %dma_wait3A_81 = tpu.memref_slice %arg8[%mul3A_69, %dma_wait3A_80] : memref<10112x16xf32, #tpu.memory_space<vmem_shared>> -> memref<632x16xf32, #tpu.memory_space<vmem_shared>>
      tpu.wait_dma2 semaphore(%run_scoped3A : memref<!tpu.dma_semaphore, #tpu.memory_space<semaphore_mem>>) src(%dma_wait3A_81 : memref<632x16xf32, #tpu.memory_space<vmem_shared>>) dst(%dma_wait3A_79 : memref<632x16xf32, #tpu.memory_space<hbm>>)
      tpu.yield
    }) : () -> ()
    return
  }
}

#map = affine_map<(d0, d1) -> (0, 0)>
#map1 = affine_map<(d0, d1) -> (0, 0, 0)>
module attributes {stable_mosaic.version = 14 : i64} {
  func.func @body(%arg0: i32, %arg1: i32, %arg2: memref<32x10000xi32, #tpu.memory_space<hbm>>, %arg3: memref<32x10000xi32, #tpu.memory_space<hbm>>, %arg4: memref<10112x16xf32, #tpu.memory_space<hbm>>, %arg5: memref<10112x16xf32, #tpu.memory_space<hbm>>, %arg6: memref<2x10112x16xf32, #tpu.memory_space<hbm>>, %arg7: memref<10000xi32, #tpu.memory_space<vmem>>, %arg8: memref<10000xi32, #tpu.memory_space<vmem>>, %arg9: memref<2504x16xf32, #tpu.memory_space<vmem>>, %arg10: memref<2504x16xf32, #tpu.memory_space<vmem>>, %arg11: memref<10112x16xf32, #tpu.memory_space<vmem_shared>>, %arg12: memref<!tpu.dma_semaphore, #tpu.memory_space<semaphore_mem>>, %arg13: memref<!tpu.dma_semaphore, #tpu.memory_space<semaphore_mem>>) attributes {dimension_semantics = [#tpu.dimension_semantics<core_parallel>, #tpu.dimension_semantics<subcore_parallel>], iteration_bounds = array<i64: 2, 16>, scalar_prefetch = 0 : i64, scratch_operands = 7 : i64, tpu.core_type = #tpu.core_type<sc_vector_subcore>, window_params = [{transform_indices = #map}, {transform_indices = #map}, {transform_indices = #map}, {transform_indices = #map}, {transform_indices = #map1}]} {
    %mul3A = arith.constant 2 : i32
    %mul3A_0 = arith.muli %arg1, %mul3A : i32
    %add3A = arith.addi %mul3A_0, %arg0 : i32
    "tpu.region"() ({
      %run_scoped3A = tpu.sem_alloc : memref<!tpu.dma_semaphore, #tpu.memory_space<semaphore_mem>>
      %dma_start3A_136 = arith.constant 0 : i32
      %dma_start3A_137 = tpu.memref_slice %arg2[%add3A, %dma_start3A_136] : memref<32x10000xi32, #tpu.memory_space<hbm>> -> memref<1x10000xi32, #tpu.memory_space<hbm>>
      %dma_start3A_138 = tpu.memref_squeeze %dma_start3A_137 : memref<1x10000xi32, #tpu.memory_space<hbm>> -> memref<10000xi32, #tpu.memory_space<hbm>>
      %dma_start3A_139 = arith.constant 0 : i32
      %dma_start3A_140 = tpu.memref_slice %arg2[%add3A, %dma_start3A_139] : memref<32x10000xi32, #tpu.memory_space<hbm>> -> memref<1x10000xi32, #tpu.memory_space<hbm>>
      %dma_start3A_141 = tpu.memref_squeeze %dma_start3A_140 : memref<1x10000xi32, #tpu.memory_space<hbm>> -> memref<10000xi32, #tpu.memory_space<hbm>>
      tpu.enqueue_dma source(%dma_start3A_141 : memref<10000xi32, #tpu.memory_space<hbm>>) target(%arg7 : memref<10000xi32, #tpu.memory_space<vmem>>) target_semaphore(%run_scoped3A : memref<!tpu.dma_semaphore, #tpu.memory_space<semaphore_mem>>)
      %dma_wait3A_142 = arith.constant 0 : i32
      %dma_wait3A_143 = tpu.memref_slice %arg2[%add3A, %dma_wait3A_142] : memref<32x10000xi32, #tpu.memory_space<hbm>> -> memref<1x10000xi32, #tpu.memory_space<hbm>>
      %dma_wait3A_144 = tpu.memref_squeeze %dma_wait3A_143 : memref<1x10000xi32, #tpu.memory_space<hbm>> -> memref<10000xi32, #tpu.memory_space<hbm>>
      %dma_wait3A_145 = arith.constant 0 : i32
      %dma_wait3A_146 = tpu.memref_slice %arg2[%add3A, %dma_wait3A_145] : memref<32x10000xi32, #tpu.memory_space<hbm>> -> memref<1x10000xi32, #tpu.memory_space<hbm>>
      %dma_wait3A_147 = tpu.memref_squeeze %dma_wait3A_146 : memref<1x10000xi32, #tpu.memory_space<hbm>> -> memref<10000xi32, #tpu.memory_space<hbm>>
      tpu.wait_dma2 semaphore(%run_scoped3A : memref<!tpu.dma_semaphore, #tpu.memory_space<semaphore_mem>>) src(%dma_wait3A_147 : memref<10000xi32, #tpu.memory_space<hbm>>) dst(%arg7 : memref<10000xi32, #tpu.memory_space<vmem>>)
      tpu.yield
    }) : () -> ()
    "tpu.region"() ({
      %run_scoped3A = tpu.sem_alloc : memref<!tpu.dma_semaphore, #tpu.memory_space<semaphore_mem>>
      %dma_start3A_136 = arith.constant 0 : i32
      %dma_start3A_137 = tpu.memref_slice %arg3[%add3A, %dma_start3A_136] : memref<32x10000xi32, #tpu.memory_space<hbm>> -> memref<1x10000xi32, #tpu.memory_space<hbm>>
      %dma_start3A_138 = tpu.memref_squeeze %dma_start3A_137 : memref<1x10000xi32, #tpu.memory_space<hbm>> -> memref<10000xi32, #tpu.memory_space<hbm>>
      %dma_start3A_139 = arith.constant 0 : i32
      %dma_start3A_140 = tpu.memref_slice %arg3[%add3A, %dma_start3A_139] : memref<32x10000xi32, #tpu.memory_space<hbm>> -> memref<1x10000xi32, #tpu.memory_space<hbm>>
      %dma_start3A_141 = tpu.memref_squeeze %dma_start3A_140 : memref<1x10000xi32, #tpu.memory_space<hbm>> -> memref<10000xi32, #tpu.memory_space<hbm>>
      tpu.enqueue_dma source(%dma_start3A_141 : memref<10000xi32, #tpu.memory_space<hbm>>) target(%arg8 : memref<10000xi32, #tpu.memory_space<vmem>>) target_semaphore(%run_scoped3A : memref<!tpu.dma_semaphore, #tpu.memory_space<semaphore_mem>>)
      %dma_wait3A_142 = arith.constant 0 : i32
      %dma_wait3A_143 = tpu.memref_slice %arg3[%add3A, %dma_wait3A_142] : memref<32x10000xi32, #tpu.memory_space<hbm>> -> memref<1x10000xi32, #tpu.memory_space<hbm>>
      %dma_wait3A_144 = tpu.memref_squeeze %dma_wait3A_143 : memref<1x10000xi32, #tpu.memory_space<hbm>> -> memref<10000xi32, #tpu.memory_space<hbm>>
      %dma_wait3A_145 = arith.constant 0 : i32
      %dma_wait3A_146 = tpu.memref_slice %arg3[%add3A, %dma_wait3A_145] : memref<32x10000xi32, #tpu.memory_space<hbm>> -> memref<1x10000xi32, #tpu.memory_space<hbm>>
      %dma_wait3A_147 = tpu.memref_squeeze %dma_wait3A_146 : memref<1x10000xi32, #tpu.memory_space<hbm>> -> memref<10000xi32, #tpu.memory_space<hbm>>
      tpu.wait_dma2 semaphore(%run_scoped3A : memref<!tpu.dma_semaphore, #tpu.memory_space<semaphore_mem>>) src(%dma_wait3A_147 : memref<10000xi32, #tpu.memory_space<hbm>>) dst(%arg8 : memref<10000xi32, #tpu.memory_space<vmem>>)
      tpu.yield
    }) : () -> ()
    %dma_start3A = arith.constant 0 : i32
    %dma_start3A_1 = arith.constant 0 : i32
    %dma_start3A_2 = tpu.memref_slice %arg9[%dma_start3A, %dma_start3A_1] : memref<2504x16xf32, #tpu.memory_space<vmem>> -> memref<2496x16xf32, #tpu.memory_space<vmem>>
    %dma_start3A_3 = arith.constant 0 : i32
    %dma_start3A_4 = tpu.memref_slice %arg7[%dma_start3A_3] : memref<10000xi32, #tpu.memory_space<vmem>> -> memref<2496xi32, #tpu.memory_space<vmem>>
    %dma_start3A_5 = arith.constant 0 : i32
    %dma_start3A_6 = arith.constant 0 : i32
    %dma_start3A_7 = tpu.memref_slice %arg4[%dma_start3A_5, %dma_start3A_6] : memref<10112x16xf32, #tpu.memory_space<hbm>> -> memref<10112x16xf32, #tpu.memory_space<hbm>>
    tpu.enqueue_indirect_dma source(%dma_start3A_7 : memref<10112x16xf32, #tpu.memory_space<hbm>>) target(%dma_start3A_2 : memref<2496x16xf32, #tpu.memory_space<vmem>>) offsets(%dma_start3A_4 : memref<2496xi32, #tpu.memory_space<vmem>>) semaphore(%arg12 : memref<!tpu.dma_semaphore, #tpu.memory_space<semaphore_mem>>)
    %mul3A_8 = arith.constant 632 : i32
    %mul3A_9 = arith.muli %arg1, %mul3A_8 : i32
    %mul3A_10 = arith.constant 632 : i32
    %mul3A_11 = arith.muli %arg1, %mul3A_10 : i32
    "tpu.region"() ({
      %run_scoped3A = tpu.sem_alloc : memref<!tpu.dma_semaphore, #tpu.memory_space<semaphore_mem>>
      %dma_start3A_136 = arith.constant 0 : i32
      %dma_start3A_137 = tpu.memref_slice %arg11[%mul3A_11, %dma_start3A_136] : memref<10112x16xf32, #tpu.memory_space<vmem_shared>> -> memref<632x16xf32, #tpu.memory_space<vmem_shared>>
      %dma_start3A_138 = arith.constant 0 : i32
      %dma_start3A_139 = tpu.memref_slice %arg5[%mul3A_9, %dma_start3A_138] : memref<10112x16xf32, #tpu.memory_space<hbm>> -> memref<632x16xf32, #tpu.memory_space<hbm>>
      tpu.enqueue_dma source(%dma_start3A_139 : memref<632x16xf32, #tpu.memory_space<hbm>>) target(%dma_start3A_137 : memref<632x16xf32, #tpu.memory_space<vmem_shared>>) target_semaphore(%run_scoped3A : memref<!tpu.dma_semaphore, #tpu.memory_space<semaphore_mem>>)
      %dma_wait3A_140 = arith.constant 0 : i32
      %dma_wait3A_141 = tpu.memref_slice %arg11[%mul3A_11, %dma_wait3A_140] : memref<10112x16xf32, #tpu.memory_space<vmem_shared>> -> memref<632x16xf32, #tpu.memory_space<vmem_shared>>
      %dma_wait3A_142 = arith.constant 0 : i32
      %dma_wait3A_143 = tpu.memref_slice %arg5[%mul3A_9, %dma_wait3A_142] : memref<10112x16xf32, #tpu.memory_space<hbm>> -> memref<632x16xf32, #tpu.memory_space<hbm>>
      tpu.wait_dma2 semaphore(%run_scoped3A : memref<!tpu.dma_semaphore, #tpu.memory_space<semaphore_mem>>) src(%dma_wait3A_143 : memref<632x16xf32, #tpu.memory_space<hbm>>) dst(%dma_wait3A_141 : memref<632x16xf32, #tpu.memory_space<vmem_shared>>)
      tpu.yield
    }) : () -> ()
    %barrier3A = arith.constant 0 : index
    tpu.barrier barrier_id(%barrier3A)
    %dma_wait3A = arith.constant 0 : i32
    %dma_wait3A_12 = arith.constant 0 : i32
    %dma_wait3A_13 = tpu.memref_slice %arg9[%dma_wait3A, %dma_wait3A_12] : memref<2504x16xf32, #tpu.memory_space<vmem>> -> memref<2496x16xf32, #tpu.memory_space<vmem>>
    %dma_wait3A_14 = arith.constant 0 : i32
    %dma_wait3A_15 = tpu.memref_slice %arg7[%dma_wait3A_14] : memref<10000xi32, #tpu.memory_space<vmem>> -> memref<2496xi32, #tpu.memory_space<vmem>>
    %dma_wait3A_16 = arith.constant 0 : i32
    %dma_wait3A_17 = arith.constant 0 : i32
    %dma_wait3A_18 = tpu.memref_slice %arg4[%dma_wait3A_16, %dma_wait3A_17] : memref<10112x16xf32, #tpu.memory_space<hbm>> -> memref<10112x16xf32, #tpu.memory_space<hbm>>
    tpu.wait_indirect_dma semaphore(%arg12 : memref<!tpu.dma_semaphore, #tpu.memory_space<semaphore_mem>>) src(%dma_wait3A_18 : memref<10112x16xf32, #tpu.memory_space<hbm>>) dst(%dma_wait3A_13 : memref<2496x16xf32, #tpu.memory_space<vmem>>)
    %dma_start3A_19 = arith.constant 0 : i32
    %dma_start3A_20 = arith.constant 0 : i32
    %dma_start3A_21 = tpu.memref_slice %arg9[%dma_start3A_19, %dma_start3A_20] : memref<2504x16xf32, #tpu.memory_space<vmem>> -> memref<2496x16xf32, #tpu.memory_space<vmem>>
    %dma_start3A_22 = arith.constant 0 : i32
    %dma_start3A_23 = tpu.memref_slice %arg8[%dma_start3A_22] : memref<10000xi32, #tpu.memory_space<vmem>> -> memref<2496xi32, #tpu.memory_space<vmem>>
    %dma_start3A_24 = arith.constant 0 : i32
    %dma_start3A_25 = arith.constant 0 : i32
    %dma_start3A_26 = tpu.memref_slice %arg11[%dma_start3A_24, %dma_start3A_25] : memref<10112x16xf32, #tpu.memory_space<vmem_shared>> -> memref<10112x16xf32, #tpu.memory_space<vmem_shared>>
    tpu.enqueue_indirect_dma source(%dma_start3A_21 : memref<2496x16xf32, #tpu.memory_space<vmem>>) target(%dma_start3A_26 : memref<10112x16xf32, #tpu.memory_space<vmem_shared>>) offsets(%dma_start3A_23 : memref<2496xi32, #tpu.memory_space<vmem>>) semaphore(%arg13 : memref<!tpu.dma_semaphore, #tpu.memory_space<semaphore_mem>>) {add = true}
    %dma_start3A_27 = arith.constant 0 : i32
    %dma_start3A_28 = arith.constant 0 : i32
    %dma_start3A_29 = tpu.memref_slice %arg10[%dma_start3A_27, %dma_start3A_28] : memref<2504x16xf32, #tpu.memory_space<vmem>> -> memref<2504x16xf32, #tpu.memory_space<vmem>>
    %dma_start3A_30 = arith.constant 2496 : i32
    %dma_start3A_31 = tpu.memref_slice %arg7[%dma_start3A_30] : memref<10000xi32, #tpu.memory_space<vmem>> -> memref<2504xi32, #tpu.memory_space<vmem>>
    %dma_start3A_32 = arith.constant 0 : i32
    %dma_start3A_33 = arith.constant 0 : i32
    %dma_start3A_34 = tpu.memref_slice %arg4[%dma_start3A_32, %dma_start3A_33] : memref<10112x16xf32, #tpu.memory_space<hbm>> -> memref<10112x16xf32, #tpu.memory_space<hbm>>
    tpu.enqueue_indirect_dma source(%dma_start3A_34 : memref<10112x16xf32, #tpu.memory_space<hbm>>) target(%dma_start3A_29 : memref<2504x16xf32, #tpu.memory_space<vmem>>) offsets(%dma_start3A_31 : memref<2504xi32, #tpu.memory_space<vmem>>) semaphore(%arg12 : memref<!tpu.dma_semaphore, #tpu.memory_space<semaphore_mem>>)
    %dma_wait3A_35 = arith.constant 0 : i32
    %dma_wait3A_36 = arith.constant 0 : i32
    %dma_wait3A_37 = tpu.memref_slice %arg10[%dma_wait3A_35, %dma_wait3A_36] : memref<2504x16xf32, #tpu.memory_space<vmem>> -> memref<2504x16xf32, #tpu.memory_space<vmem>>
    %dma_wait3A_38 = arith.constant 2496 : i32
    %dma_wait3A_39 = tpu.memref_slice %arg7[%dma_wait3A_38] : memref<10000xi32, #tpu.memory_space<vmem>> -> memref<2504xi32, #tpu.memory_space<vmem>>
    %dma_wait3A_40 = arith.constant 0 : i32
    %dma_wait3A_41 = arith.constant 0 : i32
    %dma_wait3A_42 = tpu.memref_slice %arg4[%dma_wait3A_40, %dma_wait3A_41] : memref<10112x16xf32, #tpu.memory_space<hbm>> -> memref<10112x16xf32, #tpu.memory_space<hbm>>
    tpu.wait_indirect_dma semaphore(%arg12 : memref<!tpu.dma_semaphore, #tpu.memory_space<semaphore_mem>>) src(%dma_wait3A_42 : memref<10112x16xf32, #tpu.memory_space<hbm>>) dst(%dma_wait3A_37 : memref<2504x16xf32, #tpu.memory_space<vmem>>)
    %dma_start3A_43 = arith.constant 0 : i32
    %dma_start3A_44 = arith.constant 0 : i32
    %dma_start3A_45 = tpu.memref_slice %arg10[%dma_start3A_43, %dma_start3A_44] : memref<2504x16xf32, #tpu.memory_space<vmem>> -> memref<2504x16xf32, #tpu.memory_space<vmem>>
    %dma_start3A_46 = arith.constant 2496 : i32
    %dma_start3A_47 = tpu.memref_slice %arg8[%dma_start3A_46] : memref<10000xi32, #tpu.memory_space<vmem>> -> memref<2504xi32, #tpu.memory_space<vmem>>
    %dma_start3A_48 = arith.constant 0 : i32
    %dma_start3A_49 = arith.constant 0 : i32
    %dma_start3A_50 = tpu.memref_slice %arg11[%dma_start3A_48, %dma_start3A_49] : memref<10112x16xf32, #tpu.memory_space<vmem_shared>> -> memref<10112x16xf32, #tpu.memory_space<vmem_shared>>
    tpu.enqueue_indirect_dma source(%dma_start3A_45 : memref<2504x16xf32, #tpu.memory_space<vmem>>) target(%dma_start3A_50 : memref<10112x16xf32, #tpu.memory_space<vmem_shared>>) offsets(%dma_start3A_47 : memref<2504xi32, #tpu.memory_space<vmem>>) semaphore(%arg13 : memref<!tpu.dma_semaphore, #tpu.memory_space<semaphore_mem>>) {add = true}
    %dma_wait3A_51 = arith.constant 0 : i32
    %dma_wait3A_52 = arith.constant 0 : i32
    %dma_wait3A_53 = tpu.memref_slice %arg9[%dma_wait3A_51, %dma_wait3A_52] : memref<2504x16xf32, #tpu.memory_space<vmem>> -> memref<2496x16xf32, #tpu.memory_space<vmem>>
    %dma_wait3A_54 = arith.constant 0 : i32
    %dma_wait3A_55 = tpu.memref_slice %arg8[%dma_wait3A_54] : memref<10000xi32, #tpu.memory_space<vmem>> -> memref<2496xi32, #tpu.memory_space<vmem>>
    %dma_wait3A_56 = arith.constant 0 : i32
    %dma_wait3A_57 = arith.constant 0 : i32
    %dma_wait3A_58 = tpu.memref_slice %arg11[%dma_wait3A_56, %dma_wait3A_57] : memref<10112x16xf32, #tpu.memory_space<vmem_shared>> -> memref<10112x16xf32, #tpu.memory_space<vmem_shared>>
    tpu.wait_indirect_dma semaphore(%arg13 : memref<!tpu.dma_semaphore, #tpu.memory_space<semaphore_mem>>) src(%dma_wait3A_53 : memref<2496x16xf32, #tpu.memory_space<vmem>>) dst(%dma_wait3A_58 : memref<10112x16xf32, #tpu.memory_space<vmem_shared>>)
    %dma_start3A_59 = arith.constant 0 : i32
    %dma_start3A_60 = arith.constant 0 : i32
    %dma_start3A_61 = tpu.memref_slice %arg9[%dma_start3A_59, %dma_start3A_60] : memref<2504x16xf32, #tpu.memory_space<vmem>> -> memref<2496x16xf32, #tpu.memory_space<vmem>>
    %dma_start3A_62 = arith.constant 5000 : i32
    %dma_start3A_63 = tpu.memref_slice %arg7[%dma_start3A_62] : memref<10000xi32, #tpu.memory_space<vmem>> -> memref<2496xi32, #tpu.memory_space<vmem>>
    %dma_start3A_64 = arith.constant 0 : i32
    %dma_start3A_65 = arith.constant 0 : i32
    %dma_start3A_66 = tpu.memref_slice %arg4[%dma_start3A_64, %dma_start3A_65] : memref<10112x16xf32, #tpu.memory_space<hbm>> -> memref<10112x16xf32, #tpu.memory_space<hbm>>
    tpu.enqueue_indirect_dma source(%dma_start3A_66 : memref<10112x16xf32, #tpu.memory_space<hbm>>) target(%dma_start3A_61 : memref<2496x16xf32, #tpu.memory_space<vmem>>) offsets(%dma_start3A_63 : memref<2496xi32, #tpu.memory_space<vmem>>) semaphore(%arg12 : memref<!tpu.dma_semaphore, #tpu.memory_space<semaphore_mem>>)
    %dma_wait3A_67 = arith.constant 0 : i32
    %dma_wait3A_68 = arith.constant 0 : i32
    %dma_wait3A_69 = tpu.memref_slice %arg9[%dma_wait3A_67, %dma_wait3A_68] : memref<2504x16xf32, #tpu.memory_space<vmem>> -> memref<2496x16xf32, #tpu.memory_space<vmem>>
    %dma_wait3A_70 = arith.constant 5000 : i32
    %dma_wait3A_71 = tpu.memref_slice %arg7[%dma_wait3A_70] : memref<10000xi32, #tpu.memory_space<vmem>> -> memref<2496xi32, #tpu.memory_space<vmem>>
    %dma_wait3A_72 = arith.constant 0 : i32
    %dma_wait3A_73 = arith.constant 0 : i32
    %dma_wait3A_74 = tpu.memref_slice %arg4[%dma_wait3A_72, %dma_wait3A_73] : memref<10112x16xf32, #tpu.memory_space<hbm>> -> memref<10112x16xf32, #tpu.memory_space<hbm>>
    tpu.wait_indirect_dma semaphore(%arg12 : memref<!tpu.dma_semaphore, #tpu.memory_space<semaphore_mem>>) src(%dma_wait3A_74 : memref<10112x16xf32, #tpu.memory_space<hbm>>) dst(%dma_wait3A_69 : memref<2496x16xf32, #tpu.memory_space<vmem>>)
    %dma_start3A_75 = arith.constant 0 : i32
    %dma_start3A_76 = arith.constant 0 : i32
    %dma_start3A_77 = tpu.memref_slice %arg9[%dma_start3A_75, %dma_start3A_76] : memref<2504x16xf32, #tpu.memory_space<vmem>> -> memref<2496x16xf32, #tpu.memory_space<vmem>>
    %dma_start3A_78 = arith.constant 5000 : i32
    %dma_start3A_79 = tpu.memref_slice %arg8[%dma_start3A_78] : memref<10000xi32, #tpu.memory_space<vmem>> -> memref<2496xi32, #tpu.memory_space<vmem>>
    %dma_start3A_80 = arith.constant 0 : i32
    %dma_start3A_81 = arith.constant 0 : i32
    %dma_start3A_82 = tpu.memref_slice %arg11[%dma_start3A_80, %dma_start3A_81] : memref<10112x16xf32, #tpu.memory_space<vmem_shared>> -> memref<10112x16xf32, #tpu.memory_space<vmem_shared>>
    tpu.enqueue_indirect_dma source(%dma_start3A_77 : memref<2496x16xf32, #tpu.memory_space<vmem>>) target(%dma_start3A_82 : memref<10112x16xf32, #tpu.memory_space<vmem_shared>>) offsets(%dma_start3A_79 : memref<2496xi32, #tpu.memory_space<vmem>>) semaphore(%arg13 : memref<!tpu.dma_semaphore, #tpu.memory_space<semaphore_mem>>) {add = true}
    %dma_wait3A_83 = arith.constant 0 : i32
    %dma_wait3A_84 = arith.constant 0 : i32
    %dma_wait3A_85 = tpu.memref_slice %arg10[%dma_wait3A_83, %dma_wait3A_84] : memref<2504x16xf32, #tpu.memory_space<vmem>> -> memref<2504x16xf32, #tpu.memory_space<vmem>>
    %dma_wait3A_86 = arith.constant 2496 : i32
    %dma_wait3A_87 = tpu.memref_slice %arg8[%dma_wait3A_86] : memref<10000xi32, #tpu.memory_space<vmem>> -> memref<2504xi32, #tpu.memory_space<vmem>>
    %dma_wait3A_88 = arith.constant 0 : i32
    %dma_wait3A_89 = arith.constant 0 : i32
    %dma_wait3A_90 = tpu.memref_slice %arg11[%dma_wait3A_88, %dma_wait3A_89] : memref<10112x16xf32, #tpu.memory_space<vmem_shared>> -> memref<10112x16xf32, #tpu.memory_space<vmem_shared>>
    tpu.wait_indirect_dma semaphore(%arg13 : memref<!tpu.dma_semaphore, #tpu.memory_space<semaphore_mem>>) src(%dma_wait3A_85 : memref<2504x16xf32, #tpu.memory_space<vmem>>) dst(%dma_wait3A_90 : memref<10112x16xf32, #tpu.memory_space<vmem_shared>>)
    %dma_start3A_91 = arith.constant 0 : i32
    %dma_start3A_92 = arith.constant 0 : i32
    %dma_start3A_93 = tpu.memref_slice %arg10[%dma_start3A_91, %dma_start3A_92] : memref<2504x16xf32, #tpu.memory_space<vmem>> -> memref<2504x16xf32, #tpu.memory_space<vmem>>
    %dma_start3A_94 = arith.constant 7496 : i32
    %dma_start3A_95 = tpu.memref_slice %arg7[%dma_start3A_94] : memref<10000xi32, #tpu.memory_space<vmem>> -> memref<2504xi32, #tpu.memory_space<vmem>>
    %dma_start3A_96 = arith.constant 0 : i32
    %dma_start3A_97 = arith.constant 0 : i32
    %dma_start3A_98 = tpu.memref_slice %arg4[%dma_start3A_96, %dma_start3A_97] : memref<10112x16xf32, #tpu.memory_space<hbm>> -> memref<10112x16xf32, #tpu.memory_space<hbm>>
    tpu.enqueue_indirect_dma source(%dma_start3A_98 : memref<10112x16xf32, #tpu.memory_space<hbm>>) target(%dma_start3A_93 : memref<2504x16xf32, #tpu.memory_space<vmem>>) offsets(%dma_start3A_95 : memref<2504xi32, #tpu.memory_space<vmem>>) semaphore(%arg12 : memref<!tpu.dma_semaphore, #tpu.memory_space<semaphore_mem>>)
    %dma_wait3A_99 = arith.constant 0 : i32
    %dma_wait3A_100 = arith.constant 0 : i32
    %dma_wait3A_101 = tpu.memref_slice %arg10[%dma_wait3A_99, %dma_wait3A_100] : memref<2504x16xf32, #tpu.memory_space<vmem>> -> memref<2504x16xf32, #tpu.memory_space<vmem>>
    %dma_wait3A_102 = arith.constant 7496 : i32
    %dma_wait3A_103 = tpu.memref_slice %arg7[%dma_wait3A_102] : memref<10000xi32, #tpu.memory_space<vmem>> -> memref<2504xi32, #tpu.memory_space<vmem>>
    %dma_wait3A_104 = arith.constant 0 : i32
    %dma_wait3A_105 = arith.constant 0 : i32
    %dma_wait3A_106 = tpu.memref_slice %arg4[%dma_wait3A_104, %dma_wait3A_105] : memref<10112x16xf32, #tpu.memory_space<hbm>> -> memref<10112x16xf32, #tpu.memory_space<hbm>>
    tpu.wait_indirect_dma semaphore(%arg12 : memref<!tpu.dma_semaphore, #tpu.memory_space<semaphore_mem>>) src(%dma_wait3A_106 : memref<10112x16xf32, #tpu.memory_space<hbm>>) dst(%dma_wait3A_101 : memref<2504x16xf32, #tpu.memory_space<vmem>>)
    %dma_start3A_107 = arith.constant 0 : i32
    %dma_start3A_108 = arith.constant 0 : i32
    %dma_start3A_109 = tpu.memref_slice %arg10[%dma_start3A_107, %dma_start3A_108] : memref<2504x16xf32, #tpu.memory_space<vmem>> -> memref<2504x16xf32, #tpu.memory_space<vmem>>
    %dma_start3A_110 = arith.constant 7496 : i32
    %dma_start3A_111 = tpu.memref_slice %arg8[%dma_start3A_110] : memref<10000xi32, #tpu.memory_space<vmem>> -> memref<2504xi32, #tpu.memory_space<vmem>>
    %dma_start3A_112 = arith.constant 0 : i32
    %dma_start3A_113 = arith.constant 0 : i32
    %dma_start3A_114 = tpu.memref_slice %arg11[%dma_start3A_112, %dma_start3A_113] : memref<10112x16xf32, #tpu.memory_space<vmem_shared>> -> memref<10112x16xf32, #tpu.memory_space<vmem_shared>>
    tpu.enqueue_indirect_dma source(%dma_start3A_109 : memref<2504x16xf32, #tpu.memory_space<vmem>>) target(%dma_start3A_114 : memref<10112x16xf32, #tpu.memory_space<vmem_shared>>) offsets(%dma_start3A_111 : memref<2504xi32, #tpu.memory_space<vmem>>) semaphore(%arg13 : memref<!tpu.dma_semaphore, #tpu.memory_space<semaphore_mem>>) {add = true}
    %dma_wait3A_115 = arith.constant 0 : i32
    %dma_wait3A_116 = arith.constant 0 : i32
    %dma_wait3A_117 = tpu.memref_slice %arg9[%dma_wait3A_115, %dma_wait3A_116] : memref<2504x16xf32, #tpu.memory_space<vmem>> -> memref<2496x16xf32, #tpu.memory_space<vmem>>
    %dma_wait3A_118 = arith.constant 5000 : i32
    %dma_wait3A_119 = tpu.memref_slice %arg8[%dma_wait3A_118] : memref<10000xi32, #tpu.memory_space<vmem>> -> memref<2496xi32, #tpu.memory_space<vmem>>
    %dma_wait3A_120 = arith.constant 0 : i32
    %dma_wait3A_121 = arith.constant 0 : i32
    %dma_wait3A_122 = tpu.memref_slice %arg11[%dma_wait3A_120, %dma_wait3A_121] : memref<10112x16xf32, #tpu.memory_space<vmem_shared>> -> memref<10112x16xf32, #tpu.memory_space<vmem_shared>>
    tpu.wait_indirect_dma semaphore(%arg13 : memref<!tpu.dma_semaphore, #tpu.memory_space<semaphore_mem>>) src(%dma_wait3A_117 : memref<2496x16xf32, #tpu.memory_space<vmem>>) dst(%dma_wait3A_122 : memref<10112x16xf32, #tpu.memory_space<vmem_shared>>)
    %dma_wait3A_123 = arith.constant 0 : i32
    %dma_wait3A_124 = arith.constant 0 : i32
    %dma_wait3A_125 = tpu.memref_slice %arg10[%dma_wait3A_123, %dma_wait3A_124] : memref<2504x16xf32, #tpu.memory_space<vmem>> -> memref<2504x16xf32, #tpu.memory_space<vmem>>
    %dma_wait3A_126 = arith.constant 7496 : i32
    %dma_wait3A_127 = tpu.memref_slice %arg8[%dma_wait3A_126] : memref<10000xi32, #tpu.memory_space<vmem>> -> memref<2504xi32, #tpu.memory_space<vmem>>
    %dma_wait3A_128 = arith.constant 0 : i32
    %dma_wait3A_129 = arith.constant 0 : i32
    %dma_wait3A_130 = tpu.memref_slice %arg11[%dma_wait3A_128, %dma_wait3A_129] : memref<10112x16xf32, #tpu.memory_space<vmem_shared>> -> memref<10112x16xf32, #tpu.memory_space<vmem_shared>>
    tpu.wait_indirect_dma semaphore(%arg13 : memref<!tpu.dma_semaphore, #tpu.memory_space<semaphore_mem>>) src(%dma_wait3A_125 : memref<2504x16xf32, #tpu.memory_space<vmem>>) dst(%dma_wait3A_130 : memref<10112x16xf32, #tpu.memory_space<vmem_shared>>)
    %barrier3A_131 = arith.constant 0 : index
    tpu.barrier barrier_id(%barrier3A_131)
    %mul3A_132 = arith.constant 632 : i32
    %mul3A_133 = arith.muli %arg1, %mul3A_132 : i32
    %mul3A_134 = arith.constant 632 : i32
    %mul3A_135 = arith.muli %arg1, %mul3A_134 : i32
    "tpu.region"() ({
      %run_scoped3A = tpu.sem_alloc : memref<!tpu.dma_semaphore, #tpu.memory_space<semaphore_mem>>
      %dma_start3A_136 = arith.constant 0 : i32
      %dma_start3A_137 = tpu.memref_slice %arg6[%arg0, %mul3A_135, %dma_start3A_136] : memref<2x10112x16xf32, #tpu.memory_space<hbm>> -> memref<1x632x16xf32, #tpu.memory_space<hbm>>
      %dma_start3A_138 = tpu.memref_squeeze %dma_start3A_137 : memref<1x632x16xf32, #tpu.memory_space<hbm>> -> memref<632x16xf32, #tpu.memory_space<hbm>>
      %dma_start3A_139 = arith.constant 0 : i32
      %dma_start3A_140 = tpu.memref_slice %arg11[%mul3A_133, %dma_start3A_139] : memref<10112x16xf32, #tpu.memory_space<vmem_shared>> -> memref<632x16xf32, #tpu.memory_space<vmem_shared>>
      tpu.enqueue_dma source(%dma_start3A_140 : memref<632x16xf32, #tpu.memory_space<vmem_shared>>) target(%dma_start3A_138 : memref<632x16xf32, #tpu.memory_space<hbm>>) target_semaphore(%run_scoped3A : memref<!tpu.dma_semaphore, #tpu.memory_space<semaphore_mem>>)
      %dma_wait3A_141 = arith.constant 0 : i32
      %dma_wait3A_142 = tpu.memref_slice %arg6[%arg0, %mul3A_135, %dma_wait3A_141] : memref<2x10112x16xf32, #tpu.memory_space<hbm>> -> memref<1x632x16xf32, #tpu.memory_space<hbm>>
      %dma_wait3A_143 = tpu.memref_squeeze %dma_wait3A_142 : memref<1x632x16xf32, #tpu.memory_space<hbm>> -> memref<632x16xf32, #tpu.memory_space<hbm>>
      %dma_wait3A_144 = arith.constant 0 : i32
      %dma_wait3A_145 = tpu.memref_slice %arg11[%mul3A_133, %dma_wait3A_144] : memref<10112x16xf32, #tpu.memory_space<vmem_shared>> -> memref<632x16xf32, #tpu.memory_space<vmem_shared>>
      tpu.wait_dma2 semaphore(%run_scoped3A : memref<!tpu.dma_semaphore, #tpu.memory_space<semaphore_mem>>) src(%dma_wait3A_145 : memref<632x16xf32, #tpu.memory_space<vmem_shared>>) dst(%dma_wait3A_143 : memref<632x16xf32, #tpu.memory_space<hbm>>)
      tpu.yield
    }) : () -> ()
    return
  }
}

#map = affine_map<(d0, d1) -> (0, 0)>
#map1 = affine_map<(d0, d1) -> (0, 0, 0)>
module attributes {stable_mosaic.version = 14 : i64} {
  func.func @body(%arg0: i32, %arg1: i32, %arg2: memref<32x10000xi32, #tpu.memory_space<hbm>>, %arg3: memref<32x10000xi32, #tpu.memory_space<hbm>>, %arg4: memref<10112x16xf32, #tpu.memory_space<hbm>>, %arg5: memref<10112x16xf32, #tpu.memory_space<hbm>>, %arg6: memref<2x10112x16xf32, #tpu.memory_space<hbm>>, %arg7: memref<10000xi32, #tpu.memory_space<vmem>>, %arg8: memref<10000xi32, #tpu.memory_space<vmem>>, %arg9: memref<2504x16xf32, #tpu.memory_space<vmem>>, %arg10: memref<2504x16xf32, #tpu.memory_space<vmem>>, %arg11: memref<10112x16xf32, #tpu.memory_space<vmem_shared>>, %arg12: memref<!tpu.dma_semaphore, #tpu.memory_space<semaphore_mem>>, %arg13: memref<!tpu.dma_semaphore, #tpu.memory_space<semaphore_mem>>) attributes {dimension_semantics = [#tpu.dimension_semantics<core_parallel>, #tpu.dimension_semantics<subcore_parallel>], iteration_bounds = array<i64: 2, 16>, scalar_prefetch = 0 : i64, scratch_operands = 7 : i64, tpu.core_type = #tpu.core_type<sc_vector_subcore>, window_params = [{transform_indices = #map}, {transform_indices = #map}, {transform_indices = #map}, {transform_indices = #map}, {transform_indices = #map1}]} {
    %mul3A = arith.constant 2 : i32
    %mul3A_0 = arith.muli %arg1, %mul3A : i32
    %add3A = arith.addi %mul3A_0, %arg0 : i32
    "tpu.region"() ({
      %run_scoped3A = tpu.sem_alloc : memref<!tpu.dma_semaphore, #tpu.memory_space<semaphore_mem>>
      %dma_start3A_136 = arith.constant 0 : i32
      %dma_start3A_137 = tpu.memref_slice %arg2[%add3A, %dma_start3A_136] : memref<32x10000xi32, #tpu.memory_space<hbm>> -> memref<1x10000xi32, #tpu.memory_space<hbm>>
      %dma_start3A_138 = tpu.memref_squeeze %dma_start3A_137 : memref<1x10000xi32, #tpu.memory_space<hbm>> -> memref<10000xi32, #tpu.memory_space<hbm>>
      %dma_start3A_139 = arith.constant 0 : i32
      %dma_start3A_140 = tpu.memref_slice %arg2[%add3A, %dma_start3A_139] : memref<32x10000xi32, #tpu.memory_space<hbm>> -> memref<1x10000xi32, #tpu.memory_space<hbm>>
      %dma_start3A_141 = tpu.memref_squeeze %dma_start3A_140 : memref<1x10000xi32, #tpu.memory_space<hbm>> -> memref<10000xi32, #tpu.memory_space<hbm>>
      tpu.enqueue_dma source(%dma_start3A_141 : memref<10000xi32, #tpu.memory_space<hbm>>) target(%arg7 : memref<10000xi32, #tpu.memory_space<vmem>>) target_semaphore(%run_scoped3A : memref<!tpu.dma_semaphore, #tpu.memory_space<semaphore_mem>>)
      %dma_wait3A_142 = arith.constant 0 : i32
      %dma_wait3A_143 = tpu.memref_slice %arg2[%add3A, %dma_wait3A_142] : memref<32x10000xi32, #tpu.memory_space<hbm>> -> memref<1x10000xi32, #tpu.memory_space<hbm>>
      %dma_wait3A_144 = tpu.memref_squeeze %dma_wait3A_143 : memref<1x10000xi32, #tpu.memory_space<hbm>> -> memref<10000xi32, #tpu.memory_space<hbm>>
      %dma_wait3A_145 = arith.constant 0 : i32
      %dma_wait3A_146 = tpu.memref_slice %arg2[%add3A, %dma_wait3A_145] : memref<32x10000xi32, #tpu.memory_space<hbm>> -> memref<1x10000xi32, #tpu.memory_space<hbm>>
      %dma_wait3A_147 = tpu.memref_squeeze %dma_wait3A_146 : memref<1x10000xi32, #tpu.memory_space<hbm>> -> memref<10000xi32, #tpu.memory_space<hbm>>
      tpu.wait_dma2 semaphore(%run_scoped3A : memref<!tpu.dma_semaphore, #tpu.memory_space<semaphore_mem>>) src(%dma_wait3A_147 : memref<10000xi32, #tpu.memory_space<hbm>>) dst(%arg7 : memref<10000xi32, #tpu.memory_space<vmem>>)
      tpu.yield
    }) : () -> ()
    "tpu.region"() ({
      %run_scoped3A = tpu.sem_alloc : memref<!tpu.dma_semaphore, #tpu.memory_space<semaphore_mem>>
      %dma_start3A_136 = arith.constant 0 : i32
      %dma_start3A_137 = tpu.memref_slice %arg3[%add3A, %dma_start3A_136] : memref<32x10000xi32, #tpu.memory_space<hbm>> -> memref<1x10000xi32, #tpu.memory_space<hbm>>
      %dma_start3A_138 = tpu.memref_squeeze %dma_start3A_137 : memref<1x10000xi32, #tpu.memory_space<hbm>> -> memref<10000xi32, #tpu.memory_space<hbm>>
      %dma_start3A_139 = arith.constant 0 : i32
      %dma_start3A_140 = tpu.memref_slice %arg3[%add3A, %dma_start3A_139] : memref<32x10000xi32, #tpu.memory_space<hbm>> -> memref<1x10000xi32, #tpu.memory_space<hbm>>
      %dma_start3A_141 = tpu.memref_squeeze %dma_start3A_140 : memref<1x10000xi32, #tpu.memory_space<hbm>> -> memref<10000xi32, #tpu.memory_space<hbm>>
      tpu.enqueue_dma source(%dma_start3A_141 : memref<10000xi32, #tpu.memory_space<hbm>>) target(%arg8 : memref<10000xi32, #tpu.memory_space<vmem>>) target_semaphore(%run_scoped3A : memref<!tpu.dma_semaphore, #tpu.memory_space<semaphore_mem>>)
      %dma_wait3A_142 = arith.constant 0 : i32
      %dma_wait3A_143 = tpu.memref_slice %arg3[%add3A, %dma_wait3A_142] : memref<32x10000xi32, #tpu.memory_space<hbm>> -> memref<1x10000xi32, #tpu.memory_space<hbm>>
      %dma_wait3A_144 = tpu.memref_squeeze %dma_wait3A_143 : memref<1x10000xi32, #tpu.memory_space<hbm>> -> memref<10000xi32, #tpu.memory_space<hbm>>
      %dma_wait3A_145 = arith.constant 0 : i32
      %dma_wait3A_146 = tpu.memref_slice %arg3[%add3A, %dma_wait3A_145] : memref<32x10000xi32, #tpu.memory_space<hbm>> -> memref<1x10000xi32, #tpu.memory_space<hbm>>
      %dma_wait3A_147 = tpu.memref_squeeze %dma_wait3A_146 : memref<1x10000xi32, #tpu.memory_space<hbm>> -> memref<10000xi32, #tpu.memory_space<hbm>>
      tpu.wait_dma2 semaphore(%run_scoped3A : memref<!tpu.dma_semaphore, #tpu.memory_space<semaphore_mem>>) src(%dma_wait3A_147 : memref<10000xi32, #tpu.memory_space<hbm>>) dst(%arg8 : memref<10000xi32, #tpu.memory_space<vmem>>)
      tpu.yield
    }) : () -> ()
    %dma_start3A = arith.constant 0 : i32
    %dma_start3A_1 = arith.constant 0 : i32
    %dma_start3A_2 = tpu.memref_slice %arg9[%dma_start3A, %dma_start3A_1] : memref<2504x16xf32, #tpu.memory_space<vmem>> -> memref<2496x16xf32, #tpu.memory_space<vmem>>
    %dma_start3A_3 = arith.constant 0 : i32
    %dma_start3A_4 = tpu.memref_slice %arg7[%dma_start3A_3] : memref<10000xi32, #tpu.memory_space<vmem>> -> memref<2496xi32, #tpu.memory_space<vmem>>
    %dma_start3A_5 = arith.constant 0 : i32
    %dma_start3A_6 = arith.constant 0 : i32
    %dma_start3A_7 = tpu.memref_slice %arg4[%dma_start3A_5, %dma_start3A_6] : memref<10112x16xf32, #tpu.memory_space<hbm>> -> memref<10112x16xf32, #tpu.memory_space<hbm>>
    tpu.enqueue_indirect_dma source(%dma_start3A_7 : memref<10112x16xf32, #tpu.memory_space<hbm>>) target(%dma_start3A_2 : memref<2496x16xf32, #tpu.memory_space<vmem>>) offsets(%dma_start3A_4 : memref<2496xi32, #tpu.memory_space<vmem>>) semaphore(%arg12 : memref<!tpu.dma_semaphore, #tpu.memory_space<semaphore_mem>>)
    %mul3A_8 = arith.constant 632 : i32
    %mul3A_9 = arith.muli %arg1, %mul3A_8 : i32
    %mul3A_10 = arith.constant 632 : i32
    %mul3A_11 = arith.muli %arg1, %mul3A_10 : i32
    "tpu.region"() ({
      %run_scoped3A = tpu.sem_alloc : memref<!tpu.dma_semaphore, #tpu.memory_space<semaphore_mem>>
      %dma_start3A_136 = arith.constant 0 : i32
      %dma_start3A_137 = tpu.memref_slice %arg11[%mul3A_11, %dma_start3A_136] : memref<10112x16xf32, #tpu.memory_space<vmem_shared>> -> memref<632x16xf32, #tpu.memory_space<vmem_shared>>
      %dma_start3A_138 = arith.constant 0 : i32
      %dma_start3A_139 = tpu.memref_slice %arg5[%mul3A_9, %dma_start3A_138] : memref<10112x16xf32, #tpu.memory_space<hbm>> -> memref<632x16xf32, #tpu.memory_space<hbm>>
      tpu.enqueue_dma source(%dma_start3A_139 : memref<632x16xf32, #tpu.memory_space<hbm>>) target(%dma_start3A_137 : memref<632x16xf32, #tpu.memory_space<vmem_shared>>) target_semaphore(%run_scoped3A : memref<!tpu.dma_semaphore, #tpu.memory_space<semaphore_mem>>)
      %dma_wait3A_140 = arith.constant 0 : i32
      %dma_wait3A_141 = tpu.memref_slice %arg11[%mul3A_11, %dma_wait3A_140] : memref<10112x16xf32, #tpu.memory_space<vmem_shared>> -> memref<632x16xf32, #tpu.memory_space<vmem_shared>>
      %dma_wait3A_142 = arith.constant 0 : i32
      %dma_wait3A_143 = tpu.memref_slice %arg5[%mul3A_9, %dma_wait3A_142] : memref<10112x16xf32, #tpu.memory_space<hbm>> -> memref<632x16xf32, #tpu.memory_space<hbm>>
      tpu.wait_dma2 semaphore(%run_scoped3A : memref<!tpu.dma_semaphore, #tpu.memory_space<semaphore_mem>>) src(%dma_wait3A_143 : memref<632x16xf32, #tpu.memory_space<hbm>>) dst(%dma_wait3A_141 : memref<632x16xf32, #tpu.memory_space<vmem_shared>>)
      tpu.yield
    }) : () -> ()
    %barrier3A = arith.constant 0 : index
    tpu.barrier barrier_id(%barrier3A)
    %dma_wait3A = arith.constant 0 : i32
    %dma_wait3A_12 = arith.constant 0 : i32
    %dma_wait3A_13 = tpu.memref_slice %arg9[%dma_wait3A, %dma_wait3A_12] : memref<2504x16xf32, #tpu.memory_space<vmem>> -> memref<2496x16xf32, #tpu.memory_space<vmem>>
    %dma_wait3A_14 = arith.constant 0 : i32
    %dma_wait3A_15 = tpu.memref_slice %arg7[%dma_wait3A_14] : memref<10000xi32, #tpu.memory_space<vmem>> -> memref<2496xi32, #tpu.memory_space<vmem>>
    %dma_wait3A_16 = arith.constant 0 : i32
    %dma_wait3A_17 = arith.constant 0 : i32
    %dma_wait3A_18 = tpu.memref_slice %arg4[%dma_wait3A_16, %dma_wait3A_17] : memref<10112x16xf32, #tpu.memory_space<hbm>> -> memref<10112x16xf32, #tpu.memory_space<hbm>>
    tpu.wait_indirect_dma semaphore(%arg12 : memref<!tpu.dma_semaphore, #tpu.memory_space<semaphore_mem>>) src(%dma_wait3A_18 : memref<10112x16xf32, #tpu.memory_space<hbm>>) dst(%dma_wait3A_13 : memref<2496x16xf32, #tpu.memory_space<vmem>>)
    %dma_start3A_19 = arith.constant 0 : i32
    %dma_start3A_20 = arith.constant 0 : i32
    %dma_start3A_21 = tpu.memref_slice %arg9[%dma_start3A_19, %dma_start3A_20] : memref<2504x16xf32, #tpu.memory_space<vmem>> -> memref<2496x16xf32, #tpu.memory_space<vmem>>
    %dma_start3A_22 = arith.constant 0 : i32
    %dma_start3A_23 = tpu.memref_slice %arg8[%dma_start3A_22] : memref<10000xi32, #tpu.memory_space<vmem>> -> memref<2496xi32, #tpu.memory_space<vmem>>
    %dma_start3A_24 = arith.constant 0 : i32
    %dma_start3A_25 = arith.constant 0 : i32
    %dma_start3A_26 = tpu.memref_slice %arg11[%dma_start3A_24, %dma_start3A_25] : memref<10112x16xf32, #tpu.memory_space<vmem_shared>> -> memref<10112x16xf32, #tpu.memory_space<vmem_shared>>
    tpu.enqueue_indirect_dma source(%dma_start3A_21 : memref<2496x16xf32, #tpu.memory_space<vmem>>) target(%dma_start3A_26 : memref<10112x16xf32, #tpu.memory_space<vmem_shared>>) offsets(%dma_start3A_23 : memref<2496xi32, #tpu.memory_space<vmem>>) semaphore(%arg13 : memref<!tpu.dma_semaphore, #tpu.memory_space<semaphore_mem>>) {add = true}
    %dma_start3A_27 = arith.constant 0 : i32
    %dma_start3A_28 = arith.constant 0 : i32
    %dma_start3A_29 = tpu.memref_slice %arg10[%dma_start3A_27, %dma_start3A_28] : memref<2504x16xf32, #tpu.memory_space<vmem>> -> memref<2504x16xf32, #tpu.memory_space<vmem>>
    %dma_start3A_30 = arith.constant 2496 : i32
    %dma_start3A_31 = tpu.memref_slice %arg7[%dma_start3A_30] : memref<10000xi32, #tpu.memory_space<vmem>> -> memref<2504xi32, #tpu.memory_space<vmem>>
    %dma_start3A_32 = arith.constant 0 : i32
    %dma_start3A_33 = arith.constant 0 : i32
    %dma_start3A_34 = tpu.memref_slice %arg4[%dma_start3A_32, %dma_start3A_33] : memref<10112x16xf32, #tpu.memory_space<hbm>> -> memref<10112x16xf32, #tpu.memory_space<hbm>>
    tpu.enqueue_indirect_dma source(%dma_start3A_34 : memref<10112x16xf32, #tpu.memory_space<hbm>>) target(%dma_start3A_29 : memref<2504x16xf32, #tpu.memory_space<vmem>>) offsets(%dma_start3A_31 : memref<2504xi32, #tpu.memory_space<vmem>>) semaphore(%arg12 : memref<!tpu.dma_semaphore, #tpu.memory_space<semaphore_mem>>)
    %dma_wait3A_35 = arith.constant 0 : i32
    %dma_wait3A_36 = arith.constant 0 : i32
    %dma_wait3A_37 = tpu.memref_slice %arg10[%dma_wait3A_35, %dma_wait3A_36] : memref<2504x16xf32, #tpu.memory_space<vmem>> -> memref<2504x16xf32, #tpu.memory_space<vmem>>
    %dma_wait3A_38 = arith.constant 2496 : i32
    %dma_wait3A_39 = tpu.memref_slice %arg7[%dma_wait3A_38] : memref<10000xi32, #tpu.memory_space<vmem>> -> memref<2504xi32, #tpu.memory_space<vmem>>
    %dma_wait3A_40 = arith.constant 0 : i32
    %dma_wait3A_41 = arith.constant 0 : i32
    %dma_wait3A_42 = tpu.memref_slice %arg4[%dma_wait3A_40, %dma_wait3A_41] : memref<10112x16xf32, #tpu.memory_space<hbm>> -> memref<10112x16xf32, #tpu.memory_space<hbm>>
    tpu.wait_indirect_dma semaphore(%arg12 : memref<!tpu.dma_semaphore, #tpu.memory_space<semaphore_mem>>) src(%dma_wait3A_42 : memref<10112x16xf32, #tpu.memory_space<hbm>>) dst(%dma_wait3A_37 : memref<2504x16xf32, #tpu.memory_space<vmem>>)
    %dma_start3A_43 = arith.constant 0 : i32
    %dma_start3A_44 = arith.constant 0 : i32
    %dma_start3A_45 = tpu.memref_slice %arg10[%dma_start3A_43, %dma_start3A_44] : memref<2504x16xf32, #tpu.memory_space<vmem>> -> memref<2504x16xf32, #tpu.memory_space<vmem>>
    %dma_start3A_46 = arith.constant 2496 : i32
    %dma_start3A_47 = tpu.memref_slice %arg8[%dma_start3A_46] : memref<10000xi32, #tpu.memory_space<vmem>> -> memref<2504xi32, #tpu.memory_space<vmem>>
    %dma_start3A_48 = arith.constant 0 : i32
    %dma_start3A_49 = arith.constant 0 : i32
    %dma_start3A_50 = tpu.memref_slice %arg11[%dma_start3A_48, %dma_start3A_49] : memref<10112x16xf32, #tpu.memory_space<vmem_shared>> -> memref<10112x16xf32, #tpu.memory_space<vmem_shared>>
    tpu.enqueue_indirect_dma source(%dma_start3A_45 : memref<2504x16xf32, #tpu.memory_space<vmem>>) target(%dma_start3A_50 : memref<10112x16xf32, #tpu.memory_space<vmem_shared>>) offsets(%dma_start3A_47 : memref<2504xi32, #tpu.memory_space<vmem>>) semaphore(%arg13 : memref<!tpu.dma_semaphore, #tpu.memory_space<semaphore_mem>>) {add = true}
    %dma_wait3A_51 = arith.constant 0 : i32
    %dma_wait3A_52 = arith.constant 0 : i32
    %dma_wait3A_53 = tpu.memref_slice %arg9[%dma_wait3A_51, %dma_wait3A_52] : memref<2504x16xf32, #tpu.memory_space<vmem>> -> memref<2496x16xf32, #tpu.memory_space<vmem>>
    %dma_wait3A_54 = arith.constant 0 : i32
    %dma_wait3A_55 = tpu.memref_slice %arg8[%dma_wait3A_54] : memref<10000xi32, #tpu.memory_space<vmem>> -> memref<2496xi32, #tpu.memory_space<vmem>>
    %dma_wait3A_56 = arith.constant 0 : i32
    %dma_wait3A_57 = arith.constant 0 : i32
    %dma_wait3A_58 = tpu.memref_slice %arg11[%dma_wait3A_56, %dma_wait3A_57] : memref<10112x16xf32, #tpu.memory_space<vmem_shared>> -> memref<10112x16xf32, #tpu.memory_space<vmem_shared>>
    tpu.wait_indirect_dma semaphore(%arg13 : memref<!tpu.dma_semaphore, #tpu.memory_space<semaphore_mem>>) src(%dma_wait3A_53 : memref<2496x16xf32, #tpu.memory_space<vmem>>) dst(%dma_wait3A_58 : memref<10112x16xf32, #tpu.memory_space<vmem_shared>>)
    %dma_start3A_59 = arith.constant 0 : i32
    %dma_start3A_60 = arith.constant 0 : i32
    %dma_start3A_61 = tpu.memref_slice %arg9[%dma_start3A_59, %dma_start3A_60] : memref<2504x16xf32, #tpu.memory_space<vmem>> -> memref<2496x16xf32, #tpu.memory_space<vmem>>
    %dma_start3A_62 = arith.constant 5000 : i32
    %dma_start3A_63 = tpu.memref_slice %arg7[%dma_start3A_62] : memref<10000xi32, #tpu.memory_space<vmem>> -> memref<2496xi32, #tpu.memory_space<vmem>>
    %dma_start3A_64 = arith.constant 0 : i32
    %dma_start3A_65 = arith.constant 0 : i32
    %dma_start3A_66 = tpu.memref_slice %arg4[%dma_start3A_64, %dma_start3A_65] : memref<10112x16xf32, #tpu.memory_space<hbm>> -> memref<10112x16xf32, #tpu.memory_space<hbm>>
    tpu.enqueue_indirect_dma source(%dma_start3A_66 : memref<10112x16xf32, #tpu.memory_space<hbm>>) target(%dma_start3A_61 : memref<2496x16xf32, #tpu.memory_space<vmem>>) offsets(%dma_start3A_63 : memref<2496xi32, #tpu.memory_space<vmem>>) semaphore(%arg12 : memref<!tpu.dma_semaphore, #tpu.memory_space<semaphore_mem>>)
    %dma_wait3A_67 = arith.constant 0 : i32
    %dma_wait3A_68 = arith.constant 0 : i32
    %dma_wait3A_69 = tpu.memref_slice %arg9[%dma_wait3A_67, %dma_wait3A_68] : memref<2504x16xf32, #tpu.memory_space<vmem>> -> memref<2496x16xf32, #tpu.memory_space<vmem>>
    %dma_wait3A_70 = arith.constant 5000 : i32
    %dma_wait3A_71 = tpu.memref_slice %arg7[%dma_wait3A_70] : memref<10000xi32, #tpu.memory_space<vmem>> -> memref<2496xi32, #tpu.memory_space<vmem>>
    %dma_wait3A_72 = arith.constant 0 : i32
    %dma_wait3A_73 = arith.constant 0 : i32
    %dma_wait3A_74 = tpu.memref_slice %arg4[%dma_wait3A_72, %dma_wait3A_73] : memref<10112x16xf32, #tpu.memory_space<hbm>> -> memref<10112x16xf32, #tpu.memory_space<hbm>>
    tpu.wait_indirect_dma semaphore(%arg12 : memref<!tpu.dma_semaphore, #tpu.memory_space<semaphore_mem>>) src(%dma_wait3A_74 : memref<10112x16xf32, #tpu.memory_space<hbm>>) dst(%dma_wait3A_69 : memref<2496x16xf32, #tpu.memory_space<vmem>>)
    %dma_start3A_75 = arith.constant 0 : i32
    %dma_start3A_76 = arith.constant 0 : i32
    %dma_start3A_77 = tpu.memref_slice %arg9[%dma_start3A_75, %dma_start3A_76] : memref<2504x16xf32, #tpu.memory_space<vmem>> -> memref<2496x16xf32, #tpu.memory_space<vmem>>
    %dma_start3A_78 = arith.constant 5000 : i32
    %dma_start3A_79 = tpu.memref_slice %arg8[%dma_start3A_78] : memref<10000xi32, #tpu.memory_space<vmem>> -> memref<2496xi32, #tpu.memory_space<vmem>>
    %dma_start3A_80 = arith.constant 0 : i32
    %dma_start3A_81 = arith.constant 0 : i32
    %dma_start3A_82 = tpu.memref_slice %arg11[%dma_start3A_80, %dma_start3A_81] : memref<10112x16xf32, #tpu.memory_space<vmem_shared>> -> memref<10112x16xf32, #tpu.memory_space<vmem_shared>>
    tpu.enqueue_indirect_dma source(%dma_start3A_77 : memref<2496x16xf32, #tpu.memory_space<vmem>>) target(%dma_start3A_82 : memref<10112x16xf32, #tpu.memory_space<vmem_shared>>) offsets(%dma_start3A_79 : memref<2496xi32, #tpu.memory_space<vmem>>) semaphore(%arg13 : memref<!tpu.dma_semaphore, #tpu.memory_space<semaphore_mem>>) {add = true}
    %dma_wait3A_83 = arith.constant 0 : i32
    %dma_wait3A_84 = arith.constant 0 : i32
    %dma_wait3A_85 = tpu.memref_slice %arg10[%dma_wait3A_83, %dma_wait3A_84] : memref<2504x16xf32, #tpu.memory_space<vmem>> -> memref<2504x16xf32, #tpu.memory_space<vmem>>
    %dma_wait3A_86 = arith.constant 2496 : i32
    %dma_wait3A_87 = tpu.memref_slice %arg8[%dma_wait3A_86] : memref<10000xi32, #tpu.memory_space<vmem>> -> memref<2504xi32, #tpu.memory_space<vmem>>
    %dma_wait3A_88 = arith.constant 0 : i32
    %dma_wait3A_89 = arith.constant 0 : i32
    %dma_wait3A_90 = tpu.memref_slice %arg11[%dma_wait3A_88, %dma_wait3A_89] : memref<10112x16xf32, #tpu.memory_space<vmem_shared>> -> memref<10112x16xf32, #tpu.memory_space<vmem_shared>>
    tpu.wait_indirect_dma semaphore(%arg13 : memref<!tpu.dma_semaphore, #tpu.memory_space<semaphore_mem>>) src(%dma_wait3A_85 : memref<2504x16xf32, #tpu.memory_space<vmem>>) dst(%dma_wait3A_90 : memref<10112x16xf32, #tpu.memory_space<vmem_shared>>)
    %dma_start3A_91 = arith.constant 0 : i32
    %dma_start3A_92 = arith.constant 0 : i32
    %dma_start3A_93 = tpu.memref_slice %arg10[%dma_start3A_91, %dma_start3A_92] : memref<2504x16xf32, #tpu.memory_space<vmem>> -> memref<2504x16xf32, #tpu.memory_space<vmem>>
    %dma_start3A_94 = arith.constant 7496 : i32
    %dma_start3A_95 = tpu.memref_slice %arg7[%dma_start3A_94] : memref<10000xi32, #tpu.memory_space<vmem>> -> memref<2504xi32, #tpu.memory_space<vmem>>
    %dma_start3A_96 = arith.constant 0 : i32
    %dma_start3A_97 = arith.constant 0 : i32
    %dma_start3A_98 = tpu.memref_slice %arg4[%dma_start3A_96, %dma_start3A_97] : memref<10112x16xf32, #tpu.memory_space<hbm>> -> memref<10112x16xf32, #tpu.memory_space<hbm>>
    tpu.enqueue_indirect_dma source(%dma_start3A_98 : memref<10112x16xf32, #tpu.memory_space<hbm>>) target(%dma_start3A_93 : memref<2504x16xf32, #tpu.memory_space<vmem>>) offsets(%dma_start3A_95 : memref<2504xi32, #tpu.memory_space<vmem>>) semaphore(%arg12 : memref<!tpu.dma_semaphore, #tpu.memory_space<semaphore_mem>>)
    %dma_wait3A_99 = arith.constant 0 : i32
    %dma_wait3A_100 = arith.constant 0 : i32
    %dma_wait3A_101 = tpu.memref_slice %arg10[%dma_wait3A_99, %dma_wait3A_100] : memref<2504x16xf32, #tpu.memory_space<vmem>> -> memref<2504x16xf32, #tpu.memory_space<vmem>>
    %dma_wait3A_102 = arith.constant 7496 : i32
    %dma_wait3A_103 = tpu.memref_slice %arg7[%dma_wait3A_102] : memref<10000xi32, #tpu.memory_space<vmem>> -> memref<2504xi32, #tpu.memory_space<vmem>>
    %dma_wait3A_104 = arith.constant 0 : i32
    %dma_wait3A_105 = arith.constant 0 : i32
    %dma_wait3A_106 = tpu.memref_slice %arg4[%dma_wait3A_104, %dma_wait3A_105] : memref<10112x16xf32, #tpu.memory_space<hbm>> -> memref<10112x16xf32, #tpu.memory_space<hbm>>
    tpu.wait_indirect_dma semaphore(%arg12 : memref<!tpu.dma_semaphore, #tpu.memory_space<semaphore_mem>>) src(%dma_wait3A_106 : memref<10112x16xf32, #tpu.memory_space<hbm>>) dst(%dma_wait3A_101 : memref<2504x16xf32, #tpu.memory_space<vmem>>)
    %dma_start3A_107 = arith.constant 0 : i32
    %dma_start3A_108 = arith.constant 0 : i32
    %dma_start3A_109 = tpu.memref_slice %arg10[%dma_start3A_107, %dma_start3A_108] : memref<2504x16xf32, #tpu.memory_space<vmem>> -> memref<2504x16xf32, #tpu.memory_space<vmem>>
    %dma_start3A_110 = arith.constant 7496 : i32
    %dma_start3A_111 = tpu.memref_slice %arg8[%dma_start3A_110] : memref<10000xi32, #tpu.memory_space<vmem>> -> memref<2504xi32, #tpu.memory_space<vmem>>
    %dma_start3A_112 = arith.constant 0 : i32
    %dma_start3A_113 = arith.constant 0 : i32
    %dma_start3A_114 = tpu.memref_slice %arg11[%dma_start3A_112, %dma_start3A_113] : memref<10112x16xf32, #tpu.memory_space<vmem_shared>> -> memref<10112x16xf32, #tpu.memory_space<vmem_shared>>
    tpu.enqueue_indirect_dma source(%dma_start3A_109 : memref<2504x16xf32, #tpu.memory_space<vmem>>) target(%dma_start3A_114 : memref<10112x16xf32, #tpu.memory_space<vmem_shared>>) offsets(%dma_start3A_111 : memref<2504xi32, #tpu.memory_space<vmem>>) semaphore(%arg13 : memref<!tpu.dma_semaphore, #tpu.memory_space<semaphore_mem>>) {add = true}
    %dma_wait3A_115 = arith.constant 0 : i32
    %dma_wait3A_116 = arith.constant 0 : i32
    %dma_wait3A_117 = tpu.memref_slice %arg9[%dma_wait3A_115, %dma_wait3A_116] : memref<2504x16xf32, #tpu.memory_space<vmem>> -> memref<2496x16xf32, #tpu.memory_space<vmem>>
    %dma_wait3A_118 = arith.constant 5000 : i32
    %dma_wait3A_119 = tpu.memref_slice %arg8[%dma_wait3A_118] : memref<10000xi32, #tpu.memory_space<vmem>> -> memref<2496xi32, #tpu.memory_space<vmem>>
    %dma_wait3A_120 = arith.constant 0 : i32
    %dma_wait3A_121 = arith.constant 0 : i32
    %dma_wait3A_122 = tpu.memref_slice %arg11[%dma_wait3A_120, %dma_wait3A_121] : memref<10112x16xf32, #tpu.memory_space<vmem_shared>> -> memref<10112x16xf32, #tpu.memory_space<vmem_shared>>
    tpu.wait_indirect_dma semaphore(%arg13 : memref<!tpu.dma_semaphore, #tpu.memory_space<semaphore_mem>>) src(%dma_wait3A_117 : memref<2496x16xf32, #tpu.memory_space<vmem>>) dst(%dma_wait3A_122 : memref<10112x16xf32, #tpu.memory_space<vmem_shared>>)
    %dma_wait3A_123 = arith.constant 0 : i32
    %dma_wait3A_124 = arith.constant 0 : i32
    %dma_wait3A_125 = tpu.memref_slice %arg10[%dma_wait3A_123, %dma_wait3A_124] : memref<2504x16xf32, #tpu.memory_space<vmem>> -> memref<2504x16xf32, #tpu.memory_space<vmem>>
    %dma_wait3A_126 = arith.constant 7496 : i32
    %dma_wait3A_127 = tpu.memref_slice %arg8[%dma_wait3A_126] : memref<10000xi32, #tpu.memory_space<vmem>> -> memref<2504xi32, #tpu.memory_space<vmem>>
    %dma_wait3A_128 = arith.constant 0 : i32
    %dma_wait3A_129 = arith.constant 0 : i32
    %dma_wait3A_130 = tpu.memref_slice %arg11[%dma_wait3A_128, %dma_wait3A_129] : memref<10112x16xf32, #tpu.memory_space<vmem_shared>> -> memref<10112x16xf32, #tpu.memory_space<vmem_shared>>
    tpu.wait_indirect_dma semaphore(%arg13 : memref<!tpu.dma_semaphore, #tpu.memory_space<semaphore_mem>>) src(%dma_wait3A_125 : memref<2504x16xf32, #tpu.memory_space<vmem>>) dst(%dma_wait3A_130 : memref<10112x16xf32, #tpu.memory_space<vmem_shared>>)
    %barrier3A_131 = arith.constant 0 : index
    tpu.barrier barrier_id(%barrier3A_131)
    %mul3A_132 = arith.constant 632 : i32
    %mul3A_133 = arith.muli %arg1, %mul3A_132 : i32
    %mul3A_134 = arith.constant 632 : i32
    %mul3A_135 = arith.muli %arg1, %mul3A_134 : i32
    "tpu.region"() ({
      %run_scoped3A = tpu.sem_alloc : memref<!tpu.dma_semaphore, #tpu.memory_space<semaphore_mem>>
      %dma_start3A_136 = arith.constant 0 : i32
      %dma_start3A_137 = tpu.memref_slice %arg6[%arg0, %mul3A_135, %dma_start3A_136] : memref<2x10112x16xf32, #tpu.memory_space<hbm>> -> memref<1x632x16xf32, #tpu.memory_space<hbm>>
      %dma_start3A_138 = tpu.memref_squeeze %dma_start3A_137 : memref<1x632x16xf32, #tpu.memory_space<hbm>> -> memref<632x16xf32, #tpu.memory_space<hbm>>
      %dma_start3A_139 = arith.constant 0 : i32
      %dma_start3A_140 = tpu.memref_slice %arg11[%mul3A_133, %dma_start3A_139] : memref<10112x16xf32, #tpu.memory_space<vmem_shared>> -> memref<632x16xf32, #tpu.memory_space<vmem_shared>>
      tpu.enqueue_dma source(%dma_start3A_140 : memref<632x16xf32, #tpu.memory_space<vmem_shared>>) target(%dma_start3A_138 : memref<632x16xf32, #tpu.memory_space<hbm>>) target_semaphore(%run_scoped3A : memref<!tpu.dma_semaphore, #tpu.memory_space<semaphore_mem>>)
      %dma_wait3A_141 = arith.constant 0 : i32
      %dma_wait3A_142 = tpu.memref_slice %arg6[%arg0, %mul3A_135, %dma_wait3A_141] : memref<2x10112x16xf32, #tpu.memory_space<hbm>> -> memref<1x632x16xf32, #tpu.memory_space<hbm>>
      %dma_wait3A_143 = tpu.memref_squeeze %dma_wait3A_142 : memref<1x632x16xf32, #tpu.memory_space<hbm>> -> memref<632x16xf32, #tpu.memory_space<hbm>>
      %dma_wait3A_144 = arith.constant 0 : i32
      %dma_wait3A_145 = tpu.memref_slice %arg11[%mul3A_133, %dma_wait3A_144] : memref<10112x16xf32, #tpu.memory_space<vmem_shared>> -> memref<632x16xf32, #tpu.memory_space<vmem_shared>>
      tpu.wait_dma2 semaphore(%run_scoped3A : memref<!tpu.dma_semaphore, #tpu.memory_space<semaphore_mem>>) src(%dma_wait3A_145 : memref<632x16xf32, #tpu.memory_space<vmem_shared>>) dst(%dma_wait3A_143 : memref<632x16xf32, #tpu.memory_space<hbm>>)
      tpu.yield
    }) : () -> ()
    return
  }
}

#map = affine_map<(d0, d1) -> (0, 0)>
#map1 = affine_map<(d0, d1) -> (0, 0, 0)>
module attributes {stable_mosaic.version = 14 : i64} {
  func.func @body(%arg0: i32, %arg1: i32, %arg2: memref<32x10000xi32, #tpu.memory_space<hbm>>, %arg3: memref<32x10000xi32, #tpu.memory_space<hbm>>, %arg4: memref<10112x16xf32, #tpu.memory_space<hbm>>, %arg5: memref<10112x16xf32, #tpu.memory_space<hbm>>, %arg6: memref<2x10112x16xf32, #tpu.memory_space<hbm>>, %arg7: memref<10000xi32, #tpu.memory_space<vmem>>, %arg8: memref<10000xi32, #tpu.memory_space<vmem>>, %arg9: memref<2504x16xf32, #tpu.memory_space<vmem>>, %arg10: memref<2504x16xf32, #tpu.memory_space<vmem>>, %arg11: memref<10112x16xf32, #tpu.memory_space<vmem_shared>>, %arg12: memref<!tpu.dma_semaphore, #tpu.memory_space<semaphore_mem>>, %arg13: memref<!tpu.dma_semaphore, #tpu.memory_space<semaphore_mem>>) attributes {dimension_semantics = [#tpu.dimension_semantics<core_parallel>, #tpu.dimension_semantics<subcore_parallel>], iteration_bounds = array<i64: 2, 16>, scalar_prefetch = 0 : i64, scratch_operands = 7 : i64, tpu.core_type = #tpu.core_type<sc_vector_subcore>, window_params = [{transform_indices = #map}, {transform_indices = #map}, {transform_indices = #map}, {transform_indices = #map}, {transform_indices = #map1}]} {
    %mul3A = arith.constant 2 : i32
    %mul3A_0 = arith.muli %arg1, %mul3A : i32
    %add3A = arith.addi %mul3A_0, %arg0 : i32
    "tpu.region"() ({
      %run_scoped3A = tpu.sem_alloc : memref<!tpu.dma_semaphore, #tpu.memory_space<semaphore_mem>>
      %dma_start3A_136 = arith.constant 0 : i32
      %dma_start3A_137 = tpu.memref_slice %arg2[%add3A, %dma_start3A_136] : memref<32x10000xi32, #tpu.memory_space<hbm>> -> memref<1x10000xi32, #tpu.memory_space<hbm>>
      %dma_start3A_138 = tpu.memref_squeeze %dma_start3A_137 : memref<1x10000xi32, #tpu.memory_space<hbm>> -> memref<10000xi32, #tpu.memory_space<hbm>>
      %dma_start3A_139 = arith.constant 0 : i32
      %dma_start3A_140 = tpu.memref_slice %arg2[%add3A, %dma_start3A_139] : memref<32x10000xi32, #tpu.memory_space<hbm>> -> memref<1x10000xi32, #tpu.memory_space<hbm>>
      %dma_start3A_141 = tpu.memref_squeeze %dma_start3A_140 : memref<1x10000xi32, #tpu.memory_space<hbm>> -> memref<10000xi32, #tpu.memory_space<hbm>>
      tpu.enqueue_dma source(%dma_start3A_141 : memref<10000xi32, #tpu.memory_space<hbm>>) target(%arg7 : memref<10000xi32, #tpu.memory_space<vmem>>) target_semaphore(%run_scoped3A : memref<!tpu.dma_semaphore, #tpu.memory_space<semaphore_mem>>)
      %dma_wait3A_142 = arith.constant 0 : i32
      %dma_wait3A_143 = tpu.memref_slice %arg2[%add3A, %dma_wait3A_142] : memref<32x10000xi32, #tpu.memory_space<hbm>> -> memref<1x10000xi32, #tpu.memory_space<hbm>>
      %dma_wait3A_144 = tpu.memref_squeeze %dma_wait3A_143 : memref<1x10000xi32, #tpu.memory_space<hbm>> -> memref<10000xi32, #tpu.memory_space<hbm>>
      %dma_wait3A_145 = arith.constant 0 : i32
      %dma_wait3A_146 = tpu.memref_slice %arg2[%add3A, %dma_wait3A_145] : memref<32x10000xi32, #tpu.memory_space<hbm>> -> memref<1x10000xi32, #tpu.memory_space<hbm>>
      %dma_wait3A_147 = tpu.memref_squeeze %dma_wait3A_146 : memref<1x10000xi32, #tpu.memory_space<hbm>> -> memref<10000xi32, #tpu.memory_space<hbm>>
      tpu.wait_dma2 semaphore(%run_scoped3A : memref<!tpu.dma_semaphore, #tpu.memory_space<semaphore_mem>>) src(%dma_wait3A_147 : memref<10000xi32, #tpu.memory_space<hbm>>) dst(%arg7 : memref<10000xi32, #tpu.memory_space<vmem>>)
      tpu.yield
    }) : () -> ()
    "tpu.region"() ({
      %run_scoped3A = tpu.sem_alloc : memref<!tpu.dma_semaphore, #tpu.memory_space<semaphore_mem>>
      %dma_start3A_136 = arith.constant 0 : i32
      %dma_start3A_137 = tpu.memref_slice %arg3[%add3A, %dma_start3A_136] : memref<32x10000xi32, #tpu.memory_space<hbm>> -> memref<1x10000xi32, #tpu.memory_space<hbm>>
      %dma_start3A_138 = tpu.memref_squeeze %dma_start3A_137 : memref<1x10000xi32, #tpu.memory_space<hbm>> -> memref<10000xi32, #tpu.memory_space<hbm>>
      %dma_start3A_139 = arith.constant 0 : i32
      %dma_start3A_140 = tpu.memref_slice %arg3[%add3A, %dma_start3A_139] : memref<32x10000xi32, #tpu.memory_space<hbm>> -> memref<1x10000xi32, #tpu.memory_space<hbm>>
      %dma_start3A_141 = tpu.memref_squeeze %dma_start3A_140 : memref<1x10000xi32, #tpu.memory_space<hbm>> -> memref<10000xi32, #tpu.memory_space<hbm>>
      tpu.enqueue_dma source(%dma_start3A_141 : memref<10000xi32, #tpu.memory_space<hbm>>) target(%arg8 : memref<10000xi32, #tpu.memory_space<vmem>>) target_semaphore(%run_scoped3A : memref<!tpu.dma_semaphore, #tpu.memory_space<semaphore_mem>>)
      %dma_wait3A_142 = arith.constant 0 : i32
      %dma_wait3A_143 = tpu.memref_slice %arg3[%add3A, %dma_wait3A_142] : memref<32x10000xi32, #tpu.memory_space<hbm>> -> memref<1x10000xi32, #tpu.memory_space<hbm>>
      %dma_wait3A_144 = tpu.memref_squeeze %dma_wait3A_143 : memref<1x10000xi32, #tpu.memory_space<hbm>> -> memref<10000xi32, #tpu.memory_space<hbm>>
      %dma_wait3A_145 = arith.constant 0 : i32
      %dma_wait3A_146 = tpu.memref_slice %arg3[%add3A, %dma_wait3A_145] : memref<32x10000xi32, #tpu.memory_space<hbm>> -> memref<1x10000xi32, #tpu.memory_space<hbm>>
      %dma_wait3A_147 = tpu.memref_squeeze %dma_wait3A_146 : memref<1x10000xi32, #tpu.memory_space<hbm>> -> memref<10000xi32, #tpu.memory_space<hbm>>
      tpu.wait_dma2 semaphore(%run_scoped3A : memref<!tpu.dma_semaphore, #tpu.memory_space<semaphore_mem>>) src(%dma_wait3A_147 : memref<10000xi32, #tpu.memory_space<hbm>>) dst(%arg8 : memref<10000xi32, #tpu.memory_space<vmem>>)
      tpu.yield
    }) : () -> ()
    %dma_start3A = arith.constant 0 : i32
    %dma_start3A_1 = arith.constant 0 : i32
    %dma_start3A_2 = tpu.memref_slice %arg9[%dma_start3A, %dma_start3A_1] : memref<2504x16xf32, #tpu.memory_space<vmem>> -> memref<2496x16xf32, #tpu.memory_space<vmem>>
    %dma_start3A_3 = arith.constant 0 : i32
    %dma_start3A_4 = tpu.memref_slice %arg7[%dma_start3A_3] : memref<10000xi32, #tpu.memory_space<vmem>> -> memref<2496xi32, #tpu.memory_space<vmem>>
    %dma_start3A_5 = arith.constant 0 : i32
    %dma_start3A_6 = arith.constant 0 : i32
    %dma_start3A_7 = tpu.memref_slice %arg4[%dma_start3A_5, %dma_start3A_6] : memref<10112x16xf32, #tpu.memory_space<hbm>> -> memref<10112x16xf32, #tpu.memory_space<hbm>>
    tpu.enqueue_indirect_dma source(%dma_start3A_7 : memref<10112x16xf32, #tpu.memory_space<hbm>>) target(%dma_start3A_2 : memref<2496x16xf32, #tpu.memory_space<vmem>>) offsets(%dma_start3A_4 : memref<2496xi32, #tpu.memory_space<vmem>>) semaphore(%arg12 : memref<!tpu.dma_semaphore, #tpu.memory_space<semaphore_mem>>)
    %mul3A_8 = arith.constant 632 : i32
    %mul3A_9 = arith.muli %arg1, %mul3A_8 : i32
    %mul3A_10 = arith.constant 632 : i32
    %mul3A_11 = arith.muli %arg1, %mul3A_10 : i32
    "tpu.region"() ({
      %run_scoped3A = tpu.sem_alloc : memref<!tpu.dma_semaphore, #tpu.memory_space<semaphore_mem>>
      %dma_start3A_136 = arith.constant 0 : i32
      %dma_start3A_137 = tpu.memref_slice %arg11[%mul3A_11, %dma_start3A_136] : memref<10112x16xf32, #tpu.memory_space<vmem_shared>> -> memref<632x16xf32, #tpu.memory_space<vmem_shared>>
      %dma_start3A_138 = arith.constant 0 : i32
      %dma_start3A_139 = tpu.memref_slice %arg5[%mul3A_9, %dma_start3A_138] : memref<10112x16xf32, #tpu.memory_space<hbm>> -> memref<632x16xf32, #tpu.memory_space<hbm>>
      tpu.enqueue_dma source(%dma_start3A_139 : memref<632x16xf32, #tpu.memory_space<hbm>>) target(%dma_start3A_137 : memref<632x16xf32, #tpu.memory_space<vmem_shared>>) target_semaphore(%run_scoped3A : memref<!tpu.dma_semaphore, #tpu.memory_space<semaphore_mem>>)
      %dma_wait3A_140 = arith.constant 0 : i32
      %dma_wait3A_141 = tpu.memref_slice %arg11[%mul3A_11, %dma_wait3A_140] : memref<10112x16xf32, #tpu.memory_space<vmem_shared>> -> memref<632x16xf32, #tpu.memory_space<vmem_shared>>
      %dma_wait3A_142 = arith.constant 0 : i32
      %dma_wait3A_143 = tpu.memref_slice %arg5[%mul3A_9, %dma_wait3A_142] : memref<10112x16xf32, #tpu.memory_space<hbm>> -> memref<632x16xf32, #tpu.memory_space<hbm>>
      tpu.wait_dma2 semaphore(%run_scoped3A : memref<!tpu.dma_semaphore, #tpu.memory_space<semaphore_mem>>) src(%dma_wait3A_143 : memref<632x16xf32, #tpu.memory_space<hbm>>) dst(%dma_wait3A_141 : memref<632x16xf32, #tpu.memory_space<vmem_shared>>)
      tpu.yield
    }) : () -> ()
    %barrier3A = arith.constant 0 : index
    tpu.barrier barrier_id(%barrier3A)
    %dma_wait3A = arith.constant 0 : i32
    %dma_wait3A_12 = arith.constant 0 : i32
    %dma_wait3A_13 = tpu.memref_slice %arg9[%dma_wait3A, %dma_wait3A_12] : memref<2504x16xf32, #tpu.memory_space<vmem>> -> memref<2496x16xf32, #tpu.memory_space<vmem>>
    %dma_wait3A_14 = arith.constant 0 : i32
    %dma_wait3A_15 = tpu.memref_slice %arg7[%dma_wait3A_14] : memref<10000xi32, #tpu.memory_space<vmem>> -> memref<2496xi32, #tpu.memory_space<vmem>>
    %dma_wait3A_16 = arith.constant 0 : i32
    %dma_wait3A_17 = arith.constant 0 : i32
    %dma_wait3A_18 = tpu.memref_slice %arg4[%dma_wait3A_16, %dma_wait3A_17] : memref<10112x16xf32, #tpu.memory_space<hbm>> -> memref<10112x16xf32, #tpu.memory_space<hbm>>
    tpu.wait_indirect_dma semaphore(%arg12 : memref<!tpu.dma_semaphore, #tpu.memory_space<semaphore_mem>>) src(%dma_wait3A_18 : memref<10112x16xf32, #tpu.memory_space<hbm>>) dst(%dma_wait3A_13 : memref<2496x16xf32, #tpu.memory_space<vmem>>)
    %dma_start3A_19 = arith.constant 0 : i32
    %dma_start3A_20 = arith.constant 0 : i32
    %dma_start3A_21 = tpu.memref_slice %arg9[%dma_start3A_19, %dma_start3A_20] : memref<2504x16xf32, #tpu.memory_space<vmem>> -> memref<2496x16xf32, #tpu.memory_space<vmem>>
    %dma_start3A_22 = arith.constant 0 : i32
    %dma_start3A_23 = tpu.memref_slice %arg8[%dma_start3A_22] : memref<10000xi32, #tpu.memory_space<vmem>> -> memref<2496xi32, #tpu.memory_space<vmem>>
    %dma_start3A_24 = arith.constant 0 : i32
    %dma_start3A_25 = arith.constant 0 : i32
    %dma_start3A_26 = tpu.memref_slice %arg11[%dma_start3A_24, %dma_start3A_25] : memref<10112x16xf32, #tpu.memory_space<vmem_shared>> -> memref<10112x16xf32, #tpu.memory_space<vmem_shared>>
    tpu.enqueue_indirect_dma source(%dma_start3A_21 : memref<2496x16xf32, #tpu.memory_space<vmem>>) target(%dma_start3A_26 : memref<10112x16xf32, #tpu.memory_space<vmem_shared>>) offsets(%dma_start3A_23 : memref<2496xi32, #tpu.memory_space<vmem>>) semaphore(%arg13 : memref<!tpu.dma_semaphore, #tpu.memory_space<semaphore_mem>>) {add = true}
    %dma_start3A_27 = arith.constant 0 : i32
    %dma_start3A_28 = arith.constant 0 : i32
    %dma_start3A_29 = tpu.memref_slice %arg10[%dma_start3A_27, %dma_start3A_28] : memref<2504x16xf32, #tpu.memory_space<vmem>> -> memref<2504x16xf32, #tpu.memory_space<vmem>>
    %dma_start3A_30 = arith.constant 2496 : i32
    %dma_start3A_31 = tpu.memref_slice %arg7[%dma_start3A_30] : memref<10000xi32, #tpu.memory_space<vmem>> -> memref<2504xi32, #tpu.memory_space<vmem>>
    %dma_start3A_32 = arith.constant 0 : i32
    %dma_start3A_33 = arith.constant 0 : i32
    %dma_start3A_34 = tpu.memref_slice %arg4[%dma_start3A_32, %dma_start3A_33] : memref<10112x16xf32, #tpu.memory_space<hbm>> -> memref<10112x16xf32, #tpu.memory_space<hbm>>
    tpu.enqueue_indirect_dma source(%dma_start3A_34 : memref<10112x16xf32, #tpu.memory_space<hbm>>) target(%dma_start3A_29 : memref<2504x16xf32, #tpu.memory_space<vmem>>) offsets(%dma_start3A_31 : memref<2504xi32, #tpu.memory_space<vmem>>) semaphore(%arg12 : memref<!tpu.dma_semaphore, #tpu.memory_space<semaphore_mem>>)
    %dma_wait3A_35 = arith.constant 0 : i32
    %dma_wait3A_36 = arith.constant 0 : i32
    %dma_wait3A_37 = tpu.memref_slice %arg10[%dma_wait3A_35, %dma_wait3A_36] : memref<2504x16xf32, #tpu.memory_space<vmem>> -> memref<2504x16xf32, #tpu.memory_space<vmem>>
    %dma_wait3A_38 = arith.constant 2496 : i32
    %dma_wait3A_39 = tpu.memref_slice %arg7[%dma_wait3A_38] : memref<10000xi32, #tpu.memory_space<vmem>> -> memref<2504xi32, #tpu.memory_space<vmem>>
    %dma_wait3A_40 = arith.constant 0 : i32
    %dma_wait3A_41 = arith.constant 0 : i32
    %dma_wait3A_42 = tpu.memref_slice %arg4[%dma_wait3A_40, %dma_wait3A_41] : memref<10112x16xf32, #tpu.memory_space<hbm>> -> memref<10112x16xf32, #tpu.memory_space<hbm>>
    tpu.wait_indirect_dma semaphore(%arg12 : memref<!tpu.dma_semaphore, #tpu.memory_space<semaphore_mem>>) src(%dma_wait3A_42 : memref<10112x16xf32, #tpu.memory_space<hbm>>) dst(%dma_wait3A_37 : memref<2504x16xf32, #tpu.memory_space<vmem>>)
    %dma_start3A_43 = arith.constant 0 : i32
    %dma_start3A_44 = arith.constant 0 : i32
    %dma_start3A_45 = tpu.memref_slice %arg10[%dma_start3A_43, %dma_start3A_44] : memref<2504x16xf32, #tpu.memory_space<vmem>> -> memref<2504x16xf32, #tpu.memory_space<vmem>>
    %dma_start3A_46 = arith.constant 2496 : i32
    %dma_start3A_47 = tpu.memref_slice %arg8[%dma_start3A_46] : memref<10000xi32, #tpu.memory_space<vmem>> -> memref<2504xi32, #tpu.memory_space<vmem>>
    %dma_start3A_48 = arith.constant 0 : i32
    %dma_start3A_49 = arith.constant 0 : i32
    %dma_start3A_50 = tpu.memref_slice %arg11[%dma_start3A_48, %dma_start3A_49] : memref<10112x16xf32, #tpu.memory_space<vmem_shared>> -> memref<10112x16xf32, #tpu.memory_space<vmem_shared>>
    tpu.enqueue_indirect_dma source(%dma_start3A_45 : memref<2504x16xf32, #tpu.memory_space<vmem>>) target(%dma_start3A_50 : memref<10112x16xf32, #tpu.memory_space<vmem_shared>>) offsets(%dma_start3A_47 : memref<2504xi32, #tpu.memory_space<vmem>>) semaphore(%arg13 : memref<!tpu.dma_semaphore, #tpu.memory_space<semaphore_mem>>) {add = true}
    %dma_wait3A_51 = arith.constant 0 : i32
    %dma_wait3A_52 = arith.constant 0 : i32
    %dma_wait3A_53 = tpu.memref_slice %arg9[%dma_wait3A_51, %dma_wait3A_52] : memref<2504x16xf32, #tpu.memory_space<vmem>> -> memref<2496x16xf32, #tpu.memory_space<vmem>>
    %dma_wait3A_54 = arith.constant 0 : i32
    %dma_wait3A_55 = tpu.memref_slice %arg8[%dma_wait3A_54] : memref<10000xi32, #tpu.memory_space<vmem>> -> memref<2496xi32, #tpu.memory_space<vmem>>
    %dma_wait3A_56 = arith.constant 0 : i32
    %dma_wait3A_57 = arith.constant 0 : i32
    %dma_wait3A_58 = tpu.memref_slice %arg11[%dma_wait3A_56, %dma_wait3A_57] : memref<10112x16xf32, #tpu.memory_space<vmem_shared>> -> memref<10112x16xf32, #tpu.memory_space<vmem_shared>>
    tpu.wait_indirect_dma semaphore(%arg13 : memref<!tpu.dma_semaphore, #tpu.memory_space<semaphore_mem>>) src(%dma_wait3A_53 : memref<2496x16xf32, #tpu.memory_space<vmem>>) dst(%dma_wait3A_58 : memref<10112x16xf32, #tpu.memory_space<vmem_shared>>)
    %dma_start3A_59 = arith.constant 0 : i32
    %dma_start3A_60 = arith.constant 0 : i32
    %dma_start3A_61 = tpu.memref_slice %arg9[%dma_start3A_59, %dma_start3A_60] : memref<2504x16xf32, #tpu.memory_space<vmem>> -> memref<2496x16xf32, #tpu.memory_space<vmem>>
    %dma_start3A_62 = arith.constant 5000 : i32
    %dma_start3A_63 = tpu.memref_slice %arg7[%dma_start3A_62] : memref<10000xi32, #tpu.memory_space<vmem>> -> memref<2496xi32, #tpu.memory_space<vmem>>
    %dma_start3A_64 = arith.constant 0 : i32
    %dma_start3A_65 = arith.constant 0 : i32
    %dma_start3A_66 = tpu.memref_slice %arg4[%dma_start3A_64, %dma_start3A_65] : memref<10112x16xf32, #tpu.memory_space<hbm>> -> memref<10112x16xf32, #tpu.memory_space<hbm>>
    tpu.enqueue_indirect_dma source(%dma_start3A_66 : memref<10112x16xf32, #tpu.memory_space<hbm>>) target(%dma_start3A_61 : memref<2496x16xf32, #tpu.memory_space<vmem>>) offsets(%dma_start3A_63 : memref<2496xi32, #tpu.memory_space<vmem>>) semaphore(%arg12 : memref<!tpu.dma_semaphore, #tpu.memory_space<semaphore_mem>>)
    %dma_wait3A_67 = arith.constant 0 : i32
    %dma_wait3A_68 = arith.constant 0 : i32
    %dma_wait3A_69 = tpu.memref_slice %arg9[%dma_wait3A_67, %dma_wait3A_68] : memref<2504x16xf32, #tpu.memory_space<vmem>> -> memref<2496x16xf32, #tpu.memory_space<vmem>>
    %dma_wait3A_70 = arith.constant 5000 : i32
    %dma_wait3A_71 = tpu.memref_slice %arg7[%dma_wait3A_70] : memref<10000xi32, #tpu.memory_space<vmem>> -> memref<2496xi32, #tpu.memory_space<vmem>>
    %dma_wait3A_72 = arith.constant 0 : i32
    %dma_wait3A_73 = arith.constant 0 : i32
    %dma_wait3A_74 = tpu.memref_slice %arg4[%dma_wait3A_72, %dma_wait3A_73] : memref<10112x16xf32, #tpu.memory_space<hbm>> -> memref<10112x16xf32, #tpu.memory_space<hbm>>
    tpu.wait_indirect_dma semaphore(%arg12 : memref<!tpu.dma_semaphore, #tpu.memory_space<semaphore_mem>>) src(%dma_wait3A_74 : memref<10112x16xf32, #tpu.memory_space<hbm>>) dst(%dma_wait3A_69 : memref<2496x16xf32, #tpu.memory_space<vmem>>)
    %dma_start3A_75 = arith.constant 0 : i32
    %dma_start3A_76 = arith.constant 0 : i32
    %dma_start3A_77 = tpu.memref_slice %arg9[%dma_start3A_75, %dma_start3A_76] : memref<2504x16xf32, #tpu.memory_space<vmem>> -> memref<2496x16xf32, #tpu.memory_space<vmem>>
    %dma_start3A_78 = arith.constant 5000 : i32
    %dma_start3A_79 = tpu.memref_slice %arg8[%dma_start3A_78] : memref<10000xi32, #tpu.memory_space<vmem>> -> memref<2496xi32, #tpu.memory_space<vmem>>
    %dma_start3A_80 = arith.constant 0 : i32
    %dma_start3A_81 = arith.constant 0 : i32
    %dma_start3A_82 = tpu.memref_slice %arg11[%dma_start3A_80, %dma_start3A_81] : memref<10112x16xf32, #tpu.memory_space<vmem_shared>> -> memref<10112x16xf32, #tpu.memory_space<vmem_shared>>
    tpu.enqueue_indirect_dma source(%dma_start3A_77 : memref<2496x16xf32, #tpu.memory_space<vmem>>) target(%dma_start3A_82 : memref<10112x16xf32, #tpu.memory_space<vmem_shared>>) offsets(%dma_start3A_79 : memref<2496xi32, #tpu.memory_space<vmem>>) semaphore(%arg13 : memref<!tpu.dma_semaphore, #tpu.memory_space<semaphore_mem>>) {add = true}
    %dma_wait3A_83 = arith.constant 0 : i32
    %dma_wait3A_84 = arith.constant 0 : i32
    %dma_wait3A_85 = tpu.memref_slice %arg10[%dma_wait3A_83, %dma_wait3A_84] : memref<2504x16xf32, #tpu.memory_space<vmem>> -> memref<2504x16xf32, #tpu.memory_space<vmem>>
    %dma_wait3A_86 = arith.constant 2496 : i32
    %dma_wait3A_87 = tpu.memref_slice %arg8[%dma_wait3A_86] : memref<10000xi32, #tpu.memory_space<vmem>> -> memref<2504xi32, #tpu.memory_space<vmem>>
    %dma_wait3A_88 = arith.constant 0 : i32
    %dma_wait3A_89 = arith.constant 0 : i32
    %dma_wait3A_90 = tpu.memref_slice %arg11[%dma_wait3A_88, %dma_wait3A_89] : memref<10112x16xf32, #tpu.memory_space<vmem_shared>> -> memref<10112x16xf32, #tpu.memory_space<vmem_shared>>
    tpu.wait_indirect_dma semaphore(%arg13 : memref<!tpu.dma_semaphore, #tpu.memory_space<semaphore_mem>>) src(%dma_wait3A_85 : memref<2504x16xf32, #tpu.memory_space<vmem>>) dst(%dma_wait3A_90 : memref<10112x16xf32, #tpu.memory_space<vmem_shared>>)
    %dma_start3A_91 = arith.constant 0 : i32
    %dma_start3A_92 = arith.constant 0 : i32
    %dma_start3A_93 = tpu.memref_slice %arg10[%dma_start3A_91, %dma_start3A_92] : memref<2504x16xf32, #tpu.memory_space<vmem>> -> memref<2504x16xf32, #tpu.memory_space<vmem>>
    %dma_start3A_94 = arith.constant 7496 : i32
    %dma_start3A_95 = tpu.memref_slice %arg7[%dma_start3A_94] : memref<10000xi32, #tpu.memory_space<vmem>> -> memref<2504xi32, #tpu.memory_space<vmem>>
    %dma_start3A_96 = arith.constant 0 : i32
    %dma_start3A_97 = arith.constant 0 : i32
    %dma_start3A_98 = tpu.memref_slice %arg4[%dma_start3A_96, %dma_start3A_97] : memref<10112x16xf32, #tpu.memory_space<hbm>> -> memref<10112x16xf32, #tpu.memory_space<hbm>>
    tpu.enqueue_indirect_dma source(%dma_start3A_98 : memref<10112x16xf32, #tpu.memory_space<hbm>>) target(%dma_start3A_93 : memref<2504x16xf32, #tpu.memory_space<vmem>>) offsets(%dma_start3A_95 : memref<2504xi32, #tpu.memory_space<vmem>>) semaphore(%arg12 : memref<!tpu.dma_semaphore, #tpu.memory_space<semaphore_mem>>)
    %dma_wait3A_99 = arith.constant 0 : i32
    %dma_wait3A_100 = arith.constant 0 : i32
    %dma_wait3A_101 = tpu.memref_slice %arg10[%dma_wait3A_99, %dma_wait3A_100] : memref<2504x16xf32, #tpu.memory_space<vmem>> -> memref<2504x16xf32, #tpu.memory_space<vmem>>
    %dma_wait3A_102 = arith.constant 7496 : i32
    %dma_wait3A_103 = tpu.memref_slice %arg7[%dma_wait3A_102] : memref<10000xi32, #tpu.memory_space<vmem>> -> memref<2504xi32, #tpu.memory_space<vmem>>
    %dma_wait3A_104 = arith.constant 0 : i32
    %dma_wait3A_105 = arith.constant 0 : i32
    %dma_wait3A_106 = tpu.memref_slice %arg4[%dma_wait3A_104, %dma_wait3A_105] : memref<10112x16xf32, #tpu.memory_space<hbm>> -> memref<10112x16xf32, #tpu.memory_space<hbm>>
    tpu.wait_indirect_dma semaphore(%arg12 : memref<!tpu.dma_semaphore, #tpu.memory_space<semaphore_mem>>) src(%dma_wait3A_106 : memref<10112x16xf32, #tpu.memory_space<hbm>>) dst(%dma_wait3A_101 : memref<2504x16xf32, #tpu.memory_space<vmem>>)
    %dma_start3A_107 = arith.constant 0 : i32
    %dma_start3A_108 = arith.constant 0 : i32
    %dma_start3A_109 = tpu.memref_slice %arg10[%dma_start3A_107, %dma_start3A_108] : memref<2504x16xf32, #tpu.memory_space<vmem>> -> memref<2504x16xf32, #tpu.memory_space<vmem>>
    %dma_start3A_110 = arith.constant 7496 : i32
    %dma_start3A_111 = tpu.memref_slice %arg8[%dma_start3A_110] : memref<10000xi32, #tpu.memory_space<vmem>> -> memref<2504xi32, #tpu.memory_space<vmem>>
    %dma_start3A_112 = arith.constant 0 : i32
    %dma_start3A_113 = arith.constant 0 : i32
    %dma_start3A_114 = tpu.memref_slice %arg11[%dma_start3A_112, %dma_start3A_113] : memref<10112x16xf32, #tpu.memory_space<vmem_shared>> -> memref<10112x16xf32, #tpu.memory_space<vmem_shared>>
    tpu.enqueue_indirect_dma source(%dma_start3A_109 : memref<2504x16xf32, #tpu.memory_space<vmem>>) target(%dma_start3A_114 : memref<10112x16xf32, #tpu.memory_space<vmem_shared>>) offsets(%dma_start3A_111 : memref<2504xi32, #tpu.memory_space<vmem>>) semaphore(%arg13 : memref<!tpu.dma_semaphore, #tpu.memory_space<semaphore_mem>>) {add = true}
    %dma_wait3A_115 = arith.constant 0 : i32
    %dma_wait3A_116 = arith.constant 0 : i32
    %dma_wait3A_117 = tpu.memref_slice %arg9[%dma_wait3A_115, %dma_wait3A_116] : memref<2504x16xf32, #tpu.memory_space<vmem>> -> memref<2496x16xf32, #tpu.memory_space<vmem>>
    %dma_wait3A_118 = arith.constant 5000 : i32
    %dma_wait3A_119 = tpu.memref_slice %arg8[%dma_wait3A_118] : memref<10000xi32, #tpu.memory_space<vmem>> -> memref<2496xi32, #tpu.memory_space<vmem>>
    %dma_wait3A_120 = arith.constant 0 : i32
    %dma_wait3A_121 = arith.constant 0 : i32
    %dma_wait3A_122 = tpu.memref_slice %arg11[%dma_wait3A_120, %dma_wait3A_121] : memref<10112x16xf32, #tpu.memory_space<vmem_shared>> -> memref<10112x16xf32, #tpu.memory_space<vmem_shared>>
    tpu.wait_indirect_dma semaphore(%arg13 : memref<!tpu.dma_semaphore, #tpu.memory_space<semaphore_mem>>) src(%dma_wait3A_117 : memref<2496x16xf32, #tpu.memory_space<vmem>>) dst(%dma_wait3A_122 : memref<10112x16xf32, #tpu.memory_space<vmem_shared>>)
    %dma_wait3A_123 = arith.constant 0 : i32
    %dma_wait3A_124 = arith.constant 0 : i32
    %dma_wait3A_125 = tpu.memref_slice %arg10[%dma_wait3A_123, %dma_wait3A_124] : memref<2504x16xf32, #tpu.memory_space<vmem>> -> memref<2504x16xf32, #tpu.memory_space<vmem>>
    %dma_wait3A_126 = arith.constant 7496 : i32
    %dma_wait3A_127 = tpu.memref_slice %arg8[%dma_wait3A_126] : memref<10000xi32, #tpu.memory_space<vmem>> -> memref<2504xi32, #tpu.memory_space<vmem>>
    %dma_wait3A_128 = arith.constant 0 : i32
    %dma_wait3A_129 = arith.constant 0 : i32
    %dma_wait3A_130 = tpu.memref_slice %arg11[%dma_wait3A_128, %dma_wait3A_129] : memref<10112x16xf32, #tpu.memory_space<vmem_shared>> -> memref<10112x16xf32, #tpu.memory_space<vmem_shared>>
    tpu.wait_indirect_dma semaphore(%arg13 : memref<!tpu.dma_semaphore, #tpu.memory_space<semaphore_mem>>) src(%dma_wait3A_125 : memref<2504x16xf32, #tpu.memory_space<vmem>>) dst(%dma_wait3A_130 : memref<10112x16xf32, #tpu.memory_space<vmem_shared>>)
    %barrier3A_131 = arith.constant 0 : index
    tpu.barrier barrier_id(%barrier3A_131)
    %mul3A_132 = arith.constant 632 : i32
    %mul3A_133 = arith.muli %arg1, %mul3A_132 : i32
    %mul3A_134 = arith.constant 632 : i32
    %mul3A_135 = arith.muli %arg1, %mul3A_134 : i32
    "tpu.region"() ({
      %run_scoped3A = tpu.sem_alloc : memref<!tpu.dma_semaphore, #tpu.memory_space<semaphore_mem>>
      %dma_start3A_136 = arith.constant 0 : i32
      %dma_start3A_137 = tpu.memref_slice %arg6[%arg0, %mul3A_135, %dma_start3A_136] : memref<2x10112x16xf32, #tpu.memory_space<hbm>> -> memref<1x632x16xf32, #tpu.memory_space<hbm>>
      %dma_start3A_138 = tpu.memref_squeeze %dma_start3A_137 : memref<1x632x16xf32, #tpu.memory_space<hbm>> -> memref<632x16xf32, #tpu.memory_space<hbm>>
      %dma_start3A_139 = arith.constant 0 : i32
      %dma_start3A_140 = tpu.memref_slice %arg11[%mul3A_133, %dma_start3A_139] : memref<10112x16xf32, #tpu.memory_space<vmem_shared>> -> memref<632x16xf32, #tpu.memory_space<vmem_shared>>
      tpu.enqueue_dma source(%dma_start3A_140 : memref<632x16xf32, #tpu.memory_space<vmem_shared>>) target(%dma_start3A_138 : memref<632x16xf32, #tpu.memory_space<hbm>>) target_semaphore(%run_scoped3A : memref<!tpu.dma_semaphore, #tpu.memory_space<semaphore_mem>>)
      %dma_wait3A_141 = arith.constant 0 : i32
      %dma_wait3A_142 = tpu.memref_slice %arg6[%arg0, %mul3A_135, %dma_wait3A_141] : memref<2x10112x16xf32, #tpu.memory_space<hbm>> -> memref<1x632x16xf32, #tpu.memory_space<hbm>>
      %dma_wait3A_143 = tpu.memref_squeeze %dma_wait3A_142 : memref<1x632x16xf32, #tpu.memory_space<hbm>> -> memref<632x16xf32, #tpu.memory_space<hbm>>
      %dma_wait3A_144 = arith.constant 0 : i32
      %dma_wait3A_145 = tpu.memref_slice %arg11[%mul3A_133, %dma_wait3A_144] : memref<10112x16xf32, #tpu.memory_space<vmem_shared>> -> memref<632x16xf32, #tpu.memory_space<vmem_shared>>
      tpu.wait_dma2 semaphore(%run_scoped3A : memref<!tpu.dma_semaphore, #tpu.memory_space<semaphore_mem>>) src(%dma_wait3A_145 : memref<632x16xf32, #tpu.memory_space<vmem_shared>>) dst(%dma_wait3A_143 : memref<632x16xf32, #tpu.memory_space<hbm>>)
      tpu.yield
    }) : () -> ()
    return
  }
}

module attributes {stable_mosaic.version = 14 : i64} {
  func.func @_tc_a(%arg0: i32, %arg1: memref<2x5056x16xf32, #tpu.memory_space<vmem>>, %arg2: memref<5056x128xf32, #tpu.memory_space<vmem>>, %arg3: memref<128x16xf32, #tpu.memory_space<vmem>>, %arg4: memref<5056x16xf32, #tpu.memory_space<vmem>>, %arg5: memref<5056x16xf32, #tpu.memory_space<vmem>>) attributes {dimension_semantics = [#tpu.dimension_semantics<arbitrary>], iteration_bounds = array<i64: 2>, scalar_prefetch = 0 : i64, scratch_operands = 0 : i64, tpu.core_type = #tpu.core_type<tc>, window_params = [{transform_indices = @transform_0, window_bounds = array<i64: 2, 5056, 16>}, {transform_indices = @transform_1, window_bounds = array<i64: 5056, 128>}, {pipeline_mode = #tpu.pipeline_mode<synchronous>, transform_indices = @transform_2, window_bounds = array<i64: 128, 16>}, {transform_indices = @transform_3, window_bounds = array<i64: 5056, 16>}, {transform_indices = @transform_4, window_bounds = array<i64: 5056, 16>}]} {
    %get3A = arith.constant 0 : index
    %get3A_0 = arith.constant 0 : index
    %get3A_1 = arith.constant 0 : index
    %get3A_2 = vector.load %arg1[%get3A, %get3A_0, %get3A_1] : memref<2x5056x16xf32, #tpu.memory_space<vmem>>, vector<2x5056x16xf32>
    %slice3A = vector.extract_strided_slice %get3A_2 {offsets = [0, 0, 0], sizes = [1, 5056, 16], strides = [1, 1, 1]} : vector<2x5056x16xf32> to vector<1x5056x16xf32>
    %squeeze3A = vector.shape_cast %slice3A : vector<1x5056x16xf32> to vector<5056x16xf32>
    %slice3A_3 = vector.extract_strided_slice %get3A_2 {offsets = [1, 0, 0], sizes = [1, 5056, 16], strides = [1, 1, 1]} : vector<2x5056x16xf32> to vector<1x5056x16xf32>
    %squeeze3A_4 = vector.shape_cast %slice3A_3 : vector<1x5056x16xf32> to vector<5056x16xf32>
    %add3A = arith.addf %squeeze3A, %squeeze3A_4 : vector<5056x16xf32>
    %add3A_5 = arith.constant 1.000000e+00 : f32
    %add3A_6 = vector.broadcast %add3A_5 : f32 to vector<5056x16xf32>
    %add3A_7 = arith.addf %add3A, %add3A_6 : vector<5056x16xf32>
    %mul3A = arith.constant 5056 : i32
    %mul3A_8 = arith.muli %arg0, %mul3A : i32
    %iota3A = tpu.iota {dimensions = array<i32: 0>} : vector<5056x16xi32>
    %add3A_9 = vector.broadcast %mul3A_8 : i32 to vector<5056x16xi32>
    %add3A_10 = arith.addi %add3A_9, %iota3A : vector<5056x16xi32>
    %lt3A = arith.constant 10000 : i32
    %lt3A_11 = vector.broadcast %lt3A : i32 to vector<5056x16xi32>
    %lt3A_12 = arith.cmpi slt, %add3A_10, %lt3A_11 : vector<5056x16xi32>
    %rsqrt3A = math.rsqrt %add3A_7 : vector<5056x16xf32>
    %jit3A = arith.constant 0.000000e+00 : f32
    %broadcast_in_dim3A = vector.broadcast %jit3A : f32 to vector<5056x16xf32>
    %select_n3A = arith.select %lt3A_12, %rsqrt3A, %broadcast_in_dim3A : vector<5056x16xi1>, vector<5056x16xf32>
    %get3A_13 = arith.constant 0 : index
    %get3A_14 = arith.constant 0 : index
    %get3A_15 = vector.load %arg2[%get3A_13, %get3A_14] : memref<5056x128xf32, #tpu.memory_space<vmem>>, vector<5056x128xf32>
    %get3A_16 = arith.constant 0 : index
    %get3A_17 = arith.constant 0 : index
    %get3A_18 = vector.load %arg3[%get3A_16, %get3A_17] : memref<128x16xf32, #tpu.memory_space<vmem>>, vector<128x16xf32>
    %dot_general3A = arith.constant dense<0.000000e+00> : vector<5056x16xf32>
    %dot_general3A_19 = tpu.matmul %get3A_15, %get3A_18, %dot_general3A {dimension_numbers = #tpu.dot_dimension_numbers<[1], [0], [0], [1], [0, 0, 1, 1], [], []>, transpose_lhs_hint = false} : vector<5056x128xf32>, vector<128x16xf32>, vector<5056x16xf32> -> vector<5056x16xf32>
    %mul3A_20 = arith.mulf %dot_general3A_19, %select_n3A : vector<5056x16xf32>
    %swap3A = arith.constant 0 : index
    %swap3A_21 = arith.constant 0 : index
    %swap3A_22 = vector.load %arg4[%swap3A, %swap3A_21] : memref<5056x16xf32, #tpu.memory_space<vmem>>, vector<5056x16xf32>
    tpu.vector_store %arg4[%swap3A, %swap3A_21], %mul3A_20 {strides = array<i32>} : memref<5056x16xf32, #tpu.memory_space<vmem>>, vector<5056x16xf32>,
    %swap3A_23 = arith.constant 0 : index
    %swap3A_24 = arith.constant 0 : index
    %swap3A_25 = vector.load %arg5[%swap3A_23, %swap3A_24] : memref<5056x16xf32, #tpu.memory_space<vmem>>, vector<5056x16xf32>
    tpu.vector_store %arg5[%swap3A_23, %swap3A_24], %select_n3A {strides = array<i32>} : memref<5056x16xf32, #tpu.memory_space<vmem>>, vector<5056x16xf32>,
    return
  }
  func.func @transform_0(%arg0: i32) -> (i32, i32, i32) {
    %c0_i32 = arith.constant 0 : i32
    %c0_i32_0 = arith.constant 0 : i32
    %c0_i32_1 = arith.constant 0 : i32
    return %c0_i32, %arg0, %c0_i32_0 : i32, i32, i32
  }
  func.func @transform_1(%arg0: i32) -> (i32, i32) {
    %c0_i32 = arith.constant 0 : i32
    %c0_i32_0 = arith.constant 0 : i32
    return %arg0, %c0_i32 : i32, i32
  }
  func.func @transform_2(%arg0: i32) -> (i32, i32) {
    %c0_i32 = arith.constant 0 : i32
    %c0_i32_0 = arith.constant 0 : i32
    %c0_i32_1 = arith.constant 0 : i32
    return %c0_i32, %c0_i32_0 : i32, i32
  }
  func.func @transform_3(%arg0: i32) -> (i32, i32) {
    %c0_i32 = arith.constant 0 : i32
    %c0_i32_0 = arith.constant 0 : i32
    return %arg0, %c0_i32 : i32, i32
  }
  func.func @transform_4(%arg0: i32) -> (i32, i32) {
    %c0_i32 = arith.constant 0 : i32
    %c0_i32_0 = arith.constant 0 : i32
    return %arg0, %c0_i32 : i32, i32
  }
}

module attributes {stable_mosaic.version = 14 : i64} {
  func.func @_tc_b(%arg0: i32, %arg1: memref<2x5056x16xf32, #tpu.memory_space<vmem>>, %arg2: memref<5056x16xf32, #tpu.memory_space<vmem>>, %arg3: memref<5056x16xf32, #tpu.memory_space<vmem>>, %arg4: memref<1x16xf32, #tpu.memory_space<vmem>>, %arg5: memref<16x16xf32, #tpu.memory_space<vmem>>, %arg6: memref<5056x16xf32, #tpu.memory_space<vmem>>) attributes {dimension_semantics = [#tpu.dimension_semantics<arbitrary>], iteration_bounds = array<i64: 2>, scalar_prefetch = 0 : i64, scratch_operands = 0 : i64, tpu.core_type = #tpu.core_type<tc>, window_params = [{transform_indices = @transform_0, window_bounds = array<i64: 2, 5056, 16>}, {transform_indices = @transform_1, window_bounds = array<i64: 5056, 16>}, {transform_indices = @transform_2, window_bounds = array<i64: 5056, 16>}, {pipeline_mode = #tpu.pipeline_mode<synchronous>, transform_indices = @transform_3, window_bounds = array<i64: 1, 16>}, {pipeline_mode = #tpu.pipeline_mode<synchronous>, transform_indices = @transform_4, window_bounds = array<i64: 16, 16>}, {transform_indices = @transform_5, window_bounds = array<i64: 5056, 16>}]} {
    %get3A = arith.constant 0 : index
    %get3A_0 = arith.constant 0 : index
    %get3A_1 = arith.constant 0 : index
    %get3A_2 = vector.load %arg1[%get3A, %get3A_0, %get3A_1] : memref<2x5056x16xf32, #tpu.memory_space<vmem>>, vector<2x5056x16xf32>
    %get3A_3 = arith.constant 0 : index
    %get3A_4 = arith.constant 0 : index
    %get3A_5 = vector.load %arg3[%get3A_3, %get3A_4] : memref<5056x16xf32, #tpu.memory_space<vmem>>, vector<5056x16xf32>
    %slice3A = vector.extract_strided_slice %get3A_2 {offsets = [0, 0, 0], sizes = [1, 5056, 16], strides = [1, 1, 1]} : vector<2x5056x16xf32> to vector<1x5056x16xf32>
    %squeeze3A = vector.shape_cast %slice3A : vector<1x5056x16xf32> to vector<5056x16xf32>
    %slice3A_6 = vector.extract_strided_slice %get3A_2 {offsets = [1, 0, 0], sizes = [1, 5056, 16], strides = [1, 1, 1]} : vector<2x5056x16xf32> to vector<1x5056x16xf32>
    %squeeze3A_7 = vector.shape_cast %slice3A_6 : vector<1x5056x16xf32> to vector<5056x16xf32>
    %add3A = arith.addf %squeeze3A, %squeeze3A_7 : vector<5056x16xf32>
    %get3A_8 = arith.constant 0 : index
    %get3A_9 = arith.constant 0 : index
    %get3A_10 = vector.load %arg2[%get3A_8, %get3A_9] : memref<5056x16xf32, #tpu.memory_space<vmem>>, vector<5056x16xf32>
    %add3A_11 = arith.addf %add3A, %get3A_10 : vector<5056x16xf32>
    %mul3A = arith.mulf %add3A_11, %get3A_5 : vector<5056x16xf32>
    %get3A_12 = arith.constant 0 : index
    %get3A_13 = arith.constant 0 : index
    %get3A_14 = vector.load %arg4[%get3A_12, %get3A_13] : memref<1x16xf32, #tpu.memory_space<vmem>>, vector<1x16xf32>
    %add3A_15 = vector.broadcast %get3A_14 : vector<1x16xf32> to vector<5056x16xf32>
    %add3A_16 = arith.addf %mul3A, %add3A_15 : vector<5056x16xf32>
    %max3A = arith.constant 0.000000e+00 : f32
    %max3A_17 = vector.broadcast %max3A : f32 to vector<5056x16xf32>
    %max3A_18 = arith.maximumf %add3A_16, %max3A_17 : vector<5056x16xf32>
    %get3A_19 = arith.constant 0 : index
    %get3A_20 = arith.constant 0 : index
    %get3A_21 = vector.load %arg5[%get3A_19, %get3A_20] : memref<16x16xf32, #tpu.memory_space<vmem>>, vector<16x16xf32>
    %dot_general3A = arith.constant dense<0.000000e+00> : vector<5056x16xf32>
    %dot_general3A_22 = tpu.matmul %max3A_18, %get3A_21, %dot_general3A {dimension_numbers = #tpu.dot_dimension_numbers<[1], [0], [0], [1], [0, 0, 1, 1], [], []>, transpose_lhs_hint = false} : vector<5056x16xf32>, vector<16x16xf32>, vector<5056x16xf32> -> vector<5056x16xf32>
    %mul3A_23 = arith.mulf %dot_general3A_22, %get3A_5 : vector<5056x16xf32>
    %swap3A = arith.constant 0 : index
    %swap3A_24 = arith.constant 0 : index
    %swap3A_25 = vector.load %arg6[%swap3A, %swap3A_24] : memref<5056x16xf32, #tpu.memory_space<vmem>>, vector<5056x16xf32>
    tpu.vector_store %arg6[%swap3A, %swap3A_24], %mul3A_23 {strides = array<i32>} : memref<5056x16xf32, #tpu.memory_space<vmem>>, vector<5056x16xf32>,
    return
  }
  func.func @transform_0(%arg0: i32) -> (i32, i32, i32) {
    %c0_i32 = arith.constant 0 : i32
    %c0_i32_0 = arith.constant 0 : i32
    %c0_i32_1 = arith.constant 0 : i32
    return %c0_i32, %arg0, %c0_i32_0 : i32, i32, i32
  }
  func.func @transform_1(%arg0: i32) -> (i32, i32) {
    %c0_i32 = arith.constant 0 : i32
    %c0_i32_0 = arith.constant 0 : i32
    return %arg0, %c0_i32 : i32, i32
  }
  func.func @transform_2(%arg0: i32) -> (i32, i32) {
    %c0_i32 = arith.constant 0 : i32
    %c0_i32_0 = arith.constant 0 : i32
    return %arg0, %c0_i32 : i32, i32
  }
  func.func @transform_3(%arg0: i32) -> (i32, i32) {
    %c0_i32 = arith.constant 0 : i32
    %c0_i32_0 = arith.constant 0 : i32
    %c0_i32_1 = arith.constant 0 : i32
    return %c0_i32, %c0_i32_0 : i32, i32
  }
  func.func @transform_4(%arg0: i32) -> (i32, i32) {
    %c0_i32 = arith.constant 0 : i32
    %c0_i32_0 = arith.constant 0 : i32
    %c0_i32_1 = arith.constant 0 : i32
    return %c0_i32, %c0_i32_0 : i32, i32
  }
  func.func @transform_5(%arg0: i32) -> (i32, i32) {
    %c0_i32 = arith.constant 0 : i32
    %c0_i32_0 = arith.constant 0 : i32
    return %arg0, %c0_i32 : i32, i32
  }
}

module attributes {stable_mosaic.version = 14 : i64} {
  func.func @_tc_c(%arg0: i32, %arg1: memref<2x5056x16xf32, #tpu.memory_space<vmem>>, %arg2: memref<5056x16xf32, #tpu.memory_space<vmem>>, %arg3: memref<5056x16xf32, #tpu.memory_space<vmem>>, %arg4: memref<1x16xf32, #tpu.memory_space<vmem>>, %arg5: memref<16x16xf32, #tpu.memory_space<vmem>>, %arg6: memref<5056x16xf32, #tpu.memory_space<vmem>>, %arg7: memref<5056x16xf32, #tpu.memory_space<vmem>>) attributes {dimension_semantics = [#tpu.dimension_semantics<arbitrary>], iteration_bounds = array<i64: 2>, scalar_prefetch = 0 : i64, scratch_operands = 0 : i64, tpu.core_type = #tpu.core_type<tc>, window_params = [{transform_indices = @transform_0, window_bounds = array<i64: 2, 5056, 16>}, {transform_indices = @transform_1, window_bounds = array<i64: 5056, 16>}, {transform_indices = @transform_2, window_bounds = array<i64: 5056, 16>}, {pipeline_mode = #tpu.pipeline_mode<synchronous>, transform_indices = @transform_3, window_bounds = array<i64: 1, 16>}, {pipeline_mode = #tpu.pipeline_mode<synchronous>, transform_indices = @transform_4, window_bounds = array<i64: 16, 16>}, {transform_indices = @transform_5, window_bounds = array<i64: 5056, 16>}, {transform_indices = @transform_6, window_bounds = array<i64: 5056, 16>}]} {
    %get3A = arith.constant 0 : index
    %get3A_0 = arith.constant 0 : index
    %get3A_1 = arith.constant 0 : index
    %get3A_2 = vector.load %arg1[%get3A, %get3A_0, %get3A_1] : memref<2x5056x16xf32, #tpu.memory_space<vmem>>, vector<2x5056x16xf32>
    %get3A_3 = arith.constant 0 : index
    %get3A_4 = arith.constant 0 : index
    %get3A_5 = vector.load %arg3[%get3A_3, %get3A_4] : memref<5056x16xf32, #tpu.memory_space<vmem>>, vector<5056x16xf32>
    %slice3A = vector.extract_strided_slice %get3A_2 {offsets = [0, 0, 0], sizes = [1, 5056, 16], strides = [1, 1, 1]} : vector<2x5056x16xf32> to vector<1x5056x16xf32>
    %squeeze3A = vector.shape_cast %slice3A : vector<1x5056x16xf32> to vector<5056x16xf32>
    %slice3A_6 = vector.extract_strided_slice %get3A_2 {offsets = [1, 0, 0], sizes = [1, 5056, 16], strides = [1, 1, 1]} : vector<2x5056x16xf32> to vector<1x5056x16xf32>
    %squeeze3A_7 = vector.shape_cast %slice3A_6 : vector<1x5056x16xf32> to vector<5056x16xf32>
    %add3A = arith.addf %squeeze3A, %squeeze3A_7 : vector<5056x16xf32>
    %get3A_8 = arith.constant 0 : index
    %get3A_9 = arith.constant 0 : index
    %get3A_10 = vector.load %arg2[%get3A_8, %get3A_9] : memref<5056x16xf32, #tpu.memory_space<vmem>>, vector<5056x16xf32>
    %add3A_11 = arith.addf %add3A, %get3A_10 : vector<5056x16xf32>
    %mul3A = arith.mulf %add3A_11, %get3A_5 : vector<5056x16xf32>
    %get3A_12 = arith.constant 0 : index
    %get3A_13 = arith.constant 0 : index
    %get3A_14 = vector.load %arg4[%get3A_12, %get3A_13] : memref<1x16xf32, #tpu.memory_space<vmem>>, vector<1x16xf32>
    %add3A_15 = vector.broadcast %get3A_14 : vector<1x16xf32> to vector<5056x16xf32>
    %add3A_16 = arith.addf %mul3A, %add3A_15 : vector<5056x16xf32>
    %mul3A_17 = arith.mulf %add3A_16, %add3A_16 : vector<5056x16xf32>
    %reduce_sum3A = arith.constant dense<0.000000e+00> : vector<5056xf32>
    %reduce_sum3A_18 = vector.multi_reduction <add>, %mul3A_17, %reduce_sum3A [1] : vector<5056x16xf32> to vector<5056xf32>
    %broadcast_in_dim3A = vector.shape_cast %reduce_sum3A_18 : vector<5056xf32> to vector<5056x1xf32>
    %sqrt3A = math.sqrt %broadcast_in_dim3A : vector<5056x1xf32>
    %max3A = arith.constant 9.99999996E-13 : f32
    %max3A_19 = vector.broadcast %max3A : f32 to vector<5056x1xf32>
    %max3A_20 = arith.maximumf %sqrt3A, %max3A_19 : vector<5056x1xf32>
    %div3A = vector.broadcast %max3A_20 : vector<5056x1xf32> to vector<5056x16xf32>
    %div3A_21 = arith.divf %add3A_16, %div3A : vector<5056x16xf32>
    %swap3A = arith.constant 0 : index
    %swap3A_22 = arith.constant 0 : index
    %swap3A_23 = vector.load %arg6[%swap3A, %swap3A_22] : memref<5056x16xf32, #tpu.memory_space<vmem>>, vector<5056x16xf32>
    tpu.vector_store %arg6[%swap3A, %swap3A_22], %div3A_21 {strides = array<i32>} : memref<5056x16xf32, #tpu.memory_space<vmem>>, vector<5056x16xf32>,
    %get3A_24 = arith.constant 0 : index
    %get3A_25 = arith.constant 0 : index
    %get3A_26 = vector.load %arg5[%get3A_24, %get3A_25] : memref<16x16xf32, #tpu.memory_space<vmem>>, vector<16x16xf32>
    %dot_general3A = arith.constant dense<0.000000e+00> : vector<5056x16xf32>
    %dot_general3A_27 = tpu.matmul %div3A_21, %get3A_26, %dot_general3A {dimension_numbers = #tpu.dot_dimension_numbers<[1], [0], [0], [1], [0, 0, 1, 1], [], []>, transpose_lhs_hint = false} : vector<5056x16xf32>, vector<16x16xf32>, vector<5056x16xf32> -> vector<5056x16xf32>
    %mul3A_28 = arith.mulf %dot_general3A_27, %get3A_5 : vector<5056x16xf32>
    %swap3A_29 = arith.constant 0 : index
    %swap3A_30 = arith.constant 0 : index
    %swap3A_31 = vector.load %arg7[%swap3A_29, %swap3A_30] : memref<5056x16xf32, #tpu.memory_space<vmem>>, vector<5056x16xf32>
    tpu.vector_store %arg7[%swap3A_29, %swap3A_30], %mul3A_28 {strides = array<i32>} : memref<5056x16xf32, #tpu.memory_space<vmem>>, vector<5056x16xf32>,
    return
  }
  func.func @transform_0(%arg0: i32) -> (i32, i32, i32) {
    %c0_i32 = arith.constant 0 : i32
    %c0_i32_0 = arith.constant 0 : i32
    %c0_i32_1 = arith.constant 0 : i32
    return %c0_i32, %arg0, %c0_i32_0 : i32, i32, i32
  }
  func.func @transform_1(%arg0: i32) -> (i32, i32) {
    %c0_i32 = arith.constant 0 : i32
    %c0_i32_0 = arith.constant 0 : i32
    return %arg0, %c0_i32 : i32, i32
  }
  func.func @transform_2(%arg0: i32) -> (i32, i32) {
    %c0_i32 = arith.constant 0 : i32
    %c0_i32_0 = arith.constant 0 : i32
    return %arg0, %c0_i32 : i32, i32
  }
  func.func @transform_3(%arg0: i32) -> (i32, i32) {
    %c0_i32 = arith.constant 0 : i32
    %c0_i32_0 = arith.constant 0 : i32
    %c0_i32_1 = arith.constant 0 : i32
    return %c0_i32, %c0_i32_0 : i32, i32
  }
  func.func @transform_4(%arg0: i32) -> (i32, i32) {
    %c0_i32 = arith.constant 0 : i32
    %c0_i32_0 = arith.constant 0 : i32
    %c0_i32_1 = arith.constant 0 : i32
    return %c0_i32, %c0_i32_0 : i32, i32
  }
  func.func @transform_5(%arg0: i32) -> (i32, i32) {
    %c0_i32 = arith.constant 0 : i32
    %c0_i32_0 = arith.constant 0 : i32
    return %arg0, %c0_i32 : i32, i32
  }
  func.func @transform_6(%arg0: i32) -> (i32, i32) {
    %c0_i32 = arith.constant 0 : i32
    %c0_i32_0 = arith.constant 0 : i32
    return %arg0, %c0_i32 : i32, i32
  }
}

module attributes {stable_mosaic.version = 14 : i64} {
  func.func @_tc_d(%arg0: i32, %arg1: memref<2x5056x16xf32, #tpu.memory_space<vmem>>, %arg2: memref<5056x16xf32, #tpu.memory_space<vmem>>, %arg3: memref<5056x16xf32, #tpu.memory_space<vmem>>, %arg4: memref<1x16xf32, #tpu.memory_space<vmem>>, %arg5: memref<16x16xf32, #tpu.memory_space<vmem>>, %arg6: memref<1x16xf32, #tpu.memory_space<vmem>>, %arg7: memref<16x10xf32, #tpu.memory_space<vmem>>, %arg8: memref<1x10xf32, #tpu.memory_space<vmem>>, %arg9: memref<1x10xf32, #tpu.memory_space<vmem>>, %arg10: memref<5056x16xf32, #tpu.memory_space<vmem>>, %arg11: memref<1x16xf32, #tpu.memory_space<vmem>>) attributes {dimension_semantics = [#tpu.dimension_semantics<arbitrary>], iteration_bounds = array<i64: 2>, scalar_prefetch = 0 : i64, scratch_operands = 1 : i64, tpu.core_type = #tpu.core_type<tc>, window_params = [{transform_indices = @transform_0, window_bounds = array<i64: 2, 5056, 16>}, {transform_indices = @transform_1, window_bounds = array<i64: 5056, 16>}, {transform_indices = @transform_2, window_bounds = array<i64: 5056, 16>}, {pipeline_mode = #tpu.pipeline_mode<synchronous>, transform_indices = @transform_3, window_bounds = array<i64: 1, 16>}, {pipeline_mode = #tpu.pipeline_mode<synchronous>, transform_indices = @transform_4, window_bounds = array<i64: 16, 16>}, {pipeline_mode = #tpu.pipeline_mode<synchronous>, transform_indices = @transform_5, window_bounds = array<i64: 1, 16>}, {pipeline_mode = #tpu.pipeline_mode<synchronous>, transform_indices = @transform_6, window_bounds = array<i64: 16, 10>}, {pipeline_mode = #tpu.pipeline_mode<synchronous>, transform_indices = @transform_7, window_bounds = array<i64: 1, 10>}, {pipeline_mode = #tpu.pipeline_mode<synchronous>, transform_indices = @transform_8, window_bounds = array<i64: 1, 10>}, {transform_indices = @transform_9, window_bounds = array<i64: 5056, 16>}]} {
    %get3A = arith.constant 0 : index
    %get3A_0 = arith.constant 0 : index
    %get3A_1 = arith.constant 0 : index
    %get3A_2 = vector.load %arg1[%get3A, %get3A_0, %get3A_1] : memref<2x5056x16xf32, #tpu.memory_space<vmem>>, vector<2x5056x16xf32>
    %get3A_3 = arith.constant 0 : index
    %get3A_4 = arith.constant 0 : index
    %get3A_5 = vector.load %arg3[%get3A_3, %get3A_4] : memref<5056x16xf32, #tpu.memory_space<vmem>>, vector<5056x16xf32>
    %slice3A = vector.extract_strided_slice %get3A_2 {offsets = [0, 0, 0], sizes = [1, 5056, 16], strides = [1, 1, 1]} : vector<2x5056x16xf32> to vector<1x5056x16xf32>
    %squeeze3A = vector.shape_cast %slice3A : vector<1x5056x16xf32> to vector<5056x16xf32>
    %slice3A_6 = vector.extract_strided_slice %get3A_2 {offsets = [1, 0, 0], sizes = [1, 5056, 16], strides = [1, 1, 1]} : vector<2x5056x16xf32> to vector<1x5056x16xf32>
    %squeeze3A_7 = vector.shape_cast %slice3A_6 : vector<1x5056x16xf32> to vector<5056x16xf32>
    %add3A = arith.addf %squeeze3A, %squeeze3A_7 : vector<5056x16xf32>
    %get3A_8 = arith.constant 0 : index
    %get3A_9 = arith.constant 0 : index
    %get3A_10 = vector.load %arg2[%get3A_8, %get3A_9] : memref<5056x16xf32, #tpu.memory_space<vmem>>, vector<5056x16xf32>
    %add3A_11 = arith.addf %add3A, %get3A_10 : vector<5056x16xf32>
    %mul3A = arith.mulf %add3A_11, %get3A_5 : vector<5056x16xf32>
    %get3A_12 = arith.constant 0 : index
    %get3A_13 = arith.constant 0 : index
    %get3A_14 = vector.load %arg4[%get3A_12, %get3A_13] : memref<1x16xf32, #tpu.memory_space<vmem>>, vector<1x16xf32>
    %add3A_15 = vector.broadcast %get3A_14 : vector<1x16xf32> to vector<5056x16xf32>
    %add3A_16 = arith.addf %mul3A, %add3A_15 : vector<5056x16xf32>
    %get3A_17 = arith.constant 0 : index
    %get3A_18 = arith.constant 0 : index
    %get3A_19 = vector.load %arg5[%get3A_17, %get3A_18] : memref<16x16xf32, #tpu.memory_space<vmem>>, vector<16x16xf32>
    %dot_general3A = arith.constant dense<0.000000e+00> : vector<5056x16xf32>
    %dot_general3A_20 = tpu.matmul %add3A_16, %get3A_19, %dot_general3A {dimension_numbers = #tpu.dot_dimension_numbers<[1], [0], [0], [1], [0, 0, 1, 1], [], []>, transpose_lhs_hint = false} : vector<5056x16xf32>, vector<16x16xf32>, vector<5056x16xf32> -> vector<5056x16xf32>
    %get3A_21 = arith.constant 0 : index
    %get3A_22 = arith.constant 0 : index
    %get3A_23 = vector.load %arg6[%get3A_21, %get3A_22] : memref<1x16xf32, #tpu.memory_space<vmem>>, vector<1x16xf32>
    %add3A_24 = vector.broadcast %get3A_23 : vector<1x16xf32> to vector<5056x16xf32>
    %add3A_25 = arith.addf %dot_general3A_20, %add3A_24 : vector<5056x16xf32>
    %swap3A = arith.constant 0 : index
    %swap3A_26 = arith.constant 0 : index
    %swap3A_27 = vector.load %arg10[%swap3A, %swap3A_26] : memref<5056x16xf32, #tpu.memory_space<vmem>>, vector<5056x16xf32>
    tpu.vector_store %arg10[%swap3A, %swap3A_26], %add3A_25 {strides = array<i32>} : memref<5056x16xf32, #tpu.memory_space<vmem>>, vector<5056x16xf32>,
    %mul3A_28 = arith.constant 5056 : i32
    %mul3A_29 = arith.muli %arg0, %mul3A_28 : i32
    %iota3A = tpu.iota {dimensions = array<i32: 0>} : vector<5056x16xi32>
    %add3A_30 = vector.broadcast %mul3A_29 : i32 to vector<5056x16xi32>
    %add3A_31 = arith.addi %add3A_30, %iota3A : vector<5056x16xi32>
    %lt3A = arith.constant 10000 : i32
    %lt3A_32 = vector.broadcast %lt3A : i32 to vector<5056x16xi32>
    %lt3A_33 = arith.cmpi slt, %add3A_31, %lt3A_32 : vector<5056x16xi32>
    %jit3A = arith.constant 0.000000e+00 : f32
    %broadcast_in_dim3A = vector.broadcast %jit3A : f32 to vector<5056x16xf32>
    %select_n3A = arith.select %lt3A_33, %add3A_25, %broadcast_in_dim3A : vector<5056x16xi1>, vector<5056x16xf32>
    %reduce_sum3A = arith.constant dense<0.000000e+00> : vector<16xf32>
    %reduce_sum3A_34 = vector.multi_reduction <add>, %select_n3A, %reduce_sum3A [0] : vector<5056x16xf32> to vector<16xf32>
    %broadcast_in_dim3A_35 = vector.shape_cast %reduce_sum3A_34 : vector<16xf32> to vector<1x16xf32>
    %eq3A = arith.constant 0 : i32
    %eq3A_36 = arith.cmpi eq, %arg0, %eq3A : i32
    %convert_element_type3A = arith.extui %eq3A_36 : i1 to i32
    %cond3A = arith.constant 0 : i32
    %cond3A_37 = arith.cmpi ne, %convert_element_type3A, %cond3A : i32
    scf.if %cond3A_37 {
      %swap3A_47 = arith.constant 0 : index
      %swap3A_48 = arith.constant 0 : index
      %swap3A_49 = vector.load %arg11[%swap3A_47, %swap3A_48] : memref<1x16xf32, #tpu.memory_space<vmem>>, vector<1x16xf32>
      tpu.vector_store %arg11[%swap3A_47, %swap3A_48], %broadcast_in_dim3A_35 {strides = array<i32>} : memref<1x16xf32, #tpu.memory_space<vmem>>, vector<1x16xf32>,
    } else {
    }
    %gt3A = arith.constant 0 : i32
    %gt3A_38 = arith.cmpi sgt, %arg0, %gt3A : i32
    %convert_element_type3A_39 = arith.extui %gt3A_38 : i1 to i32
    %cond3A_40 = arith.constant 0 : i32
    %cond3A_41 = arith.cmpi ne, %convert_element_type3A_39, %cond3A_40 : i32
    scf.if %cond3A_41 {
      %get3A_47 = arith.constant 0 : index
      %get3A_48 = arith.constant 0 : index
      %get3A_49 = vector.load %arg11[%get3A_47, %get3A_48] : memref<1x16xf32, #tpu.memory_space<vmem>>, vector<1x16xf32>
      %add3A_50 = arith.addf %get3A_49, %broadcast_in_dim3A_35 : vector<1x16xf32>
      %swap3A_51 = arith.constant 0 : index
      %swap3A_52 = arith.constant 0 : index
      %swap3A_53 = vector.load %arg11[%swap3A_51, %swap3A_52] : memref<1x16xf32, #tpu.memory_space<vmem>>, vector<1x16xf32>
      tpu.vector_store %arg11[%swap3A_51, %swap3A_52], %add3A_50 {strides = array<i32>} : memref<1x16xf32, #tpu.memory_space<vmem>>, vector<1x16xf32>,
    } else {
    }
    %eq3A_42 = arith.constant 1 : i32
    %eq3A_43 = arith.cmpi eq, %arg0, %eq3A_42 : i32
    %convert_element_type3A_44 = arith.extui %eq3A_43 : i1 to i32
    %cond3A_45 = arith.constant 0 : i32
    %cond3A_46 = arith.cmpi ne, %convert_element_type3A_44, %cond3A_45 : i32
    scf.if %cond3A_46 {
      %get3A_47 = arith.constant 0 : index
      %get3A_48 = arith.constant 0 : index
      %get3A_49 = vector.load %arg11[%get3A_47, %get3A_48] : memref<1x16xf32, #tpu.memory_space<vmem>>, vector<1x16xf32>
      %mul3A_50 = arith.constant 9.99999974E-5 : f32
      %mul3A_51 = vector.broadcast %mul3A_50 : f32 to vector<1x16xf32>
      %mul3A_52 = arith.mulf %get3A_49, %mul3A_51 : vector<1x16xf32>
      %get3A_53 = arith.constant 0 : index
      %get3A_54 = arith.constant 0 : index
      %get3A_55 = vector.load %arg7[%get3A_53, %get3A_54] : memref<16x10xf32, #tpu.memory_space<vmem>>, vector<16x10xf32>
      %dot_general3A_56 = arith.constant dense<0.000000e+00> : vector<1x10xf32>
      %dot_general3A_57 = tpu.matmul %mul3A_52, %get3A_55, %dot_general3A_56 {dimension_numbers = #tpu.dot_dimension_numbers<[1], [0], [0], [1], [0, 0, 1, 1], [], []>, transpose_lhs_hint = false} : vector<1x16xf32>, vector<16x10xf32>, vector<1x10xf32> -> vector<1x10xf32>
      %get3A_58 = arith.constant 0 : index
      %get3A_59 = arith.constant 0 : index
      %get3A_60 = vector.load %arg8[%get3A_58, %get3A_59] : memref<1x10xf32, #tpu.memory_space<vmem>>, vector<1x10xf32>
      %add3A_61 = arith.addf %dot_general3A_57, %get3A_60 : vector<1x10xf32>
      %reduce_max3A = arith.constant dense<0xFF800000> : vector<1xf32>
      %reduce_max3A_62 = vector.multi_reduction <maximumf>, %add3A_61, %reduce_max3A [1] : vector<1x10xf32> to vector<1xf32>
      %broadcast_in_dim3A_63 = vector.shape_cast %reduce_max3A_62 : vector<1xf32> to vector<1x1xf32>
      %sub3A = vector.broadcast %broadcast_in_dim3A_63 : vector<1x1xf32> to vector<1x10xf32>
      %sub3A_64 = arith.subf %add3A_61, %sub3A : vector<1x10xf32>
      %exp3A = math.exp %sub3A_64 : vector<1x10xf32>
      %reduce_sum3A_65 = arith.constant dense<0.000000e+00> : vector<1xf32>
      %reduce_sum3A_66 = vector.multi_reduction <add>, %exp3A, %reduce_sum3A_65 [1] : vector<1x10xf32> to vector<1xf32>
      %broadcast_in_dim3A_67 = vector.shape_cast %reduce_sum3A_66 : vector<1xf32> to vector<1x1xf32>
      %log3A = math.log %broadcast_in_dim3A_67 : vector<1x1xf32>
      %sub3A_68 = vector.broadcast %log3A : vector<1x1xf32> to vector<1x10xf32>
      %sub3A_69 = arith.subf %sub3A_64, %sub3A_68 : vector<1x10xf32>
      %swap3A_70 = arith.constant 0 : index
      %swap3A_71 = arith.constant 0 : index
      %swap3A_72 = vector.load %arg9[%swap3A_70, %swap3A_71] : memref<1x10xf32, #tpu.memory_space<vmem>>, vector<1x10xf32>
      tpu.vector_store %arg9[%swap3A_70, %swap3A_71], %sub3A_69 {strides = array<i32>} : memref<1x10xf32, #tpu.memory_space<vmem>>, vector<1x10xf32>,
    } else {
    }
    return
  }
  func.func @transform_0(%arg0: i32) -> (i32, i32, i32) {
    %c0_i32 = arith.constant 0 : i32
    %c0_i32_0 = arith.constant 0 : i32
    %c0_i32_1 = arith.constant 0 : i32
    return %c0_i32, %arg0, %c0_i32_0 : i32, i32, i32
  }
  func.func @transform_1(%arg0: i32) -> (i32, i32) {
    %c0_i32 = arith.constant 0 : i32
    %c0_i32_0 = arith.constant 0 : i32
    return %arg0, %c0_i32 : i32, i32
  }
  func.func @transform_2(%arg0: i32) -> (i32, i32) {
    %c0_i32 = arith.constant 0 : i32
    %c0_i32_0 = arith.constant 0 : i32
    return %arg0, %c0_i32 : i32, i32
  }
  func.func @transform_3(%arg0: i32) -> (i32, i32) {
    %c0_i32 = arith.constant 0 : i32
    %c0_i32_0 = arith.constant 0 : i32
    %c0_i32_1 = arith.constant 0 : i32
    return %c0_i32, %c0_i32_0 : i32, i32
  }
  func.func @transform_4(%arg0: i32) -> (i32, i32) {
    %c0_i32 = arith.constant 0 : i32
    %c0_i32_0 = arith.constant 0 : i32
    %c0_i32_1 = arith.constant 0 : i32
    return %c0_i32, %c0_i32_0 : i32, i32
  }
  func.func @transform_5(%arg0: i32) -> (i32, i32) {
    %c0_i32 = arith.constant 0 : i32
    %c0_i32_0 = arith.constant 0 : i32
    %c0_i32_1 = arith.constant 0 : i32
    return %c0_i32, %c0_i32_0 : i32, i32
  }
  func.func @transform_6(%arg0: i32) -> (i32, i32) {
    %c0_i32 = arith.constant 0 : i32
    %c0_i32_0 = arith.constant 0 : i32
    %c0_i32_1 = arith.constant 0 : i32
    return %c0_i32, %c0_i32_0 : i32, i32
  }
  func.func @transform_7(%arg0: i32) -> (i32, i32) {
    %c0_i32 = arith.constant 0 : i32
    %c0_i32_0 = arith.constant 0 : i32
    %c0_i32_1 = arith.constant 0 : i32
    return %c0_i32, %c0_i32_0 : i32, i32
  }
  func.func @transform_8(%arg0: i32) -> (i32, i32) {
    %c0_i32 = arith.constant 0 : i32
    %c0_i32_0 = arith.constant 0 : i32
    %c0_i32_1 = arith.constant 0 : i32
    return %c0_i32, %c0_i32_0 : i32, i32
  }
  func.func @transform_9(%arg0: i32) -> (i32, i32) {
    %c0_i32 = arith.constant 0 : i32
    %c0_i32_0 = arith.constant 0 : i32
    return %arg0, %c0_i32 : i32, i32
  }
}

</mosaic_0001>

<sc_bundles>
// kernel: kernel.10.cloned.1.call-start
scs
__scs_entry_jumppad:
0x0: {  	(pc) =	sbr.rel $0x88, $3  }
0x1: {  	(tag) =	ssettag $0x0;
	lr =	simm.s32 $0x1  }
0x2: {  	[smem:$0x3F95] =	sst lr;
	_ =	strace $0xD0000000  }
0x3: {  	_ = 	snop  }
0x4: {  	_ = 	snop  }
0x5: {  	_ = 	snop  }
0x6: {  	_ = 	snop  }
0x7: {  	_ = 	snop  }
__scs_overlays_trampoline_lowered:
0x8: {  	[smem:$0x3FA4] =	sst s0  }
0x9: {  	[smem:$0x3FA5] =	sst s1  }
0xa: {  	[smem:$0x3FA6] =	sst s2  }
0xb: {  	[smem:$0x3FA7] =	sst s3  }
0xc: {  	[smem:$0x3FA8] =	sst s4  }
0xd: {  	[smem:$0x3FA9] =	sst s5  }
0xe: {  	[smem:$0x3FAA] =	sst s6  }
0xf: {  	[smem:$0x3FAB] =	sst s7  }
0x10: {  	[smem:$0x3FAC] =	sst s8  }
0x11: {  	[smem:$0x3FAD] =	sst s9;
	s0 =	simm.s32 @!p0 $0x0  }
0x12: {  	s1 =	sld [smem:$0x3F93];
	s0 =	simm.s32 @p0 $0x1  }
0x13: {  	[smem:$0x3FAE] =	sst s0;
	s0 =	simm.s32 @!p1 $0x0  }
0x14: {  	s2 =	sld [smem:$0x3F92];
	s0 =	simm.s32 @p1 $0x1  }
0x15: {  	[smem:$0x3FAF] =	sst s0;
	s0 =	simm.s32 @!p2 $0x0  }
0x16: {  	s3 =	sld [smem:$0x3FDB];
	s0 =	simm.s32 @p2 $0x1  }
0x17: {  	s4 =	simm.s32 $0x1BF5;
	[smem:$0x3FB1] =	sst s0  }
0x18: {  	s0 =	sld [smem:$0x3F94];
	_ =	swait.ge [sflag:s4], $0x0  }
0x19: {  	s7 =	sld [smem:$0x3F95]  }
0x1a: {  	s8 =	sadd.s32 $0xFFFFE003, lr  }
0x1b: {  	s9 =	sadd.s32 $0xFFFFFEF7, lr;
	s5 =	simm.s32 $0xFFFFFFFF;
	p2 =	slt.u32 s8, $0xFFFFF086  }
0x1c: {  	p1 =	slt.u32 s9, $0xF7A;
	s5 =	simm.s32 @!p2 $0x0  }
0x1d: {  	s5 =	simm.s32 @p1 $0x1;
	p0 =	seq.s32 s7, s2  }
0x1e: {  	s7 =	smul.u32 @!p0 $0xF7A, s2;
	p2 =	seq.s32 @!p0 s5, $0x0  }
0x1f: {  	s9 =	smul.u32 $0xF7A, s1;
	s8 =	simm.s32 @!p0 $0x1BF5;
	p2 =	por !p2, p0  }
0x20: {  	[sflag:s8] =	ssyncset.s32 @!p0 $0xFFFFF086;
	s6 =	sadd.s32 @!p0 s3, s7;
	s7 =	simm.s32 @!p0 $0x108  }
0x21: {  	s3 =	sadd.s32 s3, s9;
	s6 =	sadd.s32 @!p0 $0x88, s6;
	s7 =	simm.s32 @p2 $0x1082  }
0x22: {  	[simem:s7], [sflag:s8] =	dma.local @!p0 [hbm:s6], $0xF7A  }
0x23: {  	s9 =	sor.u32 $0xD0000000, s2;
	s6 =	simm.s32 $0x108;
	_ =	swait.ge @!p0 [sflag:s8], $0x0  }
0x24: {  	s3 =	sadd.s32 $0x88, s3;
	s6 =	simm.s32 @!p1 $0x1082;
	[sflag:s4] =	ssyncset.s32 $0xFFFFF086  }
0x25: {  	[simem:s6], [sflag:s4] =	dma.local [hbm:s3], $0xF7A  }
0x26: {  	[smem:$0x3F95] =	sst s1;
	(tag) =	ssettag s2;
	_ =	strace s9  }
0x27: {  	s1 =	sld [smem:$0x3FA5]  }
0x28: {  	s2 =	sld [smem:$0x3FA6]  }
0x29: {  	s4 =	sld [smem:$0x3FA8]  }
0x2a: {  	p0 =	seq.s32 s5, $0x0;
	s5 =	sld [smem:$0x3FA9]  }
0x2b: {  	s6 =	sld [smem:$0x3FAA]  }
0x2c: {  	s7 =	sld [smem:$0x3FAB]  }
0x2d: {  	s3 =	simm.s32 $0x108;
	s8 =	sld [smem:$0x3FAC]  }
0x2e: {  	s3 =	simm.s32 @!p0 $0x1082;
	s9 =	sld [smem:$0x3FAD]  }
0x2f: {  	lr =	sadd.s32 s0, s3;
	s0 =	sld [smem:$0x3FA4]  }
0x30: {  	s3 =	sld [smem:$0x3FA7]  }
0x31: {  	[smem:$0x3FB0] =	sst s10  }
0x32: {  	s10 =	sld [smem:$0x3FAE];
	_ =	sdelay $0x3  }
0x33: {  	p0 =	seq.s32 s10, $0x1;
	s10 =	sld [smem:$0x3FB0];
	_ =	sdelay $0x3  }
0x34: {  	[smem:$0x3FB0] =	sst s10  }
0x35: {  	s10 =	sld [smem:$0x3FAF];
	_ =	sdelay $0x3  }
0x36: {  	p1 =	seq.s32 s10, $0x1;
	s10 =	sld [smem:$0x3FB0];
	_ =	sdelay $0x3  }
0x37: {  	[smem:$0x3FB0] =	sst s10  }
0x38: {  	s10 =	sld [smem:$0x3FB1]  }
0x39: {  	_ = 	snop;
	(pc) =	sbr.ind lr, $3  }
0x3a: {  	_ = 	snop  }
0x3b: {  	_ = 	snop  }
0x3c: {  	p2 =	seq.s32 s10, $0x1;
	s10 =	sld [smem:$0x3FB0]  }
0x3d: {  	_ =	shalt  }
0x3e: {  	_ =	shalt  }
0x3f: {  	_ =	shalt  }
0x40: {  	_ =	shalt  }
0x41: {  	_ =	shalt  }
0x42: {  	_ =	shalt  }
0x43: {  	_ =	shalt  }
0x44: {  	_ =	shalt  }
0x45: {  	_ =	shalt  }
0x46: {  	_ =	shalt  }
0x47: {  	_ =	shalt  }
0x48: {  	_ =	shalt  }
0x49: {  	_ =	shalt  }
0x4a: {  	_ =	shalt  }
0x4b: {  	_ =	shalt  }
0x4c: {  	_ =	shalt  }
0x4d: {  	_ =	shalt  }
0x4e: {  	_ =	shalt  }
0x4f: {  	_ =	shalt  }
0x50: {  	_ =	shalt  }
0x51: {  	_ =	shalt  }
0x52: {  	_ =	shalt  }
0x53: {  	_ =	shalt  }
0x54: {  	_ =	shalt  }
0x55: {  	_ =	shalt  }
0x56: {  	_ =	shalt  }
0x57: {  	_ =	shalt  }
0x58: {  	_ =	shalt  }
0x59: {  	_ =	shalt  }
0x5a: {  	_ =	shalt  }
0x5b: {  	_ =	shalt  }
0x5c: {  	_ =	shalt  }
0x5d: {  	_ =	shalt  }
0x5e: {  	_ =	shalt  }
0x5f: {  	_ =	shalt  }
0x60: {  	_ =	shalt  }
0x61: {  	_ =	shalt  }
0x62: {  	_ =	shalt  }
0x63: {  	_ =	shalt  }
0x64: {  	_ =	shalt  }
0x65: {  	_ =	shalt  }
0x66: {  	_ =	shalt  }
0x67: {  	_ =	shalt  }
0x68: {  	_ =	shalt  }
0x69: {  	_ =	shalt  }
0x6a: {  	_ =	shalt  }
0x6b: {  	_ =	shalt  }
0x6c: {  	_ =	shalt  }
0x6d: {  	_ =	shalt  }
0x6e: {  	_ =	shalt  }
0x6f: {  	_ =	shalt  }
0x70: {  	_ =	shalt  }
0x71: {  	_ =	shalt  }
0x72: {  	_ =	shalt  }
0x73: {  	_ =	shalt  }
0x74: {  	_ =	shalt  }
0x75: {  	_ =	shalt  }
0x76: {  	_ =	shalt  }
0x77: {  	_ =	shalt  }
0x78: {  	_ =	shalt  }
0x79: {  	_ =	shalt  }
0x7a: {  	_ =	shalt  }
0x7b: {  	_ =	shalt  }
0x7c: {  	_ =	shalt  }
0x7d: {  	_ =	shalt  }
0x7e: {  	_ =	shalt  }
0x7f: {  	_ =	shalt  }
0x80: {  	_ =	shalt  }
0x81: {  	_ =	shalt  }
0x82: {  	_ =	shalt  }
0x83: {  	_ =	shalt  }
0x84: {  	_ =	shalt  }
0x85: {  	_ =	shalt  }
0x86: {  	_ =	shalt  }
0x87: {  	_ =	shalt  }
.Lfunc_end0:
.L_simem_size_0:
called_computation_lowered:
.L_overlay_start_0:
0x88: {  	s2 =	sld [smem:$0x3FD9]  }
0x89: {  	s3 =	sld [smem:$0x3FFE];
	_ =	sdelay $0x1  }
0x8a: {  	s1 =	srdreg.scid  }
0x8b: {  	s0 =	sand.u32 $0x1, s1  }
0x8c: {  	s16 =	sshll.u32 s0, $0xA;
	s2 =	sadd.s32 s3, s2  }
0x8d: {  	s2 =	sadd.s32 s2, s16  }
0x8e: {  	[smem:$0x3FBC] =	sst s2  }
0x8f: {  	_ = 	snop  }
0x90: {  	(tm) =	ssettm $0x1  }
0x91: {  	s17 =	sld [smem:$0x3FFB];
	_ =	sdelay $0x3  }
0x92: {  	_ =	strace s17  }
0x93: {  	s2 =	sld [smem:$0x3FFC];
	_ =	sdelay $0x3  }
0x94: {  	_ =	strace s2  }
0x95: {  	s2 =	sld [smem:$0x3FFD];
	_ =	sdelay $0x3  }
0x96: {  	_ =	strace s2  }
0x97: {  	_ =	strace $0x8FFFFFFF  }
0x98: {  	s18 =	sld [smem:$0x3FDB];
	_ =	sdelay $0x1  }
0x99: {  	s19 =	simm.s32 $_scs_section_size  }
0x9a: {  	s4 =	simm.s32 $_size__tile_overlayer_lowered;
	s5 =	simm.s32 $_tile_overlayer_lowered  }
0x9b: {  	s22 =	simm.s32 $0x1BFF;
	s21 =	sshll.u32 s5, $0x1;
	s2 =	sadd.s32 s19, s18  }
0x9c: {  	s6 =	simm.s32 $0x0;
	s20 =	sshll.u32 s4, $0x1;
	s4 =	sadd.s32 s21, s2  }
0x9d: {  	[timem:s6], [sflag:s22] =	dma.local [hbm:s4], s20  }
0x9e: {  	_ =	swait.ge [sflag:s22], s20  }
0x9f: {  	s3 =	ssub.s32 $0x0, s20;
	[sflag:s22] =	ssyncset.done $0x0  }
0xa0: {  	[sflag:s22] =	ssyncadd.s32 s3;
	_ =	sdelay $0x1  }
0xa1: {  	s23 =	simm.s32 $0x1B8B  }
0xa2: {  	_ =	swait.ge [sflag:s23], $0x1  }
0xa3: {  	[sflag:s23] =	ssyncset.done $0x0  }
0xa4: {  	s25 =	simm.s32 $0x1B8E;
	s24 =	sld [smem:$0x3FFE];
	[sflag:s23] =	ssyncadd.s32 $0xFFFFFFFF  }
0xa5: {  	s26 =	simm.s32 $execute0_lowered;
	[smem:$0x3FD2] =	sst s25  }
0xa6: {  	s4 =	sshll.u32 s26, $0x1;
	_ =	strace $0x80000046;
	[dreg:$0x1] =	wrdreg $0xFFFFFFFF  }
0xa7: {  	s28 =	simm.s32 $_size_execute0_lowered;
	s2 =	sadd.s32 s2, s4;
	[dreg:$0x0] =	wrdreg $0x0  }
0xa8: {  	s4 =	sshll.u32 s28, $0x1;
	[dreg:$0x2] =	wrdreg s2  }
0xa9: {  	[dreg:$0x3] =	wrdreg s4  }
0xaa: {  	[dreg:$0x4] =	wrdreg $0xC0  }
0xab: {  	_ =	task [dreg:s6], $0x5FFFF  }
0xac: {  	[dreg:$0x1] =	wrdreg $0xFFFFFFFF  }
0xad: {  	[dreg:$0x0] =	wrdreg $0x60  }
0xae: {  	[dreg:$0x2] =	wrdreg s24  }
0xaf: {  	[dreg:$0x3] =	wrdreg $0xC3900  }
0xb0: {  	[dreg:$0x4] =	wrdreg $0x9  }
0xb1: {  	_ =	task.clear_ibuf [dreg:s6], $0x5FFFF;
	_ =	strace $0x90000046  }
0xb2: {  	s29 =	simm.s32 $0x9;
	_ =	strace $0x80000048  }
0xb3: {  	_ =	swait.ge [sflag:s29], $0x1  }
0xb4: {  	[sflag:s29] =	ssyncadd.s32 $0xFFFFFFFF  }
0xb5: {  	_ =	strace $0x90000048  }
0xb6: {  	_ =	sfence  }
0xb7: {  	s30 =	sld [smem:$0x0];
	_ =	sdelay $0x2  }
0xb8: {  	s31 =	sshll.u32 s1, $0xD;
	s1 =	sshrl.u32 s1, $0x2  }
0xb9: {  	s3 =	sand.u32 $0x4000, s31;
	s1 =	sadd.s32 s1, s30  }
0xba: {  	s0 =	sor.u32 s3, s0;
	s1 =	sshll.u32 s1, $0x11  }
0xbb: {  	s0 =	sor.u32 s1, s0  }
0xbc: {  	s0 =	sadd.s32 $0x8F2B, s0  }
0xbd: {  	[sflag:s0] =	ssyncadd.remote.s32 $0x1  }
0xbe: {  	_ =	sfence.sel $0xFFFF  }
0xbf: {  	[dreg:$0x0] =	wrdreg $0xFFFFFFFF;
	(pc) =	sbr.abs _section_cstart, $3  }
0xc0: {  	[dreg:$0x1] =	wrdreg $0xFFFFFFFF  }
0xc1: {  	_ =	task.clear_ibuf [dreg:s6], $0x2FFFF;
	_ =	strace $0x9FFFFFFF  }
0xc2: {  	(tm) =	ssettm $0x7FFFFFFF  }
0xc3: {  	_ =	shalt  }
tec
execute0_lowered:
.L_overlay_start_1:
0x0: {  	(tag) =	ssettag $0x1  }
0x1: {  	s1 =	srdreg.scid;
	s0 =	stileid.u32  }
0x2: {  	s17 =	sand.u32 $0x1, s1;
	s30 =	sshll.u32 s0, $0x1  }
0x3: {  	s16 =	rddreg [dreg:$0x0];
	s4 =	sor.u32 s17, s30  }
0x4: {  	s2 =	rddreg [dreg:$0x1];
	s4 =	smul.u32 $0x4E2, s4  }
0x5: {  	s3 =	simm.s32 $0x0;
	s1 =	rddreg [dreg:$0x2]  }
0x6: {  	[smem:$0x7FF] =	sst s3;
	s4 =	sadd.s32 s4, s16  }
0x7: {  	_ =	strace $0x80000047;
	s5 =	sadd.s32 $0x2600, s4;
	s4 =	simm.s32 $0x2  }
0x8: {  	[tilespmem:s3], [sflag:$0x2] =	stream.linear.gather [hbm4b:s5+s3], $0x2710, $0x38;
	[tilespmem:$0xEB10] =	vst v63  }
0x9: {  	_ =	swait.ge [sflag:s4], $0x2710  }
0xa: {  	s7 =	simm.s32 $0x2710;
	s18 =	smul.u32 $0x2780, s0;
	[sflag:s4] =	ssyncset.done $0x0  }
0xb: {  	s6 =	sadd.s32 $0x1B200, s16;
	s9 =	sshll.u32 s0, $0x6;
	[sflag:s4] =	ssyncadd.s32 $0xFFFFD8F0  }
0xc: {  	[tilespmem:s7], [sflag:$0x2] =	stream.linear.gather [hbm4b:s6+s3], $0x9C80, $0x38;
	[tilespmem:$0xEB10] =	vst v63  }
0xd: {  	s9 =	sor.u32 $0x1C02, s9;
	s8 =	sshrl.u32 s18, $0x3;
	_ =	swait.ge [sflag:s4], $0x9C80  }
0xe: {  	s10 =	sadd.s32 s18, s2;
	s8 =	sadd.s32 s8, s16;
	[sflag:s4] =	ssyncset.done $0x0  }
0xf: {  	s10 =	sshrl.u32 s10, $0x3;
	s8 =	sadd.s32 $0x16200, s8;
	[sflag:s4] =	ssyncadd.s32 $0xFFFF6380  }
0x10: {  	[spmem:s10], [sflag:s9] =	dma.local [hbm:s8], $0x4F0  }
0x11: {  	_ =	swait.ge [sflag:s4], $0x4F0  }
0x12: {  	[sflag:s4] =	ssyncset.done $0x0  }
0x13: {  	[sflag:s4] =	ssyncadd.s32 $0xFFFFFB10  }
0x14: {  	s11 =	simm.s32 $0x9C0;
	[bflag:$0x0] =	sbarrier.arrive $0xFFFF  }
0x15: {  	[spmem:s2] =	stream.indirect.scatter.add.f32 [tilespmem:s7], [sflag:$0x1], $0x10, s3, s11, $0xb8;
	[tilespmem:$0xEB10] =	vst v63  }
0x16: {  	s12 =	simm.s32 $0x9C8  }
0x17: {  	[spmem:s2] =	stream.indirect.scatter.add.f32 [tilespmem:s7], [sflag:$0x1], $0x10, s11, s12, $0xb8;
	[tilespmem:$0xEB10] =	vst v63  }
0x18: {  	s13 =	simm.s32 $0x1388  }
0x19: {  	[spmem:s2] =	stream.indirect.scatter.add.f32 [tilespmem:s7], [sflag:$0x1], $0x10, s13, s11, $0xb8;
	[tilespmem:$0xEB10] =	vst v63  }
0x1a: {  	s14 =	simm.s32 $0x1D48;
	s15 =	simm.s32 $0x1  }
0x1b: {  	[spmem:s2] =	stream.indirect.scatter.add.f32 [tilespmem:s7], [sflag:$0x1], $0x10, s14, s12, $0xb8;
	[tilespmem:$0xEB10] =	vst v63  }
0x1c: {  	_ =	swait.ge [sflag:s15], $0x9C00  }
0x1d: {  	[sflag:s15] =	ssyncset.done $0x0  }
0x1e: {  	[sflag:s15] =	ssyncadd.s32 $0xFFFF6400  }
0x1f: {  	_ =	swait.ge [sflag:s15], $0x9C80  }
0x20: {  	[sflag:s15] =	ssyncset.done $0x0  }
0x21: {  	[sflag:s15] =	ssyncadd.s32 $0xFFFF6380  }
0x22: {  	s19 =	smul.u32 $0x27800, s17;
	s17 =	ssub.s32 $0x2, s17;
	_ =	swait.ge [sflag:s15], $0x9C00  }
0x23: {  	s31 =	sshrl.u32 s17, $0x1;
	[sflag:s15] =	ssyncset.done $0x0  }
0x24: {  	s17 =	ssub.s32 s17, s31;
	[sflag:s15] =	ssyncadd.s32 $0xFFFF6400  }
0x25: {  	s18 =	sadd.s32 s18, s19;
	s17 =	smax.u32 s17, $0x1;
	_ =	swait.ge [sflag:s15], $0x9C80  }
0x26: {  	s18 =	sshrl.u32 s18, $0x3;
	p0 =	sne.s32 s17, $0x1;
	[sflag:s15] =	ssyncset.done $0x0  }
.Ltmp0:
0x27: {  	s16 =	sadd.s32 s18, s16;
	[sflag:s15] =	ssyncadd.s32 $0xFFFF6380;
	(pc) =	sbr.rel @!p0 .LBB2_2-.Ltmp0, $4  }
0x28: {  	s16 =	sadd.s32 $0x1C600, s16;
	[bflag:$0x0] =	sbarrier.arrive $0xFFFF  }
0x29: {  	[hbm:s16], [sflag:s9] =	dma.local [spmem:s10], $0x4F0  }
0x2a: {  	_ =	swait.ge [sflag:s4], $0x4F0  }
0x2b: {  	s17 =	sadd.s32 $0xFFFFFFFF, s17;
	[sflag:s4] =	ssyncset.done $0x0  }
.LBB2_1:
0x2c: {  	p0 =	sne.s32 s17, $0x1;
	s17 =	sadd.s32 $0xFFFFFFFF, s17;
	[sflag:s4] =	ssyncadd.s32 $0xFFFFFB10  }
0x2d: {  	[tilespmem:s3], [sflag:$0x2] =	stream.linear.gather [hbm4b:s5+s3], $0x2710, $0x38;
	[tilespmem:$0xEB10] =	vst v63  }
0x2e: {  	_ =	swait.ge [sflag:s4], $0x2710  }
0x2f: {  	[sflag:s4] =	ssyncset.done $0x0  }
0x30: {  	[sflag:s4] =	ssyncadd.s32 $0xFFFFD8F0  }
0x31: {  	[tilespmem:s7], [sflag:$0x2] =	stream.linear.gather [hbm4b:s6+s3], $0x9C80, $0x38;
	[tilespmem:$0xEB10] =	vst v63  }
0x32: {  	_ =	swait.ge [sflag:s4], $0x9C80  }
0x33: {  	[sflag:s4] =	ssyncset.done $0x0  }
0x34: {  	[sflag:s4] =	ssyncadd.s32 $0xFFFF6380  }
0x35: {  	[spmem:s10], [sflag:s9] =	dma.local [hbm:s8], $0x4F0  }
0x36: {  	_ =	swait.ge [sflag:s4], $0x4F0  }
0x37: {  	[sflag:s4] =	ssyncset.done $0x0  }
0x38: {  	[sflag:s4] =	ssyncadd.s32 $0xFFFFFB10  }
0x39: {  	[bflag:$0x0] =	sbarrier.arrive $0xFFFF  }
0x3a: {  	[spmem:s2] =	stream.indirect.scatter.add.f32 [tilespmem:s7], [sflag:$0x1], $0x10, s3, s11, $0xb8;
	[tilespmem:$0xEB10] =	vst v63  }
0x3b: {  	_ = 	snop  }
0x3c: {  	[spmem:s2] =	stream.indirect.scatter.add.f32 [tilespmem:s7], [sflag:$0x1], $0x10, s11, s12, $0xb8;
	[tilespmem:$0xEB10] =	vst v63  }
0x3d: {  	_ = 	snop  }
0x3e: {  	[spmem:s2] =	stream.indirect.scatter.add.f32 [tilespmem:s7], [sflag:$0x1], $0x10, s13, s11, $0xb8;
	[tilespmem:$0xEB10] =	vst v63  }
0x3f: {  	_ = 	snop  }
0x40: {  	[spmem:s2] =	stream.indirect.scatter.add.f32 [tilespmem:s7], [sflag:$0x1], $0x10, s14, s12, $0xb8;
	[tilespmem:$0xEB10] =	vst v63  }
0x41: {  	_ =	swait.ge [sflag:s15], $0x9C00  }
0x42: {  	[sflag:s15] =	ssyncset.done $0x0  }
0x43: {  	[sflag:s15] =	ssyncadd.s32 $0xFFFF6400  }
0x44: {  	_ =	swait.ge [sflag:s15], $0x9C80  }
0x45: {  	[sflag:s15] =	ssyncset.done $0x0  }
0x46: {  	[sflag:s15] =	ssyncadd.s32 $0xFFFF6380  }
0x47: {  	_ =	swait.ge [sflag:s15], $0x9C00  }
0x48: {  	[sflag:s15] =	ssyncset.done $0x0  }
0x49: {  	[sflag:s15] =	ssyncadd.s32 $0xFFFF6400  }
0x4a: {  	_ =	swait.ge [sflag:s15], $0x9C80  }
0x4b: {  	[sflag:s15] =	ssyncset.done $0x0  }
.Ltmp1:
0x4c: {  	[sflag:s15] =	ssyncadd.s32 $0xFFFF6380;
	(pc) =	sbr.rel @p0 .LBB2_1-.Ltmp1, $4  }
0x4d: {  	[bflag:$0x0] =	sbarrier.arrive $0xFFFF  }
0x4e: {  	[hbm:s16], [sflag:s9] =	dma.local [spmem:s10], $0x4F0  }
0x4f: {  	_ =	swait.ge [sflag:s4], $0x4F0  }
0x50: {  	[sflag:s4] =	ssyncset.done $0x0  }
.LBB2_2:
0x51: {  	[sflag:s4] =	ssyncadd.s32 $0xFFFFFB10  }
0x52: {  	_ =	sfence.sel $0x180000  }
0x53: {  	[bflag:$0x0] =	sbarrier.arrive $0xFFFF  }
0x54: {  	p0 =	sne.s32 s0, $0x0;
	_ =	strace $0x90000047  }
0x55: {  	s0 =	sadd.s32 @!p0 $0x100000, s1;
	[bflag:$0x2] =	sbarrier.arrive $0xFFFF  }
0x56: {  	[sflag:s0] =	ssyncadd.tile.s32 @!p0 $0x1;
	_ =	shalt  }
.Lfunc_end2:
_tile_overlayer_lowered:
.L_overlay_start_2:
0x57: {  	(tag) =	ssettag $0x2  }
0x58: {  	s0 =	rddreg [dreg:$0x0];
	s2 =	stileid.u32  }
0x59: {  	s1 =	rddreg [dreg:$0x1];
	p0 =	sne.s32 s2, $0x0  }
0x5a: {  	s3 =	rddreg [dreg:$0x2];
	[bflag:$0x3] =	sbarrier.arrive $0xFFFF;
	s2 =	simm.s32 @!p0 $0x1C02  }
0x5b: {  	[timem:s3], [sflag:s2] =	dma.local @!p0 [hbm:s0], s1  }
0x5c: {  	s0 =	simm.s32 @!p0 $0x2  }
0x5d: {  	_ =	swait.ge @!p0 [sflag:s0], s1  }
0x5e: {  	s1 =	ssub.s32 @!p0 $0x0, s1;
	[sflag:s0] =	ssyncset.done @!p0 $0x0  }
0x5f: {  	[sflag:s0] =	ssyncadd.s32 @!p0 s1  }
0x60: {  	[bflag:$0x3] =	sbarrier.arrive $0xFFFF  }
0x61: {  	_ =	shalt  }

// kernel: kernel.13.cloned.1.call-start
scs
__scs_entry_jumppad:
0x0: {  	(pc) =	sbr.rel $0x88, $3  }
0x1: {  	(tag) =	ssettag $0x0;
	lr =	simm.s32 $0x1  }
0x2: {  	[smem:$0x3F95] =	sst lr;
	_ =	strace $0xD0000000  }
0x3: {  	_ = 	snop  }
0x4: {  	_ = 	snop  }
0x5: {  	_ = 	snop  }
0x6: {  	_ = 	snop  }
0x7: {  	_ = 	snop  }
__scs_overlays_trampoline_lowered:
0x8: {  	[smem:$0x3FA4] =	sst s0  }
0x9: {  	[smem:$0x3FA5] =	sst s1  }
0xa: {  	[smem:$0x3FA6] =	sst s2  }
0xb: {  	[smem:$0x3FA7] =	sst s3  }
0xc: {  	[smem:$0x3FA8] =	sst s4  }
0xd: {  	[smem:$0x3FA9] =	sst s5  }
0xe: {  	[smem:$0x3FAA] =	sst s6  }
0xf: {  	[smem:$0x3FAB] =	sst s7  }
0x10: {  	[smem:$0x3FAC] =	sst s8  }
0x11: {  	[smem:$0x3FAD] =	sst s9;
	s0 =	simm.s32 @!p0 $0x0  }
0x12: {  	s1 =	sld [smem:$0x3F93];
	s0 =	simm.s32 @p0 $0x1  }
0x13: {  	[smem:$0x3FAE] =	sst s0;
	s0 =	simm.s32 @!p1 $0x0  }
0x14: {  	s2 =	sld [smem:$0x3F92];
	s0 =	simm.s32 @p1 $0x1  }
0x15: {  	[smem:$0x3FAF] =	sst s0;
	s0 =	simm.s32 @!p2 $0x0  }
0x16: {  	s3 =	sld [smem:$0x3FDB];
	s0 =	simm.s32 @p2 $0x1  }
0x17: {  	s4 =	simm.s32 $0x1BF5;
	[smem:$0x3FB1] =	sst s0  }
0x18: {  	s0 =	sld [smem:$0x3F94];
	_ =	swait.ge [sflag:s4], $0x0  }
0x19: {  	s7 =	sld [smem:$0x3F95]  }
0x1a: {  	s8 =	sadd.s32 $0xFFFFE003, lr  }
0x1b: {  	s9 =	sadd.s32 $0xFFFFFEF7, lr;
	s5 =	simm.s32 $0xFFFFFFFF;
	p2 =	slt.u32 s8, $0xFFFFF086  }
0x1c: {  	p1 =	slt.u32 s9, $0xF7A;
	s5 =	simm.s32 @!p2 $0x0  }
0x1d: {  	s5 =	simm.s32 @p1 $0x1;
	p0 =	seq.s32 s7, s2  }
0x1e: {  	s7 =	smul.u32 @!p0 $0xF7A, s2;
	p2 =	seq.s32 @!p0 s5, $0x0  }
0x1f: {  	s9 =	smul.u32 $0xF7A, s1;
	s8 =	simm.s32 @!p0 $0x1BF5;
	p2 =	por !p2, p0  }
0x20: {  	[sflag:s8] =	ssyncset.s32 @!p0 $0xFFFFF086;
	s6 =	sadd.s32 @!p0 s3, s7;
	s7 =	simm.s32 @!p0 $0x108  }
0x21: {  	s3 =	sadd.s32 s3, s9;
	s6 =	sadd.s32 @!p0 $0x88, s6;
	s7 =	simm.s32 @p2 $0x1082  }
0x22: {  	[simem:s7], [sflag:s8] =	dma.local @!p0 [hbm:s6], $0xF7A  }
0x23: {  	s9 =	sor.u32 $0xD0000000, s2;
	s6 =	simm.s32 $0x108;
	_ =	swait.ge @!p0 [sflag:s8], $0x0  }
0x24: {  	s3 =	sadd.s32 $0x88, s3;
	s6 =	simm.s32 @!p1 $0x1082;
	[sflag:s4] =	ssyncset.s32 $0xFFFFF086  }
0x25: {  	[simem:s6], [sflag:s4] =	dma.local [hbm:s3], $0xF7A  }
0x26: {  	[smem:$0x3F95] =	sst s1;
	(tag) =	ssettag s2;
	_ =	strace s9  }
0x27: {  	s1 =	sld [smem:$0x3FA5]  }
0x28: {  	s2 =	sld [smem:$0x3FA6]  }
0x29: {  	s4 =	sld [smem:$0x3FA8]  }
0x2a: {  	p0 =	seq.s32 s5, $0x0;
	s5 =	sld [smem:$0x3FA9]  }
0x2b: {  	s6 =	sld [smem:$0x3FAA]  }
0x2c: {  	s7 =	sld [smem:$0x3FAB]  }
0x2d: {  	s3 =	simm.s32 $0x108;
	s8 =	sld [smem:$0x3FAC]  }
0x2e: {  	s3 =	simm.s32 @!p0 $0x1082;
	s9 =	sld [smem:$0x3FAD]  }
0x2f: {  	lr =	sadd.s32 s0, s3;
	s0 =	sld [smem:$0x3FA4]  }
0x30: {  	s3 =	sld [smem:$0x3FA7]  }
0x31: {  	[smem:$0x3FB0] =	sst s10  }
0x32: {  	s10 =	sld [smem:$0x3FAE];
	_ =	sdelay $0x3  }
0x33: {  	p0 =	seq.s32 s10, $0x1;
	s10 =	sld [smem:$0x3FB0];
	_ =	sdelay $0x3  }
0x34: {  	[smem:$0x3FB0] =	sst s10  }
0x35: {  	s10 =	sld [smem:$0x3FAF];
	_ =	sdelay $0x3  }
0x36: {  	p1 =	seq.s32 s10, $0x1;
	s10 =	sld [smem:$0x3FB0];
	_ =	sdelay $0x3  }
0x37: {  	[smem:$0x3FB0] =	sst s10  }
0x38: {  	s10 =	sld [smem:$0x3FB1]  }
0x39: {  	_ = 	snop;
	(pc) =	sbr.ind lr, $3  }
0x3a: {  	_ = 	snop  }
0x3b: {  	_ = 	snop  }
0x3c: {  	p2 =	seq.s32 s10, $0x1;
	s10 =	sld [smem:$0x3FB0]  }
0x3d: {  	_ =	shalt  }
0x3e: {  	_ =	shalt  }
0x3f: {  	_ =	shalt  }
0x40: {  	_ =	shalt  }
0x41: {  	_ =	shalt  }
0x42: {  	_ =	shalt  }
0x43: {  	_ =	shalt  }
0x44: {  	_ =	shalt  }
0x45: {  	_ =	shalt  }
0x46: {  	_ =	shalt  }
0x47: {  	_ =	shalt  }
0x48: {  	_ =	shalt  }
0x49: {  	_ =	shalt  }
0x4a: {  	_ =	shalt  }
0x4b: {  	_ =	shalt  }
0x4c: {  	_ =	shalt  }
0x4d: {  	_ =	shalt  }
0x4e: {  	_ =	shalt  }
0x4f: {  	_ =	shalt  }
0x50: {  	_ =	shalt  }
0x51: {  	_ =	shalt  }
0x52: {  	_ =	shalt  }
0x53: {  	_ =	shalt  }
0x54: {  	_ =	shalt  }
0x55: {  	_ =	shalt  }
0x56: {  	_ =	shalt  }
0x57: {  	_ =	shalt  }
0x58: {  	_ =	shalt  }
0x59: {  	_ =	shalt  }
0x5a: {  	_ =	shalt  }
0x5b: {  	_ =	shalt  }
0x5c: {  	_ =	shalt  }
0x5d: {  	_ =	shalt  }
0x5e: {  	_ =	shalt  }
0x5f: {  	_ =	shalt  }
0x60: {  	_ =	shalt  }
0x61: {  	_ =	shalt  }
0x62: {  	_ =	shalt  }
0x63: {  	_ =	shalt  }
0x64: {  	_ =	shalt  }
0x65: {  	_ =	shalt  }
0x66: {  	_ =	shalt  }
0x67: {  	_ =	shalt  }
0x68: {  	_ =	shalt  }
0x69: {  	_ =	shalt  }
0x6a: {  	_ =	shalt  }
0x6b: {  	_ =	shalt  }
0x6c: {  	_ =	shalt  }
0x6d: {  	_ =	shalt  }
0x6e: {  	_ =	shalt  }
0x6f: {  	_ =	shalt  }
0x70: {  	_ =	shalt  }
0x71: {  	_ =	shalt  }
0x72: {  	_ =	shalt  }
0x73: {  	_ =	shalt  }
0x74: {  	_ =	shalt  }
0x75: {  	_ =	shalt  }
0x76: {  	_ =	shalt  }
0x77: {  	_ =	shalt  }
0x78: {  	_ =	shalt  }
0x79: {  	_ =	shalt  }
0x7a: {  	_ =	shalt  }
0x7b: {  	_ =	shalt  }
0x7c: {  	_ =	shalt  }
0x7d: {  	_ =	shalt  }
0x7e: {  	_ =	shalt  }
0x7f: {  	_ =	shalt  }
0x80: {  	_ =	shalt  }
0x81: {  	_ =	shalt  }
0x82: {  	_ =	shalt  }
0x83: {  	_ =	shalt  }
0x84: {  	_ =	shalt  }
0x85: {  	_ =	shalt  }
0x86: {  	_ =	shalt  }
0x87: {  	_ =	shalt  }
.Lfunc_end0:
.L_simem_size_0:
called_computation.1_lowered:
.L_overlay_start_0:
0x88: {  	s2 =	sld [smem:$0x3FD9]  }
0x89: {  	s3 =	sld [smem:$0x3FFE];
	_ =	sdelay $0x1  }
0x8a: {  	s1 =	srdreg.scid  }
0x8b: {  	s0 =	sand.u32 $0x1, s1  }
0x8c: {  	s16 =	sshll.u32 s0, $0xA;
	s2 =	sadd.s32 s3, s2  }
0x8d: {  	s2 =	sadd.s32 s2, s16  }
0x8e: {  	[smem:$0x3FBC] =	sst s2  }
0x8f: {  	_ = 	snop  }
0x90: {  	(tm) =	ssettm $0x1  }
0x91: {  	s17 =	sld [smem:$0x3FFB];
	_ =	sdelay $0x3  }
0x92: {  	_ =	strace s17  }
0x93: {  	s2 =	sld [smem:$0x3FFC];
	_ =	sdelay $0x3  }
0x94: {  	_ =	strace s2  }
0x95: {  	s2 =	sld [smem:$0x3FFD];
	_ =	sdelay $0x3  }
0x96: {  	_ =	strace s2  }
0x97: {  	_ =	strace $0x8FFFFFFF  }
0x98: {  	s18 =	sld [smem:$0x3FDB];
	_ =	sdelay $0x1  }
0x99: {  	s19 =	simm.s32 $_scs_section_size  }
0x9a: {  	s4 =	simm.s32 $_size__tile_overlayer_lowered;
	s5 =	simm.s32 $_tile_overlayer_lowered  }
0x9b: {  	s22 =	simm.s32 $0x1BFF;
	s21 =	sshll.u32 s5, $0x1;
	s2 =	sadd.s32 s19, s18  }
0x9c: {  	s6 =	simm.s32 $0x0;
	s20 =	sshll.u32 s4, $0x1;
	s4 =	sadd.s32 s21, s2  }
0x9d: {  	[timem:s6], [sflag:s22] =	dma.local [hbm:s4], s20  }
0x9e: {  	_ =	swait.ge [sflag:s22], s20  }
0x9f: {  	s3 =	ssub.s32 $0x0, s20;
	[sflag:s22] =	ssyncset.done $0x0  }
0xa0: {  	[sflag:s22] =	ssyncadd.s32 s3;
	_ =	sdelay $0x1  }
0xa1: {  	s23 =	simm.s32 $0x1B8B  }
0xa2: {  	_ =	swait.ge [sflag:s23], $0x1  }
0xa3: {  	[sflag:s23] =	ssyncset.done $0x0  }
0xa4: {  	s25 =	simm.s32 $0x1B8E;
	s24 =	sld [smem:$0x3FFE];
	[sflag:s23] =	ssyncadd.s32 $0xFFFFFFFF  }
0xa5: {  	s26 =	simm.s32 $execute0_lowered;
	[smem:$0x3FD2] =	sst s25  }
0xa6: {  	s4 =	sshll.u32 s26, $0x1;
	_ =	strace $0x80000049;
	[dreg:$0x1] =	wrdreg $0xFFFFFFFF  }
0xa7: {  	s28 =	simm.s32 $_size_execute0_lowered;
	s2 =	sadd.s32 s2, s4;
	[dreg:$0x0] =	wrdreg $0x0  }
0xa8: {  	s4 =	sshll.u32 s28, $0x1;
	[dreg:$0x2] =	wrdreg s2  }
0xa9: {  	[dreg:$0x3] =	wrdreg s4  }
0xaa: {  	[dreg:$0x4] =	wrdreg $0xC0  }
0xab: {  	_ =	task [dreg:s6], $0x5FFFF  }
0xac: {  	[dreg:$0x1] =	wrdreg $0xFFFFFFFF  }
0xad: {  	[dreg:$0x0] =	wrdreg $0x60  }
0xae: {  	[dreg:$0x2] =	wrdreg s24  }
0xaf: {  	[dreg:$0x3] =	wrdreg $0x187200  }
0xb0: {  	[dreg:$0x4] =	wrdreg $0x9  }
0xb1: {  	_ =	task.clear_ibuf [dreg:s6], $0x5FFFF;
	_ =	strace $0x90000049  }
0xb2: {  	s29 =	simm.s32 $0x9;
	_ =	strace $0x8000004B  }
0xb3: {  	_ =	swait.ge [sflag:s29], $0x1  }
0xb4: {  	[sflag:s29] =	ssyncadd.s32 $0xFFFFFFFF  }
0xb5: {  	_ =	strace $0x9000004B  }
0xb6: {  	_ =	sfence  }
0xb7: {  	s30 =	sld [smem:$0x0];
	_ =	sdelay $0x2  }
0xb8: {  	s31 =	sshll.u32 s1, $0xD;
	s1 =	sshrl.u32 s1, $0x2  }
0xb9: {  	s3 =	sand.u32 $0x4000, s31;
	s1 =	sadd.s32 s1, s30  }
0xba: {  	s0 =	sor.u32 s3, s0;
	s1 =	sshll.u32 s1, $0x11  }
0xbb: {  	s0 =	sor.u32 s1, s0  }
0xbc: {  	s0 =	sadd.s32 $0x8F2B, s0  }
0xbd: {  	[sflag:s0] =	ssyncadd.remote.s32 $0x1  }
0xbe: {  	_ =	sfence.sel $0xFFFF  }
0xbf: {  	[dreg:$0x0] =	wrdreg $0xFFFFFFFF;
	(pc) =	sbr.abs _section_cstart, $3  }
0xc0: {  	[dreg:$0x1] =	wrdreg $0xFFFFFFFF  }
0xc1: {  	_ =	task.clear_ibuf [dreg:s6], $0x2FFFF;
	_ =	strace $0x9FFFFFFF  }
0xc2: {  	(tm) =	ssettm $0x7FFFFFFF  }
0xc3: {  	_ =	shalt  }
tec
execute0_lowered:
.L_overlay_start_1:
0x0: {  	(tag) =	ssettag $0x1  }
0x1: {  	s1 =	srdreg.scid;
	s0 =	stileid.u32  }
0x2: {  	s24 =	sand.u32 $0x1, s1;
	s30 =	sshll.u32 s0, $0x1  }
0x3: {  	s23 =	rddreg [dreg:$0x0];
	s4 =	sor.u32 s24, s30  }
0x4: {  	s2 =	rddreg [dreg:$0x1];
	s4 =	smul.u32 $0x4E2, s4  }
0x5: {  	s3 =	simm.s32 $0x0;
	s1 =	rddreg [dreg:$0x2]  }
0x6: {  	[smem:$0x7FF] =	sst s3;
	s25 =	smul.u32 $0x2780, s0;
	s7 =	sadd.s32 s4, s23  }
0x7: {  	_ =	strace $0x8000004A;
	s4 =	simm.s32 $0x3;
	s5 =	sadd.s32 $0xC400, s7  }
0x8: {  	[tilespmem:s3], [sflag:$0x3] =	stream.linear.gather [hbm4b:s5+s3], $0x2710, $0x38;
	[tilespmem:$0x1AEA0] =	vst v63  }
0x9: {  	s10 =	simm.s32 $0x9C0;
	s8 =	sshrl.u32 s25, $0x3;
	_ =	swait.ge [sflag:s4], $0x2710  }
0xa: {  	s11 =	simm.s32 $0x4E20;
	s9 =	sadd.s32 s8, s23;
	[sflag:s4] =	ssyncset.done $0x0  }
0xb: {  	s8 =	simm.s32 $0x2710;
	s7 =	sadd.s32 $0x2600, s7;
	[sflag:s4] =	ssyncadd.s32 $0xFFFFD8F0  }
0xc: {  	[tilespmem:s8], [sflag:$0x3] =	stream.linear.gather [hbm4b:s7+s3], $0x2710, $0x38;
	[tilespmem:$0x1AEA0] =	vst v63  }
0xd: {  	s6 =	sadd.s32 $0x1B200, s23;
	s12 =	sshll.u32 s0, $0x6;
	_ =	swait.ge [sflag:s4], $0x2710  }
0xe: {  	s12 =	sor.u32 $0x1C03, s12;
	s13 =	sadd.s32 s25, s2;
	[sflag:s4] =	ssyncset.done $0x0  }
0xf: {  	s13 =	sshrl.u32 s13, $0x3;
	s9 =	sadd.s32 $0x16200, s9;
	[sflag:s4] =	ssyncadd.s32 $0xFFFFD8F0  }
0x10: {  	[tilespmem:s11], [sflag:$0x1] =	stream.indirect.gather [hbm4b:s6+s10], $0x10, s3, s10, $0xb8;
	[tilespmem:$0x1AEA0] =	vst v63  }
0x11: {  	[spmem:s13], [sflag:s12] =	dma.local [hbm:s9], $0x4F0  }
0x12: {  	_ =	swait.ge [sflag:s4], $0x4F0  }
0x13: {  	[sflag:s4] =	ssyncset.done $0x0  }
0x14: {  	[sflag:s4] =	ssyncadd.s32 $0xFFFFFB10  }
0x15: {  	s14 =	simm.s32 $0x1;
	[bflag:$0x0] =	sbarrier.arrive $0xFFFF  }
0x16: {  	_ =	swait.ge [sflag:s14], $0x9C00  }
0x17: {  	[sflag:s14] =	ssyncset.done $0x0  }
0x18: {  	[sflag:s14] =	ssyncadd.s32 $0xFFFF6400  }
0x19: {  	[spmem:s2] =	stream.indirect.scatter.add.f32 [tilespmem:s11], [sflag:$0x2], $0x10, s8, s10, $0xb8;
	[tilespmem:$0x1AEA0] =	vst v63  }
0x1a: {  	s15 =	simm.s32 $0x9C8;
	s16 =	simm.s32 $0xEAA0  }
0x1b: {  	[tilespmem:s16], [sflag:$0x1] =	stream.indirect.gather [hbm4b:s6+s15], $0x10, s10, s15, $0xb8;
	[tilespmem:$0x1AEA0] =	vst v63  }
0x1c: {  	_ =	swait.ge [sflag:s14], $0x9C80  }
0x1d: {  	[sflag:s14] =	ssyncset.done $0x0  }
0x1e: {  	s17 =	simm.s32 $0x30D0;
	s18 =	simm.s32 $0x2;
	[sflag:s14] =	ssyncadd.s32 $0xFFFF6380  }
0x1f: {  	[spmem:s2] =	stream.indirect.scatter.add.f32 [tilespmem:s16], [sflag:$0x2], $0x10, s17, s15, $0xb8;
	[tilespmem:$0x1AEA0] =	vst v63  }
0x20: {  	_ =	swait.ge [sflag:s18], $0x9C00  }
0x21: {  	[sflag:s18] =	ssyncset.done $0x0  }
0x22: {  	s19 =	simm.s32 $0x1388;
	[sflag:s18] =	ssyncadd.s32 $0xFFFF6400  }
0x23: {  	[tilespmem:s11], [sflag:$0x1] =	stream.indirect.gather [hbm4b:s6+s10], $0x10, s19, s10, $0xb8;
	[tilespmem:$0x1AEA0] =	vst v63  }
0x24: {  	_ =	swait.ge [sflag:s14], $0x9C00  }
0x25: {  	[sflag:s14] =	ssyncset.done $0x0  }
0x26: {  	s20 =	simm.s32 $0x3A98;
	[sflag:s14] =	ssyncadd.s32 $0xFFFF6400  }
0x27: {  	[spmem:s2] =	stream.indirect.scatter.add.f32 [tilespmem:s11], [sflag:$0x2], $0x10, s20, s10, $0xb8;
	[tilespmem:$0x1AEA0] =	vst v63  }
0x28: {  	_ =	swait.ge [sflag:s18], $0x9C80  }
0x29: {  	[sflag:s18] =	ssyncset.done $0x0  }
0x2a: {  	s21 =	simm.s32 $0x1D48;
	[sflag:s18] =	ssyncadd.s32 $0xFFFF6380  }
0x2b: {  	[tilespmem:s16], [sflag:$0x1] =	stream.indirect.gather [hbm4b:s6+s15], $0x10, s21, s15, $0xb8;
	[tilespmem:$0x1AEA0] =	vst v63  }
0x2c: {  	_ =	swait.ge [sflag:s14], $0x9C80  }
0x2d: {  	[sflag:s14] =	ssyncset.done $0x0  }
0x2e: {  	s22 =	simm.s32 $0x4458;
	[sflag:s14] =	ssyncadd.s32 $0xFFFF6380  }
0x2f: {  	[spmem:s2] =	stream.indirect.scatter.add.f32 [tilespmem:s16], [sflag:$0x2], $0x10, s22, s15, $0xb8;
	[tilespmem:$0x1AEA0] =	vst v63  }
0x30: {  	s26 =	smul.u32 $0x27800, s24;
	s24 =	ssub.s32 $0x2, s24;
	_ =	swait.ge [sflag:s18], $0x9C00  }
0x31: {  	s31 =	sshrl.u32 s24, $0x1;
	[sflag:s18] =	ssyncset.done $0x0  }
0x32: {  	s24 =	ssub.s32 s24, s31;
	[sflag:s18] =	ssyncadd.s32 $0xFFFF6400  }
0x33: {  	s25 =	sadd.s32 s25, s26;
	s24 =	smax.u32 s24, $0x1;
	_ =	swait.ge [sflag:s18], $0x9C80  }
0x34: {  	s25 =	sshrl.u32 s25, $0x3;
	p0 =	sne.s32 s24, $0x1;
	[sflag:s18] =	ssyncset.done $0x0  }
.Ltmp0:
0x35: {  	s23 =	sadd.s32 s25, s23;
	[sflag:s18] =	ssyncadd.s32 $0xFFFF6380;
	(pc) =	sbr.rel @!p0 .LBB2_2-.Ltmp0, $4  }
0x36: {  	s23 =	sadd.s32 $0x20200, s23;
	[bflag:$0x0] =	sbarrier.arrive $0xFFFF  }
0x37: {  	[hbm:s23], [sflag:s12] =	dma.local [spmem:s13], $0x4F0  }
0x38: {  	_ =	swait.ge [sflag:s4], $0x4F0  }
0x39: {  	s24 =	sadd.s32 $0xFFFFFFFF, s24;
	[sflag:s4] =	ssyncset.done $0x0  }
.LBB2_1:
0x3a: {  	p0 =	sne.s32 s24, $0x1;
	s24 =	sadd.s32 $0xFFFFFFFF, s24;
	[sflag:s4] =	ssyncadd.s32 $0xFFFFFB10  }
0x3b: {  	[tilespmem:s3], [sflag:$0x3] =	stream.linear.gather [hbm4b:s5+s3], $0x2710, $0x38;
	[tilespmem:$0x1AEA0] =	vst v63  }
0x3c: {  	_ =	swait.ge [sflag:s4], $0x2710  }
0x3d: {  	[sflag:s4] =	ssyncset.done $0x0  }
0x3e: {  	[sflag:s4] =	ssyncadd.s32 $0xFFFFD8F0  }
0x3f: {  	[tilespmem:s8], [sflag:$0x3] =	stream.linear.gather [hbm4b:s7+s3], $0x2710, $0x38;
	[tilespmem:$0x1AEA0] =	vst v63  }
0x40: {  	_ =	swait.ge [sflag:s4], $0x2710  }
0x41: {  	[sflag:s4] =	ssyncset.done $0x0  }
0x42: {  	[sflag:s4] =	ssyncadd.s32 $0xFFFFD8F0  }
0x43: {  	[tilespmem:s11], [sflag:$0x1] =	stream.indirect.gather [hbm4b:s6+s10], $0x10, s3, s10, $0xb8;
	[tilespmem:$0x1AEA0] =	vst v63  }
0x44: {  	[spmem:s13], [sflag:s12] =	dma.local [hbm:s9], $0x4F0  }
0x45: {  	_ =	swait.ge [sflag:s4], $0x4F0  }
0x46: {  	[sflag:s4] =	ssyncset.done $0x0  }
0x47: {  	[sflag:s4] =	ssyncadd.s32 $0xFFFFFB10  }
0x48: {  	[bflag:$0x0] =	sbarrier.arrive $0xFFFF  }
0x49: {  	_ =	swait.ge [sflag:s14], $0x9C00  }
0x4a: {  	[sflag:s14] =	ssyncset.done $0x0  }
0x4b: {  	[sflag:s14] =	ssyncadd.s32 $0xFFFF6400  }
0x4c: {  	[spmem:s2] =	stream.indirect.scatter.add.f32 [tilespmem:s11], [sflag:$0x2], $0x10, s8, s10, $0xb8;
	[tilespmem:$0x1AEA0] =	vst v63  }
0x4d: {  	_ = 	snop  }
0x4e: {  	[tilespmem:s16], [sflag:$0x1] =	stream.indirect.gather [hbm4b:s6+s15], $0x10, s10, s15, $0xb8;
	[tilespmem:$0x1AEA0] =	vst v63  }
0x4f: {  	_ =	swait.ge [sflag:s14], $0x9C80  }
0x50: {  	[sflag:s14] =	ssyncset.done $0x0  }
0x51: {  	[sflag:s14] =	ssyncadd.s32 $0xFFFF6380  }
0x52: {  	[spmem:s2] =	stream.indirect.scatter.add.f32 [tilespmem:s16], [sflag:$0x2], $0x10, s17, s15, $0xb8;
	[tilespmem:$0x1AEA0] =	vst v63  }
0x53: {  	_ =	swait.ge [sflag:s18], $0x9C00  }
0x54: {  	[sflag:s18] =	ssyncset.done $0x0  }
0x55: {  	[sflag:s18] =	ssyncadd.s32 $0xFFFF6400  }
0x56: {  	[tilespmem:s11], [sflag:$0x1] =	stream.indirect.gather [hbm4b:s6+s10], $0x10, s19, s10, $0xb8;
	[tilespmem:$0x1AEA0] =	vst v63  }
0x57: {  	_ =	swait.ge [sflag:s14], $0x9C00  }
0x58: {  	[sflag:s14] =	ssyncset.done $0x0  }
0x59: {  	[sflag:s14] =	ssyncadd.s32 $0xFFFF6400  }
0x5a: {  	[spmem:s2] =	stream.indirect.scatter.add.f32 [tilespmem:s11], [sflag:$0x2], $0x10, s20, s10, $0xb8;
	[tilespmem:$0x1AEA0] =	vst v63  }
0x5b: {  	_ =	swait.ge [sflag:s18], $0x9C80  }
0x5c: {  	[sflag:s18] =	ssyncset.done $0x0  }
0x5d: {  	[sflag:s18] =	ssyncadd.s32 $0xFFFF6380  }
0x5e: {  	[tilespmem:s16], [sflag:$0x1] =	stream.indirect.gather [hbm4b:s6+s15], $0x10, s21, s15, $0xb8;
	[tilespmem:$0x1AEA0] =	vst v63  }
0x5f: {  	_ =	swait.ge [sflag:s14], $0x9C80  }
0x60: {  	[sflag:s14] =	ssyncset.done $0x0  }
0x61: {  	[sflag:s14] =	ssyncadd.s32 $0xFFFF6380  }
0x62: {  	[spmem:s2] =	stream.indirect.scatter.add.f32 [tilespmem:s16], [sflag:$0x2], $0x10, s22, s15, $0xb8;
	[tilespmem:$0x1AEA0] =	vst v63  }
0x63: {  	_ =	swait.ge [sflag:s18], $0x9C00  }
0x64: {  	[sflag:s18] =	ssyncset.done $0x0  }
0x65: {  	[sflag:s18] =	ssyncadd.s32 $0xFFFF6400  }
0x66: {  	_ =	swait.ge [sflag:s18], $0x9C80  }
0x67: {  	[sflag:s18] =	ssyncset.done $0x0  }
.Ltmp1:
0x68: {  	[sflag:s18] =	ssyncadd.s32 $0xFFFF6380;
	(pc) =	sbr.rel @p0 .LBB2_1-.Ltmp1, $4  }
0x69: {  	[bflag:$0x0] =	sbarrier.arrive $0xFFFF  }
0x6a: {  	[hbm:s23], [sflag:s12] =	dma.local [spmem:s13], $0x4F0  }
0x6b: {  	_ =	swait.ge [sflag:s4], $0x4F0  }
0x6c: {  	[sflag:s4] =	ssyncset.done $0x0  }
.LBB2_2:
0x6d: {  	[sflag:s4] =	ssyncadd.s32 $0xFFFFFB10  }
0x6e: {  	_ =	sfence.sel $0x180000  }
0x6f: {  	[bflag:$0x0] =	sbarrier.arrive $0xFFFF  }
0x70: {  	p0 =	sne.s32 s0, $0x0;
	_ =	strace $0x9000004A  }
0x71: {  	s0 =	sadd.s32 @!p0 $0x100000, s1;
	[bflag:$0x2] =	sbarrier.arrive $0xFFFF  }
0x72: {  	[sflag:s0] =	ssyncadd.tile.s32 @!p0 $0x1;
	_ =	shalt  }
.Lfunc_end2:
_tile_overlayer_lowered:
.L_overlay_start_2:
0x73: {  	(tag) =	ssettag $0x2  }
0x74: {  	s0 =	rddreg [dreg:$0x0];
	s2 =	stileid.u32  }
0x75: {  	s1 =	rddreg [dreg:$0x1];
	p0 =	sne.s32 s2, $0x0  }
0x76: {  	s3 =	rddreg [dreg:$0x2];
	[bflag:$0x3] =	sbarrier.arrive $0xFFFF;
	s2 =	simm.s32 @!p0 $0x1C03  }
0x77: {  	[timem:s3], [sflag:s2] =	dma.local @!p0 [hbm:s0], s1  }
0x78: {  	s0 =	simm.s32 @!p0 $0x3  }
0x79: {  	_ =	swait.ge @!p0 [sflag:s0], s1  }
0x7a: {  	s1 =	ssub.s32 @!p0 $0x0, s1;
	[sflag:s0] =	ssyncset.done @!p0 $0x0  }
0x7b: {  	[sflag:s0] =	ssyncadd.s32 @!p0 s1  }
0x7c: {  	[bflag:$0x3] =	sbarrier.arrive $0xFFFF  }
0x7d: {  	_ =	shalt  }

// kernel: kernel.16.cloned.1.call-start
scs
__scs_entry_jumppad:
0x0: {  	(pc) =	sbr.rel $0x88, $3  }
0x1: {  	(tag) =	ssettag $0x0;
	lr =	simm.s32 $0x1  }
0x2: {  	[smem:$0x3F95] =	sst lr;
	_ =	strace $0xD0000000  }
0x3: {  	_ = 	snop  }
0x4: {  	_ = 	snop  }
0x5: {  	_ = 	snop  }
0x6: {  	_ = 	snop  }
0x7: {  	_ = 	snop  }
__scs_overlays_trampoline_lowered:
0x8: {  	[smem:$0x3FA4] =	sst s0  }
0x9: {  	[smem:$0x3FA5] =	sst s1  }
0xa: {  	[smem:$0x3FA6] =	sst s2  }
0xb: {  	[smem:$0x3FA7] =	sst s3  }
0xc: {  	[smem:$0x3FA8] =	sst s4  }
0xd: {  	[smem:$0x3FA9] =	sst s5  }
0xe: {  	[smem:$0x3FAA] =	sst s6  }
0xf: {  	[smem:$0x3FAB] =	sst s7  }
0x10: {  	[smem:$0x3FAC] =	sst s8  }
0x11: {  	[smem:$0x3FAD] =	sst s9;
	s0 =	simm.s32 @!p0 $0x0  }
0x12: {  	s1 =	sld [smem:$0x3F93];
	s0 =	simm.s32 @p0 $0x1  }
0x13: {  	[smem:$0x3FAE] =	sst s0;
	s0 =	simm.s32 @!p1 $0x0  }
0x14: {  	s2 =	sld [smem:$0x3F92];
	s0 =	simm.s32 @p1 $0x1  }
0x15: {  	[smem:$0x3FAF] =	sst s0;
	s0 =	simm.s32 @!p2 $0x0  }
0x16: {  	s3 =	sld [smem:$0x3FDB];
	s0 =	simm.s32 @p2 $0x1  }
0x17: {  	s4 =	simm.s32 $0x1BF5;
	[smem:$0x3FB1] =	sst s0  }
0x18: {  	s0 =	sld [smem:$0x3F94];
	_ =	swait.ge [sflag:s4], $0x0  }
0x19: {  	s7 =	sld [smem:$0x3F95]  }
0x1a: {  	s8 =	sadd.s32 $0xFFFFE003, lr  }
0x1b: {  	s9 =	sadd.s32 $0xFFFFFEF7, lr;
	s5 =	simm.s32 $0xFFFFFFFF;
	p2 =	slt.u32 s8, $0xFFFFF086  }
0x1c: {  	p1 =	slt.u32 s9, $0xF7A;
	s5 =	simm.s32 @!p2 $0x0  }
0x1d: {  	s5 =	simm.s32 @p1 $0x1;
	p0 =	seq.s32 s7, s2  }
0x1e: {  	s7 =	smul.u32 @!p0 $0xF7A, s2;
	p2 =	seq.s32 @!p0 s5, $0x0  }
0x1f: {  	s9 =	smul.u32 $0xF7A, s1;
	s8 =	simm.s32 @!p0 $0x1BF5;
	p2 =	por !p2, p0  }
0x20: {  	[sflag:s8] =	ssyncset.s32 @!p0 $0xFFFFF086;
	s6 =	sadd.s32 @!p0 s3, s7;
	s7 =	simm.s32 @!p0 $0x108  }
0x21: {  	s3 =	sadd.s32 s3, s9;
	s6 =	sadd.s32 @!p0 $0x88, s6;
	s7 =	simm.s32 @p2 $0x1082  }
0x22: {  	[simem:s7], [sflag:s8] =	dma.local @!p0 [hbm:s6], $0xF7A  }
0x23: {  	s9 =	sor.u32 $0xD0000000, s2;
	s6 =	simm.s32 $0x108;
	_ =	swait.ge @!p0 [sflag:s8], $0x0  }
0x24: {  	s3 =	sadd.s32 $0x88, s3;
	s6 =	simm.s32 @!p1 $0x1082;
	[sflag:s4] =	ssyncset.s32 $0xFFFFF086  }
0x25: {  	[simem:s6], [sflag:s4] =	dma.local [hbm:s3], $0xF7A  }
0x26: {  	[smem:$0x3F95] =	sst s1;
	(tag) =	ssettag s2;
	_ =	strace s9  }
0x27: {  	s1 =	sld [smem:$0x3FA5]  }
0x28: {  	s2 =	sld [smem:$0x3FA6]  }
0x29: {  	s4 =	sld [smem:$0x3FA8]  }
0x2a: {  	p0 =	seq.s32 s5, $0x0;
	s5 =	sld [smem:$0x3FA9]  }
0x2b: {  	s6 =	sld [smem:$0x3FAA]  }
0x2c: {  	s7 =	sld [smem:$0x3FAB]  }
0x2d: {  	s3 =	simm.s32 $0x108;
	s8 =	sld [smem:$0x3FAC]  }
0x2e: {  	s3 =	simm.s32 @!p0 $0x1082;
	s9 =	sld [smem:$0x3FAD]  }
0x2f: {  	lr =	sadd.s32 s0, s3;
	s0 =	sld [smem:$0x3FA4]  }
0x30: {  	s3 =	sld [smem:$0x3FA7]  }
0x31: {  	[smem:$0x3FB0] =	sst s10  }
0x32: {  	s10 =	sld [smem:$0x3FAE];
	_ =	sdelay $0x3  }
0x33: {  	p0 =	seq.s32 s10, $0x1;
	s10 =	sld [smem:$0x3FB0];
	_ =	sdelay $0x3  }
0x34: {  	[smem:$0x3FB0] =	sst s10  }
0x35: {  	s10 =	sld [smem:$0x3FAF];
	_ =	sdelay $0x3  }
0x36: {  	p1 =	seq.s32 s10, $0x1;
	s10 =	sld [smem:$0x3FB0];
	_ =	sdelay $0x3  }
0x37: {  	[smem:$0x3FB0] =	sst s10  }
0x38: {  	s10 =	sld [smem:$0x3FB1]  }
0x39: {  	_ = 	snop;
	(pc) =	sbr.ind lr, $3  }
0x3a: {  	_ = 	snop  }
0x3b: {  	_ = 	snop  }
0x3c: {  	p2 =	seq.s32 s10, $0x1;
	s10 =	sld [smem:$0x3FB0]  }
0x3d: {  	_ =	shalt  }
0x3e: {  	_ =	shalt  }
0x3f: {  	_ =	shalt  }
0x40: {  	_ =	shalt  }
0x41: {  	_ =	shalt  }
0x42: {  	_ =	shalt  }
0x43: {  	_ =	shalt  }
0x44: {  	_ =	shalt  }
0x45: {  	_ =	shalt  }
0x46: {  	_ =	shalt  }
0x47: {  	_ =	shalt  }
0x48: {  	_ =	shalt  }
0x49: {  	_ =	shalt  }
0x4a: {  	_ =	shalt  }
0x4b: {  	_ =	shalt  }
0x4c: {  	_ =	shalt  }
0x4d: {  	_ =	shalt  }
0x4e: {  	_ =	shalt  }
0x4f: {  	_ =	shalt  }
0x50: {  	_ =	shalt  }
0x51: {  	_ =	shalt  }
0x52: {  	_ =	shalt  }
0x53: {  	_ =	shalt  }
0x54: {  	_ =	shalt  }
0x55: {  	_ =	shalt  }
0x56: {  	_ =	shalt  }
0x57: {  	_ =	shalt  }
0x58: {  	_ =	shalt  }
0x59: {  	_ =	shalt  }
0x5a: {  	_ =	shalt  }
0x5b: {  	_ =	shalt  }
0x5c: {  	_ =	shalt  }
0x5d: {  	_ =	shalt  }
0x5e: {  	_ =	shalt  }
0x5f: {  	_ =	shalt  }
0x60: {  	_ =	shalt  }
0x61: {  	_ =	shalt  }
0x62: {  	_ =	shalt  }
0x63: {  	_ =	shalt  }
0x64: {  	_ =	shalt  }
0x65: {  	_ =	shalt  }
0x66: {  	_ =	shalt  }
0x67: {  	_ =	shalt  }
0x68: {  	_ =	shalt  }
0x69: {  	_ =	shalt  }
0x6a: {  	_ =	shalt  }
0x6b: {  	_ =	shalt  }
0x6c: {  	_ =	shalt  }
0x6d: {  	_ =	shalt  }
0x6e: {  	_ =	shalt  }
0x6f: {  	_ =	shalt  }
0x70: {  	_ =	shalt  }
0x71: {  	_ =	shalt  }
0x72: {  	_ =	shalt  }
0x73: {  	_ =	shalt  }
0x74: {  	_ =	shalt  }
0x75: {  	_ =	shalt  }
0x76: {  	_ =	shalt  }
0x77: {  	_ =	shalt  }
0x78: {  	_ =	shalt  }
0x79: {  	_ =	shalt  }
0x7a: {  	_ =	shalt  }
0x7b: {  	_ =	shalt  }
0x7c: {  	_ =	shalt  }
0x7d: {  	_ =	shalt  }
0x7e: {  	_ =	shalt  }
0x7f: {  	_ =	shalt  }
0x80: {  	_ =	shalt  }
0x81: {  	_ =	shalt  }
0x82: {  	_ =	shalt  }
0x83: {  	_ =	shalt  }
0x84: {  	_ =	shalt  }
0x85: {  	_ =	shalt  }
0x86: {  	_ =	shalt  }
0x87: {  	_ =	shalt  }
.Lfunc_end0:
.L_simem_size_0:
called_computation.2_lowered:
.L_overlay_start_0:
0x88: {  	s2 =	sld [smem:$0x3FD9]  }
0x89: {  	s3 =	sld [smem:$0x3FFE];
	_ =	sdelay $0x1  }
0x8a: {  	s1 =	srdreg.scid  }
0x8b: {  	s0 =	sand.u32 $0x1, s1  }
0x8c: {  	s16 =	sshll.u32 s0, $0xA;
	s2 =	sadd.s32 s3, s2  }
0x8d: {  	s2 =	sadd.s32 s2, s16  }
0x8e: {  	[smem:$0x3FBC] =	sst s2  }
0x8f: {  	_ = 	snop  }
0x90: {  	(tm) =	ssettm $0x1  }
0x91: {  	s17 =	sld [smem:$0x3FFB];
	_ =	sdelay $0x3  }
0x92: {  	_ =	strace s17  }
0x93: {  	s2 =	sld [smem:$0x3FFC];
	_ =	sdelay $0x3  }
0x94: {  	_ =	strace s2  }
0x95: {  	s2 =	sld [smem:$0x3FFD];
	_ =	sdelay $0x3  }
0x96: {  	_ =	strace s2  }
0x97: {  	_ =	strace $0x8FFFFFFF  }
0x98: {  	s18 =	sld [smem:$0x3FDB];
	_ =	sdelay $0x1  }
0x99: {  	s19 =	simm.s32 $_scs_section_size  }
0x9a: {  	s4 =	simm.s32 $_size__tile_overlayer_lowered;
	s5 =	simm.s32 $_tile_overlayer_lowered  }
0x9b: {  	s22 =	simm.s32 $0x1BFF;
	s21 =	sshll.u32 s5, $0x1;
	s2 =	sadd.s32 s19, s18  }
0x9c: {  	s6 =	simm.s32 $0x0;
	s20 =	sshll.u32 s4, $0x1;
	s4 =	sadd.s32 s21, s2  }
0x9d: {  	[timem:s6], [sflag:s22] =	dma.local [hbm:s4], s20  }
0x9e: {  	_ =	swait.ge [sflag:s22], s20  }
0x9f: {  	s3 =	ssub.s32 $0x0, s20;
	[sflag:s22] =	ssyncset.done $0x0  }
0xa0: {  	[sflag:s22] =	ssyncadd.s32 s3;
	_ =	sdelay $0x1  }
0xa1: {  	s23 =	simm.s32 $0x1B8B  }
0xa2: {  	_ =	swait.ge [sflag:s23], $0x1  }
0xa3: {  	[sflag:s23] =	ssyncset.done $0x0  }
0xa4: {  	s25 =	simm.s32 $0x1B8E;
	s24 =	sld [smem:$0x3FFE];
	[sflag:s23] =	ssyncadd.s32 $0xFFFFFFFF  }
0xa5: {  	s26 =	simm.s32 $execute0_lowered;
	[smem:$0x3FD2] =	sst s25  }
0xa6: {  	s4 =	sshll.u32 s26, $0x1;
	_ =	strace $0x8000004C;
	[dreg:$0x1] =	wrdreg $0xFFFFFFFF  }
0xa7: {  	s28 =	simm.s32 $_size_execute0_lowered;
	s2 =	sadd.s32 s2, s4;
	[dreg:$0x0] =	wrdreg $0x0  }
0xa8: {  	s4 =	sshll.u32 s28, $0x1;
	[dreg:$0x2] =	wrdreg s2  }
0xa9: {  	[dreg:$0x3] =	wrdreg s4  }
0xaa: {  	[dreg:$0x4] =	wrdreg $0xC0  }
0xab: {  	_ =	task [dreg:s6], $0x5FFFF  }
0xac: {  	[dreg:$0x1] =	wrdreg $0xFFFFFFFF  }
0xad: {  	[dreg:$0x0] =	wrdreg $0x60  }
0xae: {  	[dreg:$0x2] =	wrdreg s24  }
0xaf: {  	[dreg:$0x3] =	wrdreg $0x187200  }
0xb0: {  	[dreg:$0x4] =	wrdreg $0x9  }
0xb1: {  	_ =	task.clear_ibuf [dreg:s6], $0x5FFFF;
	_ =	strace $0x9000004C  }
0xb2: {  	s29 =	simm.s32 $0x9;
	_ =	strace $0x8000004E  }
0xb3: {  	_ =	swait.ge [sflag:s29], $0x1  }
0xb4: {  	[sflag:s29] =	ssyncadd.s32 $0xFFFFFFFF  }
0xb5: {  	_ =	strace $0x9000004E  }
0xb6: {  	_ =	sfence  }
0xb7: {  	s30 =	sld [smem:$0x0];
	_ =	sdelay $0x2  }
0xb8: {  	s31 =	sshll.u32 s1, $0xD;
	s1 =	sshrl.u32 s1, $0x2  }
0xb9: {  	s3 =	sand.u32 $0x4000, s31;
	s1 =	sadd.s32 s1, s30  }
0xba: {  	s0 =	sor.u32 s3, s0;
	s1 =	sshll.u32 s1, $0x11  }
0xbb: {  	s0 =	sor.u32 s1, s0  }
0xbc: {  	s0 =	sadd.s32 $0x8F2B, s0  }
0xbd: {  	[sflag:s0] =	ssyncadd.remote.s32 $0x1  }
0xbe: {  	_ =	sfence.sel $0xFFFF  }
0xbf: {  	[dreg:$0x0] =	wrdreg $0xFFFFFFFF;
	(pc) =	sbr.abs _section_cstart, $3  }
0xc0: {  	[dreg:$0x1] =	wrdreg $0xFFFFFFFF  }
0xc1: {  	_ =	task.clear_ibuf [dreg:s6], $0x2FFFF;
	_ =	strace $0x9FFFFFFF  }
0xc2: {  	(tm) =	ssettm $0x7FFFFFFF  }
0xc3: {  	_ =	shalt  }
tec
execute0_lowered:
.L_overlay_start_1:
0x0: {  	(tag) =	ssettag $0x1  }
0x1: {  	s1 =	srdreg.scid;
	s0 =	stileid.u32  }
0x2: {  	s24 =	sand.u32 $0x1, s1;
	s30 =	sshll.u32 s0, $0x1  }
0x3: {  	s23 =	rddreg [dreg:$0x0];
	s4 =	sor.u32 s24, s30  }
0x4: {  	s2 =	rddreg [dreg:$0x1];
	s4 =	smul.u32 $0x4E2, s4  }
0x5: {  	s3 =	simm.s32 $0x0;
	s1 =	rddreg [dreg:$0x2]  }
0x6: {  	[smem:$0x7FF] =	sst s3;
	s25 =	smul.u32 $0x2780, s0;
	s7 =	sadd.s32 s4, s23  }
0x7: {  	_ =	strace $0x8000004D;
	s4 =	simm.s32 $0x3;
	s5 =	sadd.s32 $0xC400, s7  }
0x8: {  	[tilespmem:s3], [sflag:$0x3] =	stream.linear.gather [hbm4b:s5+s3], $0x2710, $0x38;
	[tilespmem:$0x1AEA0] =	vst v63  }
0x9: {  	s10 =	simm.s32 $0x9C0;
	s8 =	sshrl.u32 s25, $0x3;
	_ =	swait.ge [sflag:s4], $0x2710  }
0xa: {  	s11 =	simm.s32 $0x4E20;
	s9 =	sadd.s32 s8, s23;
	[sflag:s4] =	ssyncset.done $0x0  }
0xb: {  	s8 =	simm.s32 $0x2710;
	s7 =	sadd.s32 $0x2600, s7;
	[sflag:s4] =	ssyncadd.s32 $0xFFFFD8F0  }
0xc: {  	[tilespmem:s8], [sflag:$0x3] =	stream.linear.gather [hbm4b:s7+s3], $0x2710, $0x38;
	[tilespmem:$0x1AEA0] =	vst v63  }
0xd: {  	s6 =	sadd.s32 $0x1B200, s23;
	s12 =	sshll.u32 s0, $0x6;
	_ =	swait.ge [sflag:s4], $0x2710  }
0xe: {  	s12 =	sor.u32 $0x1C03, s12;
	s13 =	sadd.s32 s25, s2;
	[sflag:s4] =	ssyncset.done $0x0  }
0xf: {  	s13 =	sshrl.u32 s13, $0x3;
	s9 =	sadd.s32 $0x16200, s9;
	[sflag:s4] =	ssyncadd.s32 $0xFFFFD8F0  }
0x10: {  	[tilespmem:s11], [sflag:$0x1] =	stream.indirect.gather [hbm4b:s6+s10], $0x10, s3, s10, $0xb8;
	[tilespmem:$0x1AEA0] =	vst v63  }
0x11: {  	[spmem:s13], [sflag:s12] =	dma.local [hbm:s9], $0x4F0  }
0x12: {  	_ =	swait.ge [sflag:s4], $0x4F0  }
0x13: {  	[sflag:s4] =	ssyncset.done $0x0  }
0x14: {  	[sflag:s4] =	ssyncadd.s32 $0xFFFFFB10  }
0x15: {  	s14 =	simm.s32 $0x1;
	[bflag:$0x0] =	sbarrier.arrive $0xFFFF  }
0x16: {  	_ =	swait.ge [sflag:s14], $0x9C00  }
0x17: {  	[sflag:s14] =	ssyncset.done $0x0  }
0x18: {  	[sflag:s14] =	ssyncadd.s32 $0xFFFF6400  }
0x19: {  	[spmem:s2] =	stream.indirect.scatter.add.f32 [tilespmem:s11], [sflag:$0x2], $0x10, s8, s10, $0xb8;
	[tilespmem:$0x1AEA0] =	vst v63  }
0x1a: {  	s15 =	simm.s32 $0x9C8;
	s16 =	simm.s32 $0xEAA0  }
0x1b: {  	[tilespmem:s16], [sflag:$0x1] =	stream.indirect.gather [hbm4b:s6+s15], $0x10, s10, s15, $0xb8;
	[tilespmem:$0x1AEA0] =	vst v63  }
0x1c: {  	_ =	swait.ge [sflag:s14], $0x9C80  }
0x1d: {  	[sflag:s14] =	ssyncset.done $0x0  }
0x1e: {  	s17 =	simm.s32 $0x30D0;
	s18 =	simm.s32 $0x2;
	[sflag:s14] =	ssyncadd.s32 $0xFFFF6380  }
0x1f: {  	[spmem:s2] =	stream.indirect.scatter.add.f32 [tilespmem:s16], [sflag:$0x2], $0x10, s17, s15, $0xb8;
	[tilespmem:$0x1AEA0] =	vst v63  }
0x20: {  	_ =	swait.ge [sflag:s18], $0x9C00  }
0x21: {  	[sflag:s18] =	ssyncset.done $0x0  }
0x22: {  	s19 =	simm.s32 $0x1388;
	[sflag:s18] =	ssyncadd.s32 $0xFFFF6400  }
0x23: {  	[tilespmem:s11], [sflag:$0x1] =	stream.indirect.gather [hbm4b:s6+s10], $0x10, s19, s10, $0xb8;
	[tilespmem:$0x1AEA0] =	vst v63  }
0x24: {  	_ =	swait.ge [sflag:s14], $0x9C00  }
0x25: {  	[sflag:s14] =	ssyncset.done $0x0  }
0x26: {  	s20 =	simm.s32 $0x3A98;
	[sflag:s14] =	ssyncadd.s32 $0xFFFF6400  }
0x27: {  	[spmem:s2] =	stream.indirect.scatter.add.f32 [tilespmem:s11], [sflag:$0x2], $0x10, s20, s10, $0xb8;
	[tilespmem:$0x1AEA0] =	vst v63  }
0x28: {  	_ =	swait.ge [sflag:s18], $0x9C80  }
0x29: {  	[sflag:s18] =	ssyncset.done $0x0  }
0x2a: {  	s21 =	simm.s32 $0x1D48;
	[sflag:s18] =	ssyncadd.s32 $0xFFFF6380  }
0x2b: {  	[tilespmem:s16], [sflag:$0x1] =	stream.indirect.gather [hbm4b:s6+s15], $0x10, s21, s15, $0xb8;
	[tilespmem:$0x1AEA0] =	vst v63  }
0x2c: {  	_ =	swait.ge [sflag:s14], $0x9C80  }
0x2d: {  	[sflag:s14] =	ssyncset.done $0x0  }
0x2e: {  	s22 =	simm.s32 $0x4458;
	[sflag:s14] =	ssyncadd.s32 $0xFFFF6380  }
0x2f: {  	[spmem:s2] =	stream.indirect.scatter.add.f32 [tilespmem:s16], [sflag:$0x2], $0x10, s22, s15, $0xb8;
	[tilespmem:$0x1AEA0] =	vst v63  }
0x30: {  	s26 =	smul.u32 $0x27800, s24;
	s24 =	ssub.s32 $0x2, s24;
	_ =	swait.ge [sflag:s18], $0x9C00  }
0x31: {  	s31 =	sshrl.u32 s24, $0x1;
	[sflag:s18] =	ssyncset.done $0x0  }
0x32: {  	s24 =	ssub.s32 s24, s31;
	[sflag:s18] =	ssyncadd.s32 $0xFFFF6400  }
0x33: {  	s25 =	sadd.s32 s25, s26;
	s24 =	smax.u32 s24, $0x1;
	_ =	swait.ge [sflag:s18], $0x9C80  }
0x34: {  	s25 =	sshrl.u32 s25, $0x3;
	p0 =	sne.s32 s24, $0x1;
	[sflag:s18] =	ssyncset.done $0x0  }
.Ltmp0:
0x35: {  	s23 =	sadd.s32 s25, s23;
	[sflag:s18] =	ssyncadd.s32 $0xFFFF6380;
	(pc) =	sbr.rel @!p0 .LBB2_2-.Ltmp0, $4  }
0x36: {  	s23 =	sadd.s32 $0x20200, s23;
	[bflag:$0x0] =	sbarrier.arrive $0xFFFF  }
0x37: {  	[hbm:s23], [sflag:s12] =	dma.local [spmem:s13], $0x4F0  }
0x38: {  	_ =	swait.ge [sflag:s4], $0x4F0  }
0x39: {  	s24 =	sadd.s32 $0xFFFFFFFF, s24;
	[sflag:s4] =	ssyncset.done $0x0  }
.LBB2_1:
0x3a: {  	p0 =	sne.s32 s24, $0x1;
	s24 =	sadd.s32 $0xFFFFFFFF, s24;
	[sflag:s4] =	ssyncadd.s32 $0xFFFFFB10  }
0x3b: {  	[tilespmem:s3], [sflag:$0x3] =	stream.linear.gather [hbm4b:s5+s3], $0x2710, $0x38;
	[tilespmem:$0x1AEA0] =	vst v63  }
0x3c: {  	_ =	swait.ge [sflag:s4], $0x2710  }
0x3d: {  	[sflag:s4] =	ssyncset.done $0x0  }
0x3e: {  	[sflag:s4] =	ssyncadd.s32 $0xFFFFD8F0  }
0x3f: {  	[tilespmem:s8], [sflag:$0x3] =	stream.linear.gather [hbm4b:s7+s3], $0x2710, $0x38;
	[tilespmem:$0x1AEA0] =	vst v63  }
0x40: {  	_ =	swait.ge [sflag:s4], $0x2710  }
0x41: {  	[sflag:s4] =	ssyncset.done $0x0  }
0x42: {  	[sflag:s4] =	ssyncadd.s32 $0xFFFFD8F0  }
0x43: {  	[tilespmem:s11], [sflag:$0x1] =	stream.indirect.gather [hbm4b:s6+s10], $0x10, s3, s10, $0xb8;
	[tilespmem:$0x1AEA0] =	vst v63  }
0x44: {  	[spmem:s13], [sflag:s12] =	dma.local [hbm:s9], $0x4F0  }
0x45: {  	_ =	swait.ge [sflag:s4], $0x4F0  }
0x46: {  	[sflag:s4] =	ssyncset.done $0x0  }
0x47: {  	[sflag:s4] =	ssyncadd.s32 $0xFFFFFB10  }
0x48: {  	[bflag:$0x0] =	sbarrier.arrive $0xFFFF  }
0x49: {  	_ =	swait.ge [sflag:s14], $0x9C00  }
0x4a: {  	[sflag:s14] =	ssyncset.done $0x0  }
0x4b: {  	[sflag:s14] =	ssyncadd.s32 $0xFFFF6400  }
0x4c: {  	[spmem:s2] =	stream.indirect.scatter.add.f32 [tilespmem:s11], [sflag:$0x2], $0x10, s8, s10, $0xb8;
	[tilespmem:$0x1AEA0] =	vst v63  }
0x4d: {  	_ = 	snop  }
0x4e: {  	[tilespmem:s16], [sflag:$0x1] =	stream.indirect.gather [hbm4b:s6+s15], $0x10, s10, s15, $0xb8;
	[tilespmem:$0x1AEA0] =	vst v63  }
0x4f: {  	_ =	swait.ge [sflag:s14], $0x9C80  }
0x50: {  	[sflag:s14] =	ssyncset.done $0x0  }
0x51: {  	[sflag:s14] =	ssyncadd.s32 $0xFFFF6380  }
0x52: {  	[spmem:s2] =	stream.indirect.scatter.add.f32 [tilespmem:s16], [sflag:$0x2], $0x10, s17, s15, $0xb8;
	[tilespmem:$0x1AEA0] =	vst v63  }
0x53: {  	_ =	swait.ge [sflag:s18], $0x9C00  }
0x54: {  	[sflag:s18] =	ssyncset.done $0x0  }
0x55: {  	[sflag:s18] =	ssyncadd.s32 $0xFFFF6400  }
0x56: {  	[tilespmem:s11], [sflag:$0x1] =	stream.indirect.gather [hbm4b:s6+s10], $0x10, s19, s10, $0xb8;
	[tilespmem:$0x1AEA0] =	vst v63  }
0x57: {  	_ =	swait.ge [sflag:s14], $0x9C00  }
0x58: {  	[sflag:s14] =	ssyncset.done $0x0  }
0x59: {  	[sflag:s14] =	ssyncadd.s32 $0xFFFF6400  }
0x5a: {  	[spmem:s2] =	stream.indirect.scatter.add.f32 [tilespmem:s11], [sflag:$0x2], $0x10, s20, s10, $0xb8;
	[tilespmem:$0x1AEA0] =	vst v63  }
0x5b: {  	_ =	swait.ge [sflag:s18], $0x9C80  }
0x5c: {  	[sflag:s18] =	ssyncset.done $0x0  }
0x5d: {  	[sflag:s18] =	ssyncadd.s32 $0xFFFF6380  }
0x5e: {  	[tilespmem:s16], [sflag:$0x1] =	stream.indirect.gather [hbm4b:s6+s15], $0x10, s21, s15, $0xb8;
	[tilespmem:$0x1AEA0] =	vst v63  }
0x5f: {  	_ =	swait.ge [sflag:s14], $0x9C80  }
0x60: {  	[sflag:s14] =	ssyncset.done $0x0  }
0x61: {  	[sflag:s14] =	ssyncadd.s32 $0xFFFF6380  }
0x62: {  	[spmem:s2] =	stream.indirect.scatter.add.f32 [tilespmem:s16], [sflag:$0x2], $0x10, s22, s15, $0xb8;
	[tilespmem:$0x1AEA0] =	vst v63  }
0x63: {  	_ =	swait.ge [sflag:s18], $0x9C00  }
0x64: {  	[sflag:s18] =	ssyncset.done $0x0  }
0x65: {  	[sflag:s18] =	ssyncadd.s32 $0xFFFF6400  }
0x66: {  	_ =	swait.ge [sflag:s18], $0x9C80  }
0x67: {  	[sflag:s18] =	ssyncset.done $0x0  }
.Ltmp1:
0x68: {  	[sflag:s18] =	ssyncadd.s32 $0xFFFF6380;
	(pc) =	sbr.rel @p0 .LBB2_1-.Ltmp1, $4  }
0x69: {  	[bflag:$0x0] =	sbarrier.arrive $0xFFFF  }
0x6a: {  	[hbm:s23], [sflag:s12] =	dma.local [spmem:s13], $0x4F0  }
0x6b: {  	_ =	swait.ge [sflag:s4], $0x4F0  }
0x6c: {  	[sflag:s4] =	ssyncset.done $0x0  }
.LBB2_2:
0x6d: {  	[sflag:s4] =	ssyncadd.s32 $0xFFFFFB10  }
0x6e: {  	_ =	sfence.sel $0x180000  }
0x6f: {  	[bflag:$0x0] =	sbarrier.arrive $0xFFFF  }
0x70: {  	p0 =	sne.s32 s0, $0x0;
	_ =	strace $0x9000004D  }
0x71: {  	s0 =	sadd.s32 @!p0 $0x100000, s1;
	[bflag:$0x2] =	sbarrier.arrive $0xFFFF  }
0x72: {  	[sflag:s0] =	ssyncadd.tile.s32 @!p0 $0x1;
	_ =	shalt  }
.Lfunc_end2:
_tile_overlayer_lowered:
.L_overlay_start_2:
0x73: {  	(tag) =	ssettag $0x2  }
0x74: {  	s0 =	rddreg [dreg:$0x0];
	s2 =	stileid.u32  }
0x75: {  	s1 =	rddreg [dreg:$0x1];
	p0 =	sne.s32 s2, $0x0  }
0x76: {  	s3 =	rddreg [dreg:$0x2];
	[bflag:$0x3] =	sbarrier.arrive $0xFFFF;
	s2 =	simm.s32 @!p0 $0x1C03  }
0x77: {  	[timem:s3], [sflag:s2] =	dma.local @!p0 [hbm:s0], s1  }
0x78: {  	s0 =	simm.s32 @!p0 $0x3  }
0x79: {  	_ =	swait.ge @!p0 [sflag:s0], s1  }
0x7a: {  	s1 =	ssub.s32 @!p0 $0x0, s1;
	[sflag:s0] =	ssyncset.done @!p0 $0x0  }
0x7b: {  	[sflag:s0] =	ssyncadd.s32 @!p0 s1  }
0x7c: {  	[bflag:$0x3] =	sbarrier.arrive $0xFFFF  }
0x7d: {  	_ =	shalt  }

// kernel: kernel.19.cloned.1.call-start
scs
__scs_entry_jumppad:
0x0: {  	(pc) =	sbr.rel $0x88, $3  }
0x1: {  	(tag) =	ssettag $0x0;
	lr =	simm.s32 $0x1  }
0x2: {  	[smem:$0x3F95] =	sst lr;
	_ =	strace $0xD0000000  }
0x3: {  	_ = 	snop  }
0x4: {  	_ = 	snop  }
0x5: {  	_ = 	snop  }
0x6: {  	_ = 	snop  }
0x7: {  	_ = 	snop  }
__scs_overlays_trampoline_lowered:
0x8: {  	[smem:$0x3FA4] =	sst s0  }
0x9: {  	[smem:$0x3FA5] =	sst s1  }
0xa: {  	[smem:$0x3FA6] =	sst s2  }
0xb: {  	[smem:$0x3FA7] =	sst s3  }
0xc: {  	[smem:$0x3FA8] =	sst s4  }
0xd: {  	[smem:$0x3FA9] =	sst s5  }
0xe: {  	[smem:$0x3FAA] =	sst s6  }
0xf: {  	[smem:$0x3FAB] =	sst s7  }
0x10: {  	[smem:$0x3FAC] =	sst s8  }
0x11: {  	[smem:$0x3FAD] =	sst s9;
	s0 =	simm.s32 @!p0 $0x0  }
0x12: {  	s1 =	sld [smem:$0x3F93];
	s0 =	simm.s32 @p0 $0x1  }
0x13: {  	[smem:$0x3FAE] =	sst s0;
	s0 =	simm.s32 @!p1 $0x0  }
0x14: {  	s2 =	sld [smem:$0x3F92];
	s0 =	simm.s32 @p1 $0x1  }
0x15: {  	[smem:$0x3FAF] =	sst s0;
	s0 =	simm.s32 @!p2 $0x0  }
0x16: {  	s3 =	sld [smem:$0x3FDB];
	s0 =	simm.s32 @p2 $0x1  }
0x17: {  	s4 =	simm.s32 $0x1BF5;
	[smem:$0x3FB1] =	sst s0  }
0x18: {  	s0 =	sld [smem:$0x3F94];
	_ =	swait.ge [sflag:s4], $0x0  }
0x19: {  	s7 =	sld [smem:$0x3F95]  }
0x1a: {  	s8 =	sadd.s32 $0xFFFFE003, lr  }
0x1b: {  	s9 =	sadd.s32 $0xFFFFFEF7, lr;
	s5 =	simm.s32 $0xFFFFFFFF;
	p2 =	slt.u32 s8, $0xFFFFF086  }
0x1c: {  	p1 =	slt.u32 s9, $0xF7A;
	s5 =	simm.s32 @!p2 $0x0  }
0x1d: {  	s5 =	simm.s32 @p1 $0x1;
	p0 =	seq.s32 s7, s2  }
0x1e: {  	s7 =	smul.u32 @!p0 $0xF7A, s2;
	p2 =	seq.s32 @!p0 s5, $0x0  }
0x1f: {  	s9 =	smul.u32 $0xF7A, s1;
	s8 =	simm.s32 @!p0 $0x1BF5;
	p2 =	por !p2, p0  }
0x20: {  	[sflag:s8] =	ssyncset.s32 @!p0 $0xFFFFF086;
	s6 =	sadd.s32 @!p0 s3, s7;
	s7 =	simm.s32 @!p0 $0x108  }
0x21: {  	s3 =	sadd.s32 s3, s9;
	s6 =	sadd.s32 @!p0 $0x88, s6;
	s7 =	simm.s32 @p2 $0x1082  }
0x22: {  	[simem:s7], [sflag:s8] =	dma.local @!p0 [hbm:s6], $0xF7A  }
0x23: {  	s9 =	sor.u32 $0xD0000000, s2;
	s6 =	simm.s32 $0x108;
	_ =	swait.ge @!p0 [sflag:s8], $0x0  }
0x24: {  	s3 =	sadd.s32 $0x88, s3;
	s6 =	simm.s32 @!p1 $0x1082;
	[sflag:s4] =	ssyncset.s32 $0xFFFFF086  }
0x25: {  	[simem:s6], [sflag:s4] =	dma.local [hbm:s3], $0xF7A  }
0x26: {  	[smem:$0x3F95] =	sst s1;
	(tag) =	ssettag s2;
	_ =	strace s9  }
0x27: {  	s1 =	sld [smem:$0x3FA5]  }
0x28: {  	s2 =	sld [smem:$0x3FA6]  }
0x29: {  	s4 =	sld [smem:$0x3FA8]  }
0x2a: {  	p0 =	seq.s32 s5, $0x0;
	s5 =	sld [smem:$0x3FA9]  }
0x2b: {  	s6 =	sld [smem:$0x3FAA]  }
0x2c: {  	s7 =	sld [smem:$0x3FAB]  }
0x2d: {  	s3 =	simm.s32 $0x108;
	s8 =	sld [smem:$0x3FAC]  }
0x2e: {  	s3 =	simm.s32 @!p0 $0x1082;
	s9 =	sld [smem:$0x3FAD]  }
0x2f: {  	lr =	sadd.s32 s0, s3;
	s0 =	sld [smem:$0x3FA4]  }
0x30: {  	s3 =	sld [smem:$0x3FA7]  }
0x31: {  	[smem:$0x3FB0] =	sst s10  }
0x32: {  	s10 =	sld [smem:$0x3FAE];
	_ =	sdelay $0x3  }
0x33: {  	p0 =	seq.s32 s10, $0x1;
	s10 =	sld [smem:$0x3FB0];
	_ =	sdelay $0x3  }
0x34: {  	[smem:$0x3FB0] =	sst s10  }
0x35: {  	s10 =	sld [smem:$0x3FAF];
	_ =	sdelay $0x3  }
0x36: {  	p1 =	seq.s32 s10, $0x1;
	s10 =	sld [smem:$0x3FB0];
	_ =	sdelay $0x3  }
0x37: {  	[smem:$0x3FB0] =	sst s10  }
0x38: {  	s10 =	sld [smem:$0x3FB1]  }
0x39: {  	_ = 	snop;
	(pc) =	sbr.ind lr, $3  }
0x3a: {  	_ = 	snop  }
0x3b: {  	_ = 	snop  }
0x3c: {  	p2 =	seq.s32 s10, $0x1;
	s10 =	sld [smem:$0x3FB0]  }
0x3d: {  	_ =	shalt  }
0x3e: {  	_ =	shalt  }
0x3f: {  	_ =	shalt  }
0x40: {  	_ =	shalt  }
0x41: {  	_ =	shalt  }
0x42: {  	_ =	shalt  }
0x43: {  	_ =	shalt  }
0x44: {  	_ =	shalt  }
0x45: {  	_ =	shalt  }
0x46: {  	_ =	shalt  }
0x47: {  	_ =	shalt  }
0x48: {  	_ =	shalt  }
0x49: {  	_ =	shalt  }
0x4a: {  	_ =	shalt  }
0x4b: {  	_ =	shalt  }
0x4c: {  	_ =	shalt  }
0x4d: {  	_ =	shalt  }
0x4e: {  	_ =	shalt  }
0x4f: {  	_ =	shalt  }
0x50: {  	_ =	shalt  }
0x51: {  	_ =	shalt  }
0x52: {  	_ =	shalt  }
0x53: {  	_ =	shalt  }
0x54: {  	_ =	shalt  }
0x55: {  	_ =	shalt  }
0x56: {  	_ =	shalt  }
0x57: {  	_ =	shalt  }
0x58: {  	_ =	shalt  }
0x59: {  	_ =	shalt  }
0x5a: {  	_ =	shalt  }
0x5b: {  	_ =	shalt  }
0x5c: {  	_ =	shalt  }
0x5d: {  	_ =	shalt  }
0x5e: {  	_ =	shalt  }
0x5f: {  	_ =	shalt  }
0x60: {  	_ =	shalt  }
0x61: {  	_ =	shalt  }
0x62: {  	_ =	shalt  }
0x63: {  	_ =	shalt  }
0x64: {  	_ =	shalt  }
0x65: {  	_ =	shalt  }
0x66: {  	_ =	shalt  }
0x67: {  	_ =	shalt  }
0x68: {  	_ =	shalt  }
0x69: {  	_ =	shalt  }
0x6a: {  	_ =	shalt  }
0x6b: {  	_ =	shalt  }
0x6c: {  	_ =	shalt  }
0x6d: {  	_ =	shalt  }
0x6e: {  	_ =	shalt  }
0x6f: {  	_ =	shalt  }
0x70: {  	_ =	shalt  }
0x71: {  	_ =	shalt  }
0x72: {  	_ =	shalt  }
0x73: {  	_ =	shalt  }
0x74: {  	_ =	shalt  }
0x75: {  	_ =	shalt  }
0x76: {  	_ =	shalt  }
0x77: {  	_ =	shalt  }
0x78: {  	_ =	shalt  }
0x79: {  	_ =	shalt  }
0x7a: {  	_ =	shalt  }
0x7b: {  	_ =	shalt  }
0x7c: {  	_ =	shalt  }
0x7d: {  	_ =	shalt  }
0x7e: {  	_ =	shalt  }
0x7f: {  	_ =	shalt  }
0x80: {  	_ =	shalt  }
0x81: {  	_ =	shalt  }
0x82: {  	_ =	shalt  }
0x83: {  	_ =	shalt  }
0x84: {  	_ =	shalt  }
0x85: {  	_ =	shalt  }
0x86: {  	_ =	shalt  }
0x87: {  	_ =	shalt  }
.Lfunc_end0:
.L_simem_size_0:
called_computation.3_lowered:
.L_overlay_start_0:
0x88: {  	s2 =	sld [smem:$0x3FD9]  }
0x89: {  	s3 =	sld [smem:$0x3FFE];
	_ =	sdelay $0x1  }
0x8a: {  	s1 =	srdreg.scid  }
0x8b: {  	s0 =	sand.u32 $0x1, s1  }
0x8c: {  	s16 =	sshll.u32 s0, $0xA;
	s2 =	sadd.s32 s3, s2  }
0x8d: {  	s2 =	sadd.s32 s2, s16  }
0x8e: {  	[smem:$0x3FBC] =	sst s2  }
0x8f: {  	_ = 	snop  }
0x90: {  	(tm) =	ssettm $0x1  }
0x91: {  	s17 =	sld [smem:$0x3FFB];
	_ =	sdelay $0x3  }
0x92: {  	_ =	strace s17  }
0x93: {  	s2 =	sld [smem:$0x3FFC];
	_ =	sdelay $0x3  }
0x94: {  	_ =	strace s2  }
0x95: {  	s2 =	sld [smem:$0x3FFD];
	_ =	sdelay $0x3  }
0x96: {  	_ =	strace s2  }
0x97: {  	_ =	strace $0x8FFFFFFF  }
0x98: {  	s18 =	sld [smem:$0x3FDB];
	_ =	sdelay $0x1  }
0x99: {  	s19 =	simm.s32 $_scs_section_size  }
0x9a: {  	s4 =	simm.s32 $_size__tile_overlayer_lowered;
	s5 =	simm.s32 $_tile_overlayer_lowered  }
0x9b: {  	s22 =	simm.s32 $0x1BFF;
	s21 =	sshll.u32 s5, $0x1;
	s2 =	sadd.s32 s19, s18  }
0x9c: {  	s6 =	simm.s32 $0x0;
	s20 =	sshll.u32 s4, $0x1;
	s4 =	sadd.s32 s21, s2  }
0x9d: {  	[timem:s6], [sflag:s22] =	dma.local [hbm:s4], s20  }
0x9e: {  	_ =	swait.ge [sflag:s22], s20  }
0x9f: {  	s3 =	ssub.s32 $0x0, s20;
	[sflag:s22] =	ssyncset.done $0x0  }
0xa0: {  	[sflag:s22] =	ssyncadd.s32 s3;
	_ =	sdelay $0x1  }
0xa1: {  	s23 =	simm.s32 $0x1B8B  }
0xa2: {  	_ =	swait.ge [sflag:s23], $0x1  }
0xa3: {  	[sflag:s23] =	ssyncset.done $0x0  }
0xa4: {  	s25 =	simm.s32 $0x1B8E;
	s24 =	sld [smem:$0x3FFE];
	[sflag:s23] =	ssyncadd.s32 $0xFFFFFFFF  }
0xa5: {  	s26 =	simm.s32 $execute0_lowered;
	[smem:$0x3FD2] =	sst s25  }
0xa6: {  	s4 =	sshll.u32 s26, $0x1;
	_ =	strace $0x8000004F;
	[dreg:$0x1] =	wrdreg $0xFFFFFFFF  }
0xa7: {  	s28 =	simm.s32 $_size_execute0_lowered;
	s2 =	sadd.s32 s2, s4;
	[dreg:$0x0] =	wrdreg $0x0  }
0xa8: {  	s4 =	sshll.u32 s28, $0x1;
	[dreg:$0x2] =	wrdreg s2  }
0xa9: {  	[dreg:$0x3] =	wrdreg s4  }
0xaa: {  	[dreg:$0x4] =	wrdreg $0xC0  }
0xab: {  	_ =	task [dreg:s6], $0x5FFFF  }
0xac: {  	[dreg:$0x1] =	wrdreg $0xFFFFFFFF  }
0xad: {  	[dreg:$0x0] =	wrdreg $0x60  }
0xae: {  	[dreg:$0x2] =	wrdreg s24  }
0xaf: {  	[dreg:$0x3] =	wrdreg $0x187200  }
0xb0: {  	[dreg:$0x4] =	wrdreg $0x9  }
0xb1: {  	_ =	task.clear_ibuf [dreg:s6], $0x5FFFF;
	_ =	strace $0x9000004F  }
0xb2: {  	s29 =	simm.s32 $0x9;
	_ =	strace $0x80000051  }
0xb3: {  	_ =	swait.ge [sflag:s29], $0x1  }
0xb4: {  	[sflag:s29] =	ssyncadd.s32 $0xFFFFFFFF  }
0xb5: {  	_ =	strace $0x90000051  }
0xb6: {  	_ =	sfence  }
0xb7: {  	s30 =	sld [smem:$0x0];
	_ =	sdelay $0x2  }
0xb8: {  	s31 =	sshll.u32 s1, $0xD;
	s1 =	sshrl.u32 s1, $0x2  }
0xb9: {  	s3 =	sand.u32 $0x4000, s31;
	s1 =	sadd.s32 s1, s30  }
0xba: {  	s0 =	sor.u32 s3, s0;
	s1 =	sshll.u32 s1, $0x11  }
0xbb: {  	s0 =	sor.u32 s1, s0  }
0xbc: {  	s0 =	sadd.s32 $0x8F2B, s0  }
0xbd: {  	[sflag:s0] =	ssyncadd.remote.s32 $0x1  }
0xbe: {  	_ =	sfence.sel $0xFFFF  }
0xbf: {  	[dreg:$0x0] =	wrdreg $0xFFFFFFFF;
	(pc) =	sbr.abs _section_cstart, $3  }
0xc0: {  	[dreg:$0x1] =	wrdreg $0xFFFFFFFF  }
0xc1: {  	_ =	task.clear_ibuf [dreg:s6], $0x2FFFF;
	_ =	strace $0x9FFFFFFF  }
0xc2: {  	(tm) =	ssettm $0x7FFFFFFF  }
0xc3: {  	_ =	shalt  }
tec
execute0_lowered:
.L_overlay_start_1:
0x0: {  	(tag) =	ssettag $0x1  }
0x1: {  	s1 =	srdreg.scid;
	s0 =	stileid.u32  }
0x2: {  	s24 =	sand.u32 $0x1, s1;
	s30 =	sshll.u32 s0, $0x1  }
0x3: {  	s23 =	rddreg [dreg:$0x0];
	s4 =	sor.u32 s24, s30  }
0x4: {  	s2 =	rddreg [dreg:$0x1];
	s4 =	smul.u32 $0x4E2, s4  }
0x5: {  	s3 =	simm.s32 $0x0;
	s1 =	rddreg [dreg:$0x2]  }
0x6: {  	[smem:$0x7FF] =	sst s3;
	s25 =	smul.u32 $0x2780, s0;
	s7 =	sadd.s32 s4, s23  }
0x7: {  	_ =	strace $0x80000050;
	s4 =	simm.s32 $0x3;
	s5 =	sadd.s32 $0xC400, s7  }
0x8: {  	[tilespmem:s3], [sflag:$0x3] =	stream.linear.gather [hbm4b:s5+s3], $0x2710, $0x38;
	[tilespmem:$0x1AEA0] =	vst v63  }
0x9: {  	s10 =	simm.s32 $0x9C0;
	s8 =	sshrl.u32 s25, $0x3;
	_ =	swait.ge [sflag:s4], $0x2710  }
0xa: {  	s11 =	simm.s32 $0x4E20;
	s9 =	sadd.s32 s8, s23;
	[sflag:s4] =	ssyncset.done $0x0  }
0xb: {  	s8 =	simm.s32 $0x2710;
	s7 =	sadd.s32 $0x2600, s7;
	[sflag:s4] =	ssyncadd.s32 $0xFFFFD8F0  }
0xc: {  	[tilespmem:s8], [sflag:$0x3] =	stream.linear.gather [hbm4b:s7+s3], $0x2710, $0x38;
	[tilespmem:$0x1AEA0] =	vst v63  }
0xd: {  	s6 =	sadd.s32 $0x1B200, s23;
	s12 =	sshll.u32 s0, $0x6;
	_ =	swait.ge [sflag:s4], $0x2710  }
0xe: {  	s12 =	sor.u32 $0x1C03, s12;
	s13 =	sadd.s32 s25, s2;
	[sflag:s4] =	ssyncset.done $0x0  }
0xf: {  	s13 =	sshrl.u32 s13, $0x3;
	s9 =	sadd.s32 $0x16200, s9;
	[sflag:s4] =	ssyncadd.s32 $0xFFFFD8F0  }
0x10: {  	[tilespmem:s11], [sflag:$0x1] =	stream.indirect.gather [hbm4b:s6+s10], $0x10, s3, s10, $0xb8;
	[tilespmem:$0x1AEA0] =	vst v63  }
0x11: {  	[spmem:s13], [sflag:s12] =	dma.local [hbm:s9], $0x4F0  }
0x12: {  	_ =	swait.ge [sflag:s4], $0x4F0  }
0x13: {  	[sflag:s4] =	ssyncset.done $0x0  }
0x14: {  	[sflag:s4] =	ssyncadd.s32 $0xFFFFFB10  }
0x15: {  	s14 =	simm.s32 $0x1;
	[bflag:$0x0] =	sbarrier.arrive $0xFFFF  }
0x16: {  	_ =	swait.ge [sflag:s14], $0x9C00  }
0x17: {  	[sflag:s14] =	ssyncset.done $0x0  }
0x18: {  	[sflag:s14] =	ssyncadd.s32 $0xFFFF6400  }
0x19: {  	[spmem:s2] =	stream.indirect.scatter.add.f32 [tilespmem:s11], [sflag:$0x2], $0x10, s8, s10, $0xb8;
	[tilespmem:$0x1AEA0] =	vst v63  }
0x1a: {  	s15 =	simm.s32 $0x9C8;
	s16 =	simm.s32 $0xEAA0  }
0x1b: {  	[tilespmem:s16], [sflag:$0x1] =	stream.indirect.gather [hbm4b:s6+s15], $0x10, s10, s15, $0xb8;
	[tilespmem:$0x1AEA0] =	vst v63  }
0x1c: {  	_ =	swait.ge [sflag:s14], $0x9C80  }
0x1d: {  	[sflag:s14] =	ssyncset.done $0x0  }
0x1e: {  	s17 =	simm.s32 $0x30D0;
	s18 =	simm.s32 $0x2;
	[sflag:s14] =	ssyncadd.s32 $0xFFFF6380  }
0x1f: {  	[spmem:s2] =	stream.indirect.scatter.add.f32 [tilespmem:s16], [sflag:$0x2], $0x10, s17, s15, $0xb8;
	[tilespmem:$0x1AEA0] =	vst v63  }
0x20: {  	_ =	swait.ge [sflag:s18], $0x9C00  }
0x21: {  	[sflag:s18] =	ssyncset.done $0x0  }
0x22: {  	s19 =	simm.s32 $0x1388;
	[sflag:s18] =	ssyncadd.s32 $0xFFFF6400  }
0x23: {  	[tilespmem:s11], [sflag:$0x1] =	stream.indirect.gather [hbm4b:s6+s10], $0x10, s19, s10, $0xb8;
	[tilespmem:$0x1AEA0] =	vst v63  }
0x24: {  	_ =	swait.ge [sflag:s14], $0x9C00  }
0x25: {  	[sflag:s14] =	ssyncset.done $0x0  }
0x26: {  	s20 =	simm.s32 $0x3A98;
	[sflag:s14] =	ssyncadd.s32 $0xFFFF6400  }
0x27: {  	[spmem:s2] =	stream.indirect.scatter.add.f32 [tilespmem:s11], [sflag:$0x2], $0x10, s20, s10, $0xb8;
	[tilespmem:$0x1AEA0] =	vst v63  }
0x28: {  	_ =	swait.ge [sflag:s18], $0x9C80  }
0x29: {  	[sflag:s18] =	ssyncset.done $0x0  }
0x2a: {  	s21 =	simm.s32 $0x1D48;
	[sflag:s18] =	ssyncadd.s32 $0xFFFF6380  }
0x2b: {  	[tilespmem:s16], [sflag:$0x1] =	stream.indirect.gather [hbm4b:s6+s15], $0x10, s21, s15, $0xb8;
	[tilespmem:$0x1AEA0] =	vst v63  }
0x2c: {  	_ =	swait.ge [sflag:s14], $0x9C80  }
0x2d: {  	[sflag:s14] =	ssyncset.done $0x0  }
0x2e: {  	s22 =	simm.s32 $0x4458;
	[sflag:s14] =	ssyncadd.s32 $0xFFFF6380  }
0x2f: {  	[spmem:s2] =	stream.indirect.scatter.add.f32 [tilespmem:s16], [sflag:$0x2], $0x10, s22, s15, $0xb8;
	[tilespmem:$0x1AEA0] =	vst v63  }
0x30: {  	s26 =	smul.u32 $0x27800, s24;
	s24 =	ssub.s32 $0x2, s24;
	_ =	swait.ge [sflag:s18], $0x9C00  }
0x31: {  	s31 =	sshrl.u32 s24, $0x1;
	[sflag:s18] =	ssyncset.done $0x0  }
0x32: {  	s24 =	ssub.s32 s24, s31;
	[sflag:s18] =	ssyncadd.s32 $0xFFFF6400  }
0x33: {  	s25 =	sadd.s32 s25, s26;
	s24 =	smax.u32 s24, $0x1;
	_ =	swait.ge [sflag:s18], $0x9C80  }
0x34: {  	s25 =	sshrl.u32 s25, $0x3;
	p0 =	sne.s32 s24, $0x1;
	[sflag:s18] =	ssyncset.done $0x0  }
.Ltmp0:
0x35: {  	s23 =	sadd.s32 s25, s23;
	[sflag:s18] =	ssyncadd.s32 $0xFFFF6380;
	(pc) =	sbr.rel @!p0 .LBB2_2-.Ltmp0, $4  }
0x36: {  	s23 =	sadd.s32 $0x20200, s23;
	[bflag:$0x0] =	sbarrier.arrive $0xFFFF  }
0x37: {  	[hbm:s23], [sflag:s12] =	dma.local [spmem:s13], $0x4F0  }
0x38: {  	_ =	swait.ge [sflag:s4], $0x4F0  }
0x39: {  	s24 =	sadd.s32 $0xFFFFFFFF, s24;
	[sflag:s4] =	ssyncset.done $0x0  }
.LBB2_1:
0x3a: {  	p0 =	sne.s32 s24, $0x1;
	s24 =	sadd.s32 $0xFFFFFFFF, s24;
	[sflag:s4] =	ssyncadd.s32 $0xFFFFFB10  }
0x3b: {  	[tilespmem:s3], [sflag:$0x3] =	stream.linear.gather [hbm4b:s5+s3], $0x2710, $0x38;
	[tilespmem:$0x1AEA0] =	vst v63  }
0x3c: {  	_ =	swait.ge [sflag:s4], $0x2710  }
0x3d: {  	[sflag:s4] =	ssyncset.done $0x0  }
0x3e: {  	[sflag:s4] =	ssyncadd.s32 $0xFFFFD8F0  }
0x3f: {  	[tilespmem:s8], [sflag:$0x3] =	stream.linear.gather [hbm4b:s7+s3], $0x2710, $0x38;
	[tilespmem:$0x1AEA0] =	vst v63  }
0x40: {  	_ =	swait.ge [sflag:s4], $0x2710  }
0x41: {  	[sflag:s4] =	ssyncset.done $0x0  }
0x42: {  	[sflag:s4] =	ssyncadd.s32 $0xFFFFD8F0  }
0x43: {  	[tilespmem:s11], [sflag:$0x1] =	stream.indirect.gather [hbm4b:s6+s10], $0x10, s3, s10, $0xb8;
	[tilespmem:$0x1AEA0] =	vst v63  }
0x44: {  	[spmem:s13], [sflag:s12] =	dma.local [hbm:s9], $0x4F0  }
0x45: {  	_ =	swait.ge [sflag:s4], $0x4F0  }
0x46: {  	[sflag:s4] =	ssyncset.done $0x0  }
0x47: {  	[sflag:s4] =	ssyncadd.s32 $0xFFFFFB10  }
0x48: {  	[bflag:$0x0] =	sbarrier.arrive $0xFFFF  }
0x49: {  	_ =	swait.ge [sflag:s14], $0x9C00  }
0x4a: {  	[sflag:s14] =	ssyncset.done $0x0  }
0x4b: {  	[sflag:s14] =	ssyncadd.s32 $0xFFFF6400  }
0x4c: {  	[spmem:s2] =	stream.indirect.scatter.add.f32 [tilespmem:s11], [sflag:$0x2], $0x10, s8, s10, $0xb8;
	[tilespmem:$0x1AEA0] =	vst v63  }
0x4d: {  	_ = 	snop  }
0x4e: {  	[tilespmem:s16], [sflag:$0x1] =	stream.indirect.gather [hbm4b:s6+s15], $0x10, s10, s15, $0xb8;
	[tilespmem:$0x1AEA0] =	vst v63  }
0x4f: {  	_ =	swait.ge [sflag:s14], $0x9C80  }
0x50: {  	[sflag:s14] =	ssyncset.done $0x0  }
0x51: {  	[sflag:s14] =	ssyncadd.s32 $0xFFFF6380  }
0x52: {  	[spmem:s2] =	stream.indirect.scatter.add.f32 [tilespmem:s16], [sflag:$0x2], $0x10, s17, s15, $0xb8;
	[tilespmem:$0x1AEA0] =	vst v63  }
0x53: {  	_ =	swait.ge [sflag:s18], $0x9C00  }
0x54: {  	[sflag:s18] =	ssyncset.done $0x0  }
0x55: {  	[sflag:s18] =	ssyncadd.s32 $0xFFFF6400  }
0x56: {  	[tilespmem:s11], [sflag:$0x1] =	stream.indirect.gather [hbm4b:s6+s10], $0x10, s19, s10, $0xb8;
	[tilespmem:$0x1AEA0] =	vst v63  }
0x57: {  	_ =	swait.ge [sflag:s14], $0x9C00  }
0x58: {  	[sflag:s14] =	ssyncset.done $0x0  }
0x59: {  	[sflag:s14] =	ssyncadd.s32 $0xFFFF6400  }
0x5a: {  	[spmem:s2] =	stream.indirect.scatter.add.f32 [tilespmem:s11], [sflag:$0x2], $0x10, s20, s10, $0xb8;
	[tilespmem:$0x1AEA0] =	vst v63  }
0x5b: {  	_ =	swait.ge [sflag:s18], $0x9C80  }
0x5c: {  	[sflag:s18] =	ssyncset.done $0x0  }
0x5d: {  	[sflag:s18] =	ssyncadd.s32 $0xFFFF6380  }
0x5e: {  	[tilespmem:s16], [sflag:$0x1] =	stream.indirect.gather [hbm4b:s6+s15], $0x10, s21, s15, $0xb8;
	[tilespmem:$0x1AEA0] =	vst v63  }
0x5f: {  	_ =	swait.ge [sflag:s14], $0x9C80  }
0x60: {  	[sflag:s14] =	ssyncset.done $0x0  }
0x61: {  	[sflag:s14] =	ssyncadd.s32 $0xFFFF6380  }
0x62: {  	[spmem:s2] =	stream.indirect.scatter.add.f32 [tilespmem:s16], [sflag:$0x2], $0x10, s22, s15, $0xb8;
	[tilespmem:$0x1AEA0] =	vst v63  }
0x63: {  	_ =	swait.ge [sflag:s18], $0x9C00  }
0x64: {  	[sflag:s18] =	ssyncset.done $0x0  }
0x65: {  	[sflag:s18] =	ssyncadd.s32 $0xFFFF6400  }
0x66: {  	_ =	swait.ge [sflag:s18], $0x9C80  }
0x67: {  	[sflag:s18] =	ssyncset.done $0x0  }
.Ltmp1:
0x68: {  	[sflag:s18] =	ssyncadd.s32 $0xFFFF6380;
	(pc) =	sbr.rel @p0 .LBB2_1-.Ltmp1, $4  }
0x69: {  	[bflag:$0x0] =	sbarrier.arrive $0xFFFF  }
0x6a: {  	[hbm:s23], [sflag:s12] =	dma.local [spmem:s13], $0x4F0  }
0x6b: {  	_ =	swait.ge [sflag:s4], $0x4F0  }
0x6c: {  	[sflag:s4] =	ssyncset.done $0x0  }
.LBB2_2:
0x6d: {  	[sflag:s4] =	ssyncadd.s32 $0xFFFFFB10  }
0x6e: {  	_ =	sfence.sel $0x180000  }
0x6f: {  	[bflag:$0x0] =	sbarrier.arrive $0xFFFF  }
0x70: {  	p0 =	sne.s32 s0, $0x0;
	_ =	strace $0x90000050  }
0x71: {  	s0 =	sadd.s32 @!p0 $0x100000, s1;
	[bflag:$0x2] =	sbarrier.arrive $0xFFFF  }
0x72: {  	[sflag:s0] =	ssyncadd.tile.s32 @!p0 $0x1;
	_ =	shalt  }
.Lfunc_end2:
_tile_overlayer_lowered:
.L_overlay_start_2:
0x73: {  	(tag) =	ssettag $0x2  }
0x74: {  	s0 =	rddreg [dreg:$0x0];
	s2 =	stileid.u32  }
0x75: {  	s1 =	rddreg [dreg:$0x1];
	p0 =	sne.s32 s2, $0x0  }
0x76: {  	s3 =	rddreg [dreg:$0x2];
	[bflag:$0x3] =	sbarrier.arrive $0xFFFF;
	s2 =	simm.s32 @!p0 $0x1C03  }
0x77: {  	[timem:s3], [sflag:s2] =	dma.local @!p0 [hbm:s0], s1  }
0x78: {  	s0 =	simm.s32 @!p0 $0x3  }
0x79: {  	_ =	swait.ge @!p0 [sflag:s0], s1  }
0x7a: {  	s1 =	ssub.s32 @!p0 $0x0, s1;
	[sflag:s0] =	ssyncset.done @!p0 $0x0  }
0x7b: {  	[sflag:s0] =	ssyncadd.s32 @!p0 s1  }
0x7c: {  	[bflag:$0x3] =	sbarrier.arrive $0xFFFF  }
0x7d: {  	_ =	shalt  }

</sc_bundles>
